<compile_context>
chip_gen: v7x
topology: tpu7x:2x2x1
jax: 0.10.2.dev20260603
libtpu: 0.0.44.dev20260713+nightly
codegen_flags: <defaults>
</compile_context>

<pallas_src>
import dataclasses

import jax
import jax.numpy as jnp
from jax import lax
from jax.experimental import pallas as pl
from jax.experimental.pallas import tpu as pltpu
from jax.experimental.pallas import tpu_sc as plsc

N = 100000
E = 3200000
D = 128
DE = 16
G = 8
H = 256
IN_DIM = D + 3 * DE + 16

_NTILES = 32
_EPT = E // _NTILES
_CH = 1000
_NPAD = 100096
_NPT = _NPAD // 16
_ZCH = 368
_CH3 = 800
_NPT32 = _NPAD // 32
_WIN = 1000
_EPAD = E + _WIN + 8

_SC_PARAMS = pltpu.CompilerParams(use_tc_tiling_on_sc=False)
_SC_PARAMS_NL = (
    dataclasses.replace(_SC_PARAMS, needs_layout_passes=False)
    if "needs_layout_passes" in pltpu.CompilerParams.__dataclass_fields__
    else _SC_PARAMS)


def _lane_take(x, idx):
    dnums = lax.GatherDimensionNumbers(
        offset_dims=(), collapsed_slice_dims=(0,), start_index_map=(0,))
    return lax.gather(x, idx[:, None], dnums, (1,),
                      mode=lax.GatherScatterMode.PROMISE_IN_BOUNDS)


def _vec_ranks(cv):
    lane = lax.iota(jnp.int32, 16)
    sk, sv = plsc.sort_key_val(cv, lane)
    prev = _lane_take(sk, jnp.maximum(lane - 1, 0))
    bnd = jnp.logical_or(lane == 0, sk != prev)
    start = plsc.cummax(jnp.where(bnd, lane, 0))
    rank = lane - start
    nxt = _lane_take(sk, jnp.minimum(lane + 1, 15))
    last = jnp.logical_or(lane == 15, sk != nxt)
    return sk, sv, rank, last


def _hist_chunk(col_v, hist_v):
    @pl.loop(0, _CH3, step=16)
    def _(v):
        cv = col_v[pl.ds(v, 16)]
        sk, _sv, rank, last = _vec_ranks(cv)
        plsc.addupdate_scatter(hist_v, [sk], rank + 1, mask=last)


def _sc_hist_body(col_hbm, zi_hbm, hist_hbm, hist_v, col_v0, col_v1,
                  sem0, sem1):
    wid = lax.axis_index("s") * 2 + lax.axis_index("c")
    @pl.loop(0, _NPAD, step=_NPT)
    def _(r):
        pltpu.sync_copy(zi_hbm, hist_v.at[pl.ds(r, _NPT)])
    base_e = wid * _EPT

    def issue(c, buf, sem):
        pltpu.async_copy(col_hbm.at[pl.ds(base_e + c * _CH3, _CH3)], buf, sem)

    def wait(buf, sem):
        pltpu.make_async_copy(col_hbm.at[pl.ds(base_e, _CH3)], buf, sem).wait()

    issue(0, col_v0, sem0)
    @pl.loop(0, _EPT // _CH3 - 1, step=2)
    def _(c):
        issue(c + 1, col_v1, sem1)
        wait(col_v0, sem0)
        _hist_chunk(col_v0, hist_v)
        issue(c + 2, col_v0, sem0)
        wait(col_v1, sem1)
        _hist_chunk(col_v1, hist_v)
    wait(col_v0, sem0)
    _hist_chunk(col_v0, hist_v)
    pltpu.sync_copy(hist_v, hist_hbm.at[wid])


def _sc_hist(col):
    mesh = plsc.VectorSubcoreMesh(core_axis_name="c", subcore_axis_name="s")
    run = pl.kernel(
        _sc_hist_body,
        mesh=mesh,
        compiler_params=_SC_PARAMS_NL,
        out_type=jax.ShapeDtypeStruct((_NTILES, _NPAD), jnp.int32),
        scratch_types=[
            pltpu.VMEM((_NPAD,), jnp.int32),
            pltpu.VMEM((_CH3,), jnp.int32),
            pltpu.VMEM((_CH3,), jnp.int32),
            pltpu.SemaphoreType.DMA,
            pltpu.SemaphoreType.DMA,
        ],
    )
    return run(col, jnp.zeros((_NPT,), jnp.int32))


_BC = 4352


def _offsets_body(h_ref, bases_ref, csr_ref, cnt_ref, carry_ref):
    @pl.when(pl.program_id(0) == 0)
    def _():
        carry_ref[0, 0] = 0
    h = h_ref[...]
    tot = jnp.sum(h, axis=0, keepdims=True)
    s = tot
    sh = 1
    while sh < _BC:
        s = s + jnp.concatenate(
            [jnp.zeros((1, sh), jnp.int32), s[:, :-sh]], axis=1)
        sh *= 2
    ex_n = s - tot + carry_ref[0, 0]
    run = jnp.zeros((1, _BC), jnp.int32)
    rows = []
    for t in range(_NTILES):
        rows.append(run)
        run = run + h[t:t + 1]
    ex_t = jnp.concatenate(rows, axis=0)
    bases_ref[...] = ex_t + ex_n
    csr_ref[...] = ex_n
    cnt_ref[...] = tot
    carry_ref[0, 0] = carry_ref[0, 0] + jnp.sum(h)


def _tc_offsets(hist):
    return pl.pallas_call(
        _offsets_body,
        grid=(_NPAD // _BC,),
        in_specs=[pl.BlockSpec((_NTILES, _BC), lambda j: (0, j))],
        out_specs=[pl.BlockSpec((_NTILES, _BC), lambda j: (0, j)),
                   pl.BlockSpec((1, _BC), lambda j: (0, j)),
                   pl.BlockSpec((1, _BC), lambda j: (0, j))],
        out_shape=(jax.ShapeDtypeStruct((_NTILES, _NPAD), jnp.int32),
                   jax.ShapeDtypeStruct((1, _NPAD), jnp.int32),
                   jax.ShapeDtypeStruct((1, _NPAD), jnp.int32)),
        scratch_shapes=[pltpu.SMEM((1, 1), jnp.int32)],
    )(hist)


def _place_chunk(col_v, attr_v, slots_v, tmp_v, next_v, rows_hbm):
    @pl.loop(0, _CH3, step=16)
    def _(v):
        cv = col_v[pl.ds(v, 16)]
        sk, sv, rank, last = _vec_ranks(cv)
        base = plsc.load_gather(next_v, [sk])
        slot = base + rank
        plsc.store_scatter(next_v, [sk], slot + 1, mask=last)
        plsc.store_scatter(tmp_v, [sv], slot)
        slots_v[pl.ds(v, 16)] = tmp_v[...]
    pltpu.sync_copy(attr_v, rows_hbm.at[slots_v])


def _sc_place_body(col_hbm, attr_hbm, bases_hbm, rows_hbm,
                   next_v, col_v0, attr_v0, slots_v0, col_v1, attr_v1,
                   slots_v1, tmp_v, semc0, sema0, semc1, sema1):
    wid = lax.axis_index("s") * 2 + lax.axis_index("c")
    pltpu.sync_copy(bases_hbm.at[wid], next_v)
    base_e = wid * _EPT

    def issue(c, colv, attrv, semc, sema):
        e0 = base_e + c * _CH3
        pltpu.async_copy(col_hbm.at[pl.ds(e0, _CH3)], colv, semc)
        pltpu.async_copy(attr_hbm.at[pl.ds(e0, _CH3)], attrv, sema)

    def wait(colv, attrv, semc, sema):
        pltpu.make_async_copy(col_hbm.at[pl.ds(base_e, _CH3)], colv,
                              semc).wait()
        pltpu.make_async_copy(attr_hbm.at[pl.ds(base_e, _CH3)], attrv,
                              sema).wait()

    issue(0, col_v0, attr_v0, semc0, sema0)
    @pl.loop(0, _EPT // _CH3 - 1, step=2)
    def _(c):
        issue(c + 1, col_v1, attr_v1, semc1, sema1)
        wait(col_v0, attr_v0, semc0, sema0)
        _place_chunk(col_v0, attr_v0, slots_v0, tmp_v, next_v, rows_hbm)
        issue(c + 2, col_v0, attr_v0, semc0, sema0)
        wait(col_v1, attr_v1, semc1, sema1)
        _place_chunk(col_v1, attr_v1, slots_v1, tmp_v, next_v, rows_hbm)
    wait(col_v0, attr_v0, semc0, sema0)
    _place_chunk(col_v0, attr_v0, slots_v0, tmp_v, next_v, rows_hbm)


def _sc_place(col, attr, bases):
    mesh = plsc.VectorSubcoreMesh(core_axis_name="c", subcore_axis_name="s")
    run = pl.kernel(
        _sc_place_body,
        mesh=mesh,
        compiler_params=_SC_PARAMS_NL,
        out_type=jax.ShapeDtypeStruct((_EPAD, DE), jnp.float32),
        scratch_types=[
            pltpu.VMEM((_NPAD,), jnp.int32),
            pltpu.VMEM((_CH3,), jnp.int32),
            pltpu.VMEM((_CH3, DE), jnp.float32),
            pltpu.VMEM((_CH3,), jnp.int32),
            pltpu.VMEM((_CH3,), jnp.int32),
            pltpu.VMEM((_CH3, DE), jnp.float32),
            pltpu.VMEM((_CH3,), jnp.int32),
            pltpu.VMEM((16,), jnp.int32),
            pltpu.SemaphoreType.DMA,
            pltpu.SemaphoreType.DMA,
            pltpu.SemaphoreType.DMA,
            pltpu.SemaphoreType.DMA,
        ],
    )
    return run(col, attr, bases)


_NG = 196


def _sc_reduce_body(rows_hbm, csr_hbm, cnt_hbm, omax_hbm, osum_hbm, ocnf_hbm,
                    rows_v, stage_m, stage_s, cntc_v, cntf_v, seg_v):
    wid = lax.axis_index("s") * 2 + lax.axis_index("c")
    n0 = wid * _NPT32
    lane = lax.iota(jnp.int32, 16)
    cntc_v[pl.ds(_NPT32 - 8, 16)] = jnp.zeros((16,), jnp.int32)
    pltpu.sync_copy(cnt_hbm.at[0].at[pl.ds(n0, _NPT32)],
                    cntc_v.at[pl.ds(0, _NPT32)])
    pltpu.sync_copy(csr_hbm.at[0].at[pl.ds(n0, 16)], seg_v)
    seg0 = jnp.sum(jnp.where(lane == 0, seg_v[...], 0))
    base_al = seg0 // 8 * 8
    pltpu.sync_copy(rows_hbm.at[pl.ds(base_al, _WIN)], rows_v)
    p0 = seg0 - base_al
    neg = jnp.full((16,), -jnp.inf, jnp.float32)
    zro = jnp.full((16,), 0.0, jnp.float32)

    def group_body(g, carry):
        p, wcur = carry
        cvec = cntc_v[pl.ds(g * 16, 16)]
        cntf_v[pl.ds(g * 16, 16)] = cvec.astype(jnp.float32)

        def node_body(i, nc):
            p, wcur = nc
            k = jnp.sum(jnp.where(lane == i, cvec, 0))
            acc0m = jnp.where(k > 0, neg, zro)

            def run_cond(st):
                krem, _p, _w, _am, _as_ = st
                return krem > 0

            def run_body(st):
                krem, p, wcur, accm, accs = st
                refill = p == _WIN
                wcur = jnp.where(refill, wcur + _WIN, wcur)
                @pl.when(refill)
                def _():
                    pltpu.sync_copy(rows_hbm.at[pl.ds(wcur, _WIN)], rows_v)
                p = jnp.where(refill, 0, p)
                r = jnp.minimum(krem, _WIN - p)

                def pair_body(_j, ec):
                    pe, am, asum = ec
                    r0 = rows_v[pe]
                    r1 = rows_v[pe + 1]
                    return (pe + 2, jnp.maximum(am, jnp.maximum(r0, r1)),
                            asum + r0 + r1)

                def one_body(_j, ec):
                    pe, am, asum = ec
                    r0 = rows_v[pe]
                    return (pe + 1, jnp.maximum(am, r0), asum + r0)

                p, accm, accs = lax.fori_loop(0, r // 2, pair_body,
                                              (p, accm, accs))
                p, accm, accs = lax.fori_loop(0, r % 2, one_body,
                                              (p, accm, accs))
                return (krem - r, p, wcur, accm, accs)

            _k, p, wcur, accm, accs = lax.while_loop(
                run_cond, run_body, (k, p, wcur, acc0m, zro))
            stage_m[g * 16 + i] = accm
            stage_s[g * 16 + i] = accs
            return (p, wcur)

        return lax.fori_loop(0, 16, node_body, (p, wcur))

    lax.fori_loop(0, _NG, group_body, (p0, base_al))
    pltpu.sync_copy(stage_m.at[pl.ds(0, _NPT32)],
                    omax_hbm.at[pl.ds(n0, _NPT32)])
    pltpu.sync_copy(stage_s.at[pl.ds(0, _NPT32)],
                    osum_hbm.at[pl.ds(n0, _NPT32)])
    pltpu.sync_copy(cntf_v.at[pl.ds(0, _NPT32)],
                    ocnf_hbm.at[pl.ds(n0, _NPT32)])


def _sc_reduce(rows, csr, cnt):
    mesh = plsc.VectorSubcoreMesh(core_axis_name="c", subcore_axis_name="s")
    run = pl.kernel(
        _sc_reduce_body,
        mesh=mesh,
        compiler_params=_SC_PARAMS_NL,
        out_type=(jax.ShapeDtypeStruct((_NPAD, DE), jnp.float32),
                  jax.ShapeDtypeStruct((_NPAD, DE), jnp.float32),
                  jax.ShapeDtypeStruct((_NPAD,), jnp.float32)),
        scratch_types=[
            pltpu.VMEM((_WIN, DE), jnp.float32),
            pltpu.VMEM((_NG * 16, DE), jnp.float32),
            pltpu.VMEM((_NG * 16, DE), jnp.float32),
            pltpu.VMEM((_NG * 16,), jnp.int32),
            pltpu.VMEM((_NG * 16,), jnp.float32),
            pltpu.VMEM((16,), jnp.int32),
        ],
    )
    return run(rows, csr, cnt)


_BLK = 2000


def _mlp_body(x_ref, s_ref, c_ref, m_ref, b_ref, u_ref, w1_ref, b1_ref,
              w2_ref, b2_ref, o_ref):
    x = x_ref[...]
    s = s_ref[...]
    c = c_ref[...]
    m = jnp.where(c > 0, m_ref[...], 0.0)
    mn = s / jnp.maximum(c, 1.0)
    oh = (b_ref[...] == jax.lax.broadcasted_iota(jnp.int32, (_BLK, G), 1))
    ub = jnp.dot(oh.astype(jnp.float32), u_ref[...],
                 preferred_element_type=jnp.float32)
    cat = jnp.concatenate([x, s, m, mn, ub], axis=1)
    h = jnp.dot(cat, w1_ref[...], preferred_element_type=jnp.float32)
    h = jnp.maximum(h + b1_ref[...], 0.0)
    o = jnp.dot(h, w2_ref[...], preferred_element_type=jnp.float32)
    o_ref[...] = o + b2_ref[...] + x


def _mlp(x, sum2, cnt2, maxraw, batch2d, u, W1, b1, W2, b2):
    nblk = N // _BLK
    rep = lambda i: (0, 0)
    return pl.pallas_call(
        _mlp_body,
        grid=(nblk,),
        in_specs=[
            pl.BlockSpec((_BLK, D), lambda i: (i, 0)),
            pl.BlockSpec((_BLK, DE), lambda i: (i, 0)),
            pl.BlockSpec((_BLK, 1), lambda i: (i, 0)),
            pl.BlockSpec((_BLK, DE), lambda i: (i, 0)),
            pl.BlockSpec((_BLK, 1), lambda i: (i, 0)),
            pl.BlockSpec((G, 16), rep),
            pl.BlockSpec((IN_DIM, H), rep),
            pl.BlockSpec((1, H), rep),
            pl.BlockSpec((H, D), rep),
            pl.BlockSpec((1, D), rep),
        ],
        out_specs=pl.BlockSpec((_BLK, D), lambda i: (i, 0)),
        out_shape=jax.ShapeDtypeStruct((N, D), jnp.float32),
    )(x, sum2, cnt2, maxraw, batch2d, u, W1, b1, W2, b2)


def kernel(x, edge_index, edge_attr, u, batch, W1, b1, W2, b2):
    col = edge_index[1]
    hist = _sc_hist(col)
    bases, csr, cnt = _tc_offsets(hist)
    rows = _sc_place(col, edge_attr, bases)
    maxraw, sumv, cnf = _sc_reduce(rows, csr, cnt)
    return _mlp(x, sumv, cnf.reshape(_NPAD, 1), maxraw,
                batch.reshape(N, 1), u, W1, b1.reshape(1, H), W2,
                b2.reshape(1, D))

# --- scband reference (transcript-rebuilt; emitter-appended) ---
"""Pipeline reference for scband-node-model-47270410059817 (READ-ONLY COPY).

The authoritative reference and input builder live on the scoring server;
editing this copy changes nothing except your own understanding.
"""

import jax, jax.numpy as jnp
import numpy as np

N = 100000
E = 3200000
D = 128
DE = 16
G = 8
GI = 16
H = 256
IN_DIM = D + 3 * DE + GI  # 128 + 48 + 16 = 192


def setup_inputs(seed: int = 0) -> dict:
    key = jax.random.key(seed)
    ks = jax.random.split(key, 9)
    x = jax.random.normal(ks[0], (N, D), dtype=jnp.float32)
    edge_index = jax.random.randint(ks[1], (2, E), 0, N, dtype=jnp.int32)
    edge_attr = jax.random.normal(ks[2], (E, DE), dtype=jnp.float32)
    u = jax.random.normal(ks[3], (G, GI), dtype=jnp.float32)
    batch = jnp.sort(jax.random.randint(ks[4], (N,), 0, G, dtype=jnp.int32))
    W1 = jax.random.normal(ks[5], (IN_DIM, H), dtype=jnp.float32) * 0.05
    b1 = jnp.zeros((H,), dtype=jnp.float32)
    W2 = jax.random.normal(ks[6], (H, D), dtype=jnp.float32) * 0.05
    b2 = jnp.zeros((D,), dtype=jnp.float32)
    return {"x": x, "edge_index": edge_index, "edge_attr": edge_attr, "u": u, "batch": batch,
            "W1": W1, "b1": b1, "W2": W2, "b2": b2}


def reference(x, edge_index, edge_attr, u, batch, W1, b1, W2, b2):
    col = edge_index[1]
    # scatter_add over destination nodes
    out1 = jax.ops.segment_sum(edge_attr, col, num_segments=N)
    # edge counts per destination node
    cnt = jax.ops.segment_sum(jnp.ones((E, 1), dtype=jnp.float32), col, num_segments=N)
    # scatter_max; torch_scatter fills empty segments with 0
    maxv = jax.ops.segment_max(edge_attr, col, num_segments=N)
    out2 = jnp.where(cnt > 0, maxv, 0.0)
    # scatter_mean
    out3 = out1 / jnp.maximum(cnt, 1.0)
    h = jnp.concatenate([x, out1, out2, out3, u[batch]], axis=1)
    h = jnp.maximum(h @ W1 + b1, 0.0) @ W2 + b2
    return h + x

if __name__ == "__main__":
    import jax
    _d = setup_inputs()
    print(jax.jit(kernel)(*tuple(_d.values())))

</pallas_src>

<mosaic_0001>
#map = affine_map<(d0, d1) -> (0, 0)>
#map1 = affine_map<(d0, d1) -> (0)>
module attributes {stable_mosaic.version = 14 : i64} {
  func.func @_sc_reduce_body(%arg0: i32, %arg1: i32, %arg2: memref<3201008x16xf32, #tpu.memory_space<hbm>>, %arg3: memref<1x100096xi32, #tpu.memory_space<hbm>>, %arg4: memref<1x100096xi32, #tpu.memory_space<hbm>>, %arg5: memref<100096x16xf32, #tpu.memory_space<hbm>>, %arg6: memref<100096x16xf32, #tpu.memory_space<hbm>>, %arg7: memref<100096xf32, #tpu.memory_space<hbm>>, %arg8: memref<1000x16xf32, #tpu.memory_space<vmem>>, %arg9: memref<3136x16xf32, #tpu.memory_space<vmem>>, %arg10: memref<3136x16xf32, #tpu.memory_space<vmem>>, %arg11: memref<3136xi32, #tpu.memory_space<vmem>>, %arg12: memref<3136xf32, #tpu.memory_space<vmem>>, %arg13: memref<16xi32, #tpu.memory_space<vmem>>) attributes {dimension_semantics = [#tpu.dimension_semantics<core_parallel>, #tpu.dimension_semantics<subcore_parallel>], iteration_bounds = array<i64: 2, 16>, scalar_prefetch = 0 : i64, scratch_operands = 6 : i64, tpu.core_type = #tpu.core_type<sc_vector_subcore>, window_params = [{transform_indices = #map}, {transform_indices = #map}, {transform_indices = #map}, {transform_indices = #map}, {transform_indices = #map}, {transform_indices = #map1}]} {
    %mul3A = arith.constant 2 : i32
    %mul3A_0 = arith.muli %arg1, %mul3A : i32
    %add3A = arith.addi %mul3A_0, %arg0 : i32
    %mul3A_1 = arith.constant 3128 : i32
    %mul3A_2 = arith.muli %add3A, %mul3A_1 : i32
    %iota3A = tpu.iota {dimensions = array<i32: 0>} : vector<16xi32>
    %broadcast_in_dim3A = arith.constant 0 : i32
    %broadcast_in_dim3A_3 = vector.broadcast %broadcast_in_dim3A : i32 to vector<16xi32>
    %swap3A = arith.constant 3120 : index
    %swap3A_4 = tpu.vector_load %arg11[%swap3A] {strides = array<i32>} : memref<3136xi32, #tpu.memory_space<vmem>>, vector<16xi32>,
    tpu.vector_store %arg11[%swap3A], %broadcast_in_dim3A_3 {strides = array<i32>} : memref<3136xi32, #tpu.memory_space<vmem>>, vector<16xi32>,
    %run_scoped3A = arith.constant 0 : i32
    "tpu.region"() ({
      %run_scoped3A_43 = tpu.sem_alloc : memref<!tpu.dma_semaphore, #tpu.memory_space<semaphore_mem>>
      %dma_start3A = arith.constant 0 : i32
      %dma_start3A_44 = tpu.memref_slice %arg11[%dma_start3A] : memref<3136xi32, #tpu.memory_space<vmem>> -> memref<3128xi32, #tpu.memory_space<vmem>>
      %dma_start3A_45 = arith.constant 0 : i32
      %dma_start3A_46 = tpu.memref_slice %arg4[%run_scoped3A, %dma_start3A_45] : memref<1x100096xi32, #tpu.memory_space<hbm>> -> memref<1x100096xi32, #tpu.memory_space<hbm>>
      %dma_start3A_47 = tpu.memref_squeeze %dma_start3A_46 : memref<1x100096xi32, #tpu.memory_space<hbm>> -> memref<100096xi32, #tpu.memory_space<hbm>>
      %dma_start3A_48 = tpu.memref_slice %dma_start3A_47[%mul3A_2] : memref<100096xi32, #tpu.memory_space<hbm>> -> memref<3128xi32, #tpu.memory_space<hbm>>
      %dma_start3A_49 = arith.constant 0 : i32
      %dma_start3A_50 = tpu.memref_slice %arg11[%dma_start3A_49] : memref<3136xi32, #tpu.memory_space<vmem>> -> memref<3128xi32, #tpu.memory_space<vmem>>
      %dma_start3A_51 = arith.constant 0 : i32
      %dma_start3A_52 = tpu.memref_slice %arg4[%run_scoped3A, %dma_start3A_51] : memref<1x100096xi32, #tpu.memory_space<hbm>> -> memref<1x100096xi32, #tpu.memory_space<hbm>>
      %dma_start3A_53 = tpu.memref_squeeze %dma_start3A_52 : memref<1x100096xi32, #tpu.memory_space<hbm>> -> memref<100096xi32, #tpu.memory_space<hbm>>
      %dma_start3A_54 = tpu.memref_slice %dma_start3A_53[%mul3A_2] : memref<100096xi32, #tpu.memory_space<hbm>> -> memref<3128xi32, #tpu.memory_space<hbm>>
      tpu.enqueue_dma source(%dma_start3A_54 : memref<3128xi32, #tpu.memory_space<hbm>>) target(%dma_start3A_50 : memref<3128xi32, #tpu.memory_space<vmem>>) target_semaphore(%run_scoped3A_43 : memref<!tpu.dma_semaphore, #tpu.memory_space<semaphore_mem>>)
      %dma_wait3A = arith.constant 0 : i32
      %dma_wait3A_55 = tpu.memref_slice %arg11[%dma_wait3A] : memref<3136xi32, #tpu.memory_space<vmem>> -> memref<3128xi32, #tpu.memory_space<vmem>>
      %dma_wait3A_56 = arith.constant 0 : i32
      %dma_wait3A_57 = tpu.memref_slice %arg4[%run_scoped3A, %dma_wait3A_56] : memref<1x100096xi32, #tpu.memory_space<hbm>> -> memref<1x100096xi32, #tpu.memory_space<hbm>>
      %dma_wait3A_58 = tpu.memref_squeeze %dma_wait3A_57 : memref<1x100096xi32, #tpu.memory_space<hbm>> -> memref<100096xi32, #tpu.memory_space<hbm>>
      %dma_wait3A_59 = tpu.memref_slice %dma_wait3A_58[%mul3A_2] : memref<100096xi32, #tpu.memory_space<hbm>> -> memref<3128xi32, #tpu.memory_space<hbm>>
      %dma_wait3A_60 = arith.constant 0 : i32
      %dma_wait3A_61 = tpu.memref_slice %arg11[%dma_wait3A_60] : memref<3136xi32, #tpu.memory_space<vmem>> -> memref<3128xi32, #tpu.memory_space<vmem>>
      %dma_wait3A_62 = arith.constant 0 : i32
      %dma_wait3A_63 = tpu.memref_slice %arg4[%run_scoped3A, %dma_wait3A_62] : memref<1x100096xi32, #tpu.memory_space<hbm>> -> memref<1x100096xi32, #tpu.memory_space<hbm>>
      %dma_wait3A_64 = tpu.memref_squeeze %dma_wait3A_63 : memref<1x100096xi32, #tpu.memory_space<hbm>> -> memref<100096xi32, #tpu.memory_space<hbm>>
      %dma_wait3A_65 = tpu.memref_slice %dma_wait3A_64[%mul3A_2] : memref<100096xi32, #tpu.memory_space<hbm>> -> memref<3128xi32, #tpu.memory_space<hbm>>
      tpu.wait_dma2 semaphore(%run_scoped3A_43 : memref<!tpu.dma_semaphore, #tpu.memory_space<semaphore_mem>>) src(%dma_wait3A_65 : memref<3128xi32, #tpu.memory_space<hbm>>) dst(%dma_wait3A_61 : memref<3128xi32, #tpu.memory_space<vmem>>)
      tpu.yield
    }) : () -> ()
    %run_scoped3A_5 = arith.constant 0 : i32
    "tpu.region"() ({
      %run_scoped3A_43 = tpu.sem_alloc : memref<!tpu.dma_semaphore, #tpu.memory_space<semaphore_mem>>
      %dma_start3A = arith.constant 0 : i32
      %dma_start3A_44 = tpu.memref_slice %arg3[%run_scoped3A_5, %dma_start3A] : memref<1x100096xi32, #tpu.memory_space<hbm>> -> memref<1x100096xi32, #tpu.memory_space<hbm>>
      %dma_start3A_45 = tpu.memref_squeeze %dma_start3A_44 : memref<1x100096xi32, #tpu.memory_space<hbm>> -> memref<100096xi32, #tpu.memory_space<hbm>>
      %dma_start3A_46 = tpu.memref_slice %dma_start3A_45[%mul3A_2] : memref<100096xi32, #tpu.memory_space<hbm>> -> memref<16xi32, #tpu.memory_space<hbm>>
      %dma_start3A_47 = arith.constant 0 : i32
      %dma_start3A_48 = tpu.memref_slice %arg3[%run_scoped3A_5, %dma_start3A_47] : memref<1x100096xi32, #tpu.memory_space<hbm>> -> memref<1x100096xi32, #tpu.memory_space<hbm>>
      %dma_start3A_49 = tpu.memref_squeeze %dma_start3A_48 : memref<1x100096xi32, #tpu.memory_space<hbm>> -> memref<100096xi32, #tpu.memory_space<hbm>>
      %dma_start3A_50 = tpu.memref_slice %dma_start3A_49[%mul3A_2] : memref<100096xi32, #tpu.memory_space<hbm>> -> memref<16xi32, #tpu.memory_space<hbm>>
      tpu.enqueue_dma source(%dma_start3A_50 : memref<16xi32, #tpu.memory_space<hbm>>) target(%arg13 : memref<16xi32, #tpu.memory_space<vmem>>) target_semaphore(%run_scoped3A_43 : memref<!tpu.dma_semaphore, #tpu.memory_space<semaphore_mem>>)
      %dma_wait3A = arith.constant 0 : i32
      %dma_wait3A_51 = tpu.memref_slice %arg3[%run_scoped3A_5, %dma_wait3A] : memref<1x100096xi32, #tpu.memory_space<hbm>> -> memref<1x100096xi32, #tpu.memory_space<hbm>>
      %dma_wait3A_52 = tpu.memref_squeeze %dma_wait3A_51 : memref<1x100096xi32, #tpu.memory_space<hbm>> -> memref<100096xi32, #tpu.memory_space<hbm>>
      %dma_wait3A_53 = tpu.memref_slice %dma_wait3A_52[%mul3A_2] : memref<100096xi32, #tpu.memory_space<hbm>> -> memref<16xi32, #tpu.memory_space<hbm>>
      %dma_wait3A_54 = arith.constant 0 : i32
      %dma_wait3A_55 = tpu.memref_slice %arg3[%run_scoped3A_5, %dma_wait3A_54] : memref<1x100096xi32, #tpu.memory_space<hbm>> -> memref<1x100096xi32, #tpu.memory_space<hbm>>
      %dma_wait3A_56 = tpu.memref_squeeze %dma_wait3A_55 : memref<1x100096xi32, #tpu.memory_space<hbm>> -> memref<100096xi32, #tpu.memory_space<hbm>>
      %dma_wait3A_57 = tpu.memref_slice %dma_wait3A_56[%mul3A_2] : memref<100096xi32, #tpu.memory_space<hbm>> -> memref<16xi32, #tpu.memory_space<hbm>>
      tpu.wait_dma2 semaphore(%run_scoped3A_43 : memref<!tpu.dma_semaphore, #tpu.memory_space<semaphore_mem>>) src(%dma_wait3A_57 : memref<16xi32, #tpu.memory_space<hbm>>) dst(%arg13 : memref<16xi32, #tpu.memory_space<vmem>>)
      tpu.yield
    }) : () -> ()
    %eq3A = arith.constant 0 : i32
    %eq3A_6 = vector.broadcast %eq3A : i32 to vector<16xi32>
    %eq3A_7 = arith.cmpi eq, %iota3A, %eq3A_6 : vector<16xi32>
    %get3A = arith.constant 0 : index
    %get3A_8 = tpu.vector_load %arg13[%get3A] {strides = array<i32>} : memref<16xi32, #tpu.memory_space<vmem>>, vector<16xi32>,
    %jit3A = arith.constant 0 : i32
    %broadcast_in_dim3A_9 = vector.broadcast %jit3A : i32 to vector<16xi32>
    %select_n3A = arith.select %eq3A_7, %get3A_8, %broadcast_in_dim3A_9 : vector<16xi1>, vector<16xi32>
    %reduce_sum3A = arith.constant true
    %reduce_sum3A_10 = vector.broadcast %reduce_sum3A : i1 to vector<16xi1>
    %reduce_sum3A_11 = tpu.scan <sum>, %select_n3A masked %reduce_sum3A_10 : vector<16xi32>, vector<16xi1> -> vector<16xi32>
    %reduce_sum3A_12 = vector.extract %reduce_sum3A_11[15] : i32 from vector<16xi32>
    %jit3A_13 = arith.constant 8 : i32
    %div3A = arith.divsi %reduce_sum3A_12, %jit3A_13 : i32
    %sign3A = arith.constant 0 : i32
    %sign3A_14 = arith.cmpi sgt, %reduce_sum3A_12, %sign3A : i32
    %sign3A_15 = arith.extui %sign3A_14 : i1 to i32
    %sign3A_16 = arith.constant 0 : i32
    %sign3A_17 = arith.cmpi slt, %reduce_sum3A_12, %sign3A_16 : i32
    %sign3A_18 = arith.extui %sign3A_17 : i1 to i32
    %sign3A_19 = arith.subi %sign3A_15, %sign3A_18 : i32
    %sign3A_20 = arith.constant 0 : i32
    %sign3A_21 = arith.cmpi sgt, %jit3A_13, %sign3A_20 : i32
    %sign3A_22 = arith.extui %sign3A_21 : i1 to i32
    %sign3A_23 = arith.constant 0 : i32
    %sign3A_24 = arith.cmpi slt, %jit3A_13, %sign3A_23 : i32
    %sign3A_25 = arith.extui %sign3A_24 : i1 to i32
    %sign3A_26 = arith.subi %sign3A_22, %sign3A_25 : i32
    %ne3A = arith.cmpi ne, %sign3A_19, %sign3A_26 : i32
    %rem3A = arith.remsi %reduce_sum3A_12, %jit3A_13 : i32
    %ne3A_27 = arith.constant 0 : i32
    %ne3A_28 = arith.cmpi ne, %rem3A, %ne3A_27 : i32
    %and3A = arith.andi %ne3A, %ne3A_28 : i1
    %sub3A = arith.constant 1 : i32
    %sub3A_29 = arith.subi %div3A, %sub3A : i32
    %select_n3A_30 = arith.select %and3A, %sub3A_29, %div3A : i32
    %mul3A_31 = arith.constant 8 : i32
    %mul3A_32 = arith.muli %select_n3A_30, %mul3A_31 : i32
    "tpu.region"() ({
      %run_scoped3A_43 = tpu.sem_alloc : memref<!tpu.dma_semaphore, #tpu.memory_space<semaphore_mem>>
      %dma_start3A = arith.constant 0 : i32
      %dma_start3A_44 = tpu.memref_slice %arg2[%mul3A_32, %dma_start3A] : memref<3201008x16xf32, #tpu.memory_space<hbm>> -> memref<1000x16xf32, #tpu.memory_space<hbm>>
      %dma_start3A_45 = arith.constant 0 : i32
      %dma_start3A_46 = tpu.memref_slice %arg2[%mul3A_32, %dma_start3A_45] : memref<3201008x16xf32, #tpu.memory_space<hbm>> -> memref<1000x16xf32, #tpu.memory_space<hbm>>
      tpu.enqueue_dma source(%dma_start3A_46 : memref<1000x16xf32, #tpu.memory_space<hbm>>) target(%arg8 : memref<1000x16xf32, #tpu.memory_space<vmem>>) target_semaphore(%run_scoped3A_43 : memref<!tpu.dma_semaphore, #tpu.memory_space<semaphore_mem>>)
      %dma_wait3A = arith.constant 0 : i32
      %dma_wait3A_47 = tpu.memref_slice %arg2[%mul3A_32, %dma_wait3A] : memref<3201008x16xf32, #tpu.memory_space<hbm>> -> memref<1000x16xf32, #tpu.memory_space<hbm>>
      %dma_wait3A_48 = arith.constant 0 : i32
      %dma_wait3A_49 = tpu.memref_slice %arg2[%mul3A_32, %dma_wait3A_48] : memref<3201008x16xf32, #tpu.memory_space<hbm>> -> memref<1000x16xf32, #tpu.memory_space<hbm>>
      tpu.wait_dma2 semaphore(%run_scoped3A_43 : memref<!tpu.dma_semaphore, #tpu.memory_space<semaphore_mem>>) src(%dma_wait3A_49 : memref<1000x16xf32, #tpu.memory_space<hbm>>) dst(%arg8 : memref<1000x16xf32, #tpu.memory_space<vmem>>)
      tpu.yield
    }) : () -> ()
    %sub3A_33 = arith.subi %reduce_sum3A_12, %mul3A_32 : i32
    %broadcast_in_dim3A_34 = arith.constant 0xFF800000 : f32
    %broadcast_in_dim3A_35 = vector.broadcast %broadcast_in_dim3A_34 : f32 to vector<16xf32>
    %broadcast_in_dim3A_36 = arith.constant 0.000000e+00 : f32
    %broadcast_in_dim3A_37 = vector.broadcast %broadcast_in_dim3A_36 : f32 to vector<16xf32>
    %scan3A = arith.constant 0 : i32
    %scan3A_38 = arith.constant 196 : i32
    %scan3A_39 = arith.addi %scan3A, %scan3A_38 : i32
    %scan3A_40 = arith.constant 1 : i32
    %scan3A_41:2 = scf.for %scan3A_43 = %scan3A to %scan3A_39 step %scan3A_40 iter_args(%scan3A_44 = %sub3A_33, %scan3A_45 = %mul3A_32) -> (i32, i32)  : i32 {
      %mul3A_46 = arith.constant 16 : i32
      %mul3A_47 = arith.muli %scan3A_43, %mul3A_46 : i32
      %get3A_48 = arith.index_cast %mul3A_47 : i32 to index
      %get3A_49 = tpu.vector_load %arg11[%get3A_48] {strides = array<i32>} : memref<3136xi32, #tpu.memory_space<vmem>>, vector<16xi32>,
      %convert_element_type3A = arith.sitofp %get3A_49 : vector<16xi32> to vector<16xf32>
      %mul3A_50 = arith.constant 16 : i32
      %mul3A_51 = arith.muli %scan3A_43, %mul3A_50 : i32
      %swap3A_52 = arith.index_cast %mul3A_51 : i32 to index
      %swap3A_53 = tpu.vector_load %arg12[%swap3A_52] {strides = array<i32>} : memref<3136xf32, #tpu.memory_space<vmem>>, vector<16xf32>,
      tpu.vector_store %arg12[%swap3A_52], %convert_element_type3A {strides = array<i32>} : memref<3136xf32, #tpu.memory_space<vmem>>, vector<16xf32>,
      %scan3A_54 = arith.constant 0 : i32
      %scan3A_55 = arith.constant 16 : i32
      %scan3A_56 = arith.addi %scan3A_54, %scan3A_55 : i32
      %scan3A_57 = arith.constant 1 : i32
      %scan3A_58:2 = scf.for %scan3A_60 = %scan3A_54 to %scan3A_56 step %scan3A_57 iter_args(%scan3A_61 = %scan3A_44, %scan3A_62 = %scan3A_45) -> (i32, i32)  : i32 {
        %eq3A_63 = vector.broadcast %scan3A_60 : i32 to vector<16xi32>
        %eq3A_64 = arith.cmpi eq, %iota3A, %eq3A_63 : vector<16xi32>
        %jit3A_65 = arith.constant 0 : i32
        %broadcast_in_dim3A_66 = vector.broadcast %jit3A_65 : i32 to vector<16xi32>
        %select_n3A_67 = arith.select %eq3A_64, %get3A_49, %broadcast_in_dim3A_66 : vector<16xi1>, vector<16xi32>
        %reduce_sum3A_68 = arith.constant true
        %reduce_sum3A_69 = vector.broadcast %reduce_sum3A_68 : i1 to vector<16xi1>
        %reduce_sum3A_70 = tpu.scan <sum>, %select_n3A_67 masked %reduce_sum3A_69 : vector<16xi32>, vector<16xi1> -> vector<16xi32>
        %reduce_sum3A_71 = vector.extract %reduce_sum3A_70[15] : i32 from vector<16xi32>
        %gt3A = arith.constant 0 : i32
        %gt3A_72 = arith.cmpi sgt, %reduce_sum3A_71, %gt3A : i32
        %select_n3A_73 = arith.select %gt3A_72, %broadcast_in_dim3A_35, %broadcast_in_dim3A_37 : vector<16xf32>
        %while3A:5 = scf.while (%while3A_86 = %reduce_sum3A_71, %while3A_87 = %scan3A_61, %while3A_88 = %scan3A_62, %while3A_89 = %select_n3A_73, %while3A_90 = %broadcast_in_dim3A_37) : (i32, i32, i32, vector<16xf32>, vector<16xf32>) -> (i32, i32, i32, vector<16xf32>, vector<16xf32>) {
          %gt3A_91 = arith.constant 0 : i32
          %gt3A_92 = arith.cmpi sgt, %while3A_86, %gt3A_91 : i32
          scf.condition(%gt3A_92) %while3A_86, %while3A_87, %while3A_88, %while3A_89, %while3A_90 : i32, i32, i32, vector<16xf32>, vector<16xf32>
        } do {
        ^bb0(%while3A_86: i32, %while3A_87: i32, %while3A_88: i32, %while3A_89: vector<16xf32>, %while3A_90: vector<16xf32>):
          %eq3A_91 = arith.constant 1000 : i32
          %eq3A_92 = arith.cmpi eq, %while3A_87, %eq3A_91 : i32
          %add3A_93 = arith.constant 1000 : i32
          %add3A_94 = arith.addi %while3A_88, %add3A_93 : i32
          %select_n3A_95 = arith.select %eq3A_92, %add3A_94, %while3A_88 : i32
          %convert_element_type3A_96 = arith.extui %eq3A_92 : i1 to i32
          %cond3A = arith.constant 0 : i32
          %cond3A_97 = arith.cmpi ne, %convert_element_type3A_96, %cond3A : i32
          scf.if %cond3A_97 {
            "tpu.region"() ({
              %run_scoped3A_164 = tpu.sem_alloc : memref<!tpu.dma_semaphore, #tpu.memory_space<semaphore_mem>>
              %dma_start3A = arith.constant 0 : i32
              %dma_start3A_165 = tpu.memref_slice %arg2[%select_n3A_95, %dma_start3A] : memref<3201008x16xf32, #tpu.memory_space<hbm>> -> memref<1000x16xf32, #tpu.memory_space<hbm>>
              %dma_start3A_166 = arith.constant 0 : i32
              %dma_start3A_167 = tpu.memref_slice %arg2[%select_n3A_95, %dma_start3A_166] : memref<3201008x16xf32, #tpu.memory_space<hbm>> -> memref<1000x16xf32, #tpu.memory_space<hbm>>
              tpu.enqueue_dma source(%dma_start3A_167 : memref<1000x16xf32, #tpu.memory_space<hbm>>) target(%arg8 : memref<1000x16xf32, #tpu.memory_space<vmem>>) target_semaphore(%run_scoped3A_164 : memref<!tpu.dma_semaphore, #tpu.memory_space<semaphore_mem>>)
              %dma_wait3A = arith.constant 0 : i32
              %dma_wait3A_168 = tpu.memref_slice %arg2[%select_n3A_95, %dma_wait3A] : memref<3201008x16xf32, #tpu.memory_space<hbm>> -> memref<1000x16xf32, #tpu.memory_space<hbm>>
              %dma_wait3A_169 = arith.constant 0 : i32
              %dma_wait3A_170 = tpu.memref_slice %arg2[%select_n3A_95, %dma_wait3A_169] : memref<3201008x16xf32, #tpu.memory_space<hbm>> -> memref<1000x16xf32, #tpu.memory_space<hbm>>
              tpu.wait_dma2 semaphore(%run_scoped3A_164 : memref<!tpu.dma_semaphore, #tpu.memory_space<semaphore_mem>>) src(%dma_wait3A_170 : memref<1000x16xf32, #tpu.memory_space<hbm>>) dst(%arg8 : memref<1000x16xf32, #tpu.memory_space<vmem>>)
              tpu.yield
            }) : () -> ()
          } else {
          }
          %jit3A_98 = arith.constant 0 : i32
          %select_n3A_99 = arith.select %eq3A_92, %jit3A_98, %while3A_87 : i32
          %sub3A_100 = arith.constant 1000 : i32
          %sub3A_101 = arith.subi %sub3A_100, %select_n3A_99 : i32
          %min3A = arith.minsi %while3A_86, %sub3A_101 : i32
          %jit3A_102 = arith.constant 2 : i32
          %div3A_103 = arith.divsi %min3A, %jit3A_102 : i32
          %sign3A_104 = arith.constant 0 : i32
          %sign3A_105 = arith.cmpi sgt, %min3A, %sign3A_104 : i32
          %sign3A_106 = arith.extui %sign3A_105 : i1 to i32
          %sign3A_107 = arith.constant 0 : i32
          %sign3A_108 = arith.cmpi slt, %min3A, %sign3A_107 : i32
          %sign3A_109 = arith.extui %sign3A_108 : i1 to i32
          %sign3A_110 = arith.subi %sign3A_106, %sign3A_109 : i32
          %sign3A_111 = arith.constant 0 : i32
          %sign3A_112 = arith.cmpi sgt, %jit3A_102, %sign3A_111 : i32
          %sign3A_113 = arith.extui %sign3A_112 : i1 to i32
          %sign3A_114 = arith.constant 0 : i32
          %sign3A_115 = arith.cmpi slt, %jit3A_102, %sign3A_114 : i32
          %sign3A_116 = arith.extui %sign3A_115 : i1 to i32
          %sign3A_117 = arith.subi %sign3A_113, %sign3A_116 : i32
          %ne3A_118 = arith.cmpi ne, %sign3A_110, %sign3A_117 : i32
          %rem3A_119 = arith.remsi %min3A, %jit3A_102 : i32
          %ne3A_120 = arith.constant 0 : i32
          %ne3A_121 = arith.cmpi ne, %rem3A_119, %ne3A_120 : i32
          %and3A_122 = arith.andi %ne3A_118, %ne3A_121 : i1
          %sub3A_123 = arith.constant 1 : i32
          %sub3A_124 = arith.subi %div3A_103, %sub3A_123 : i32
          %select_n3A_125 = arith.select %and3A_122, %sub3A_124, %div3A_103 : i32
          %while3A_126 = arith.constant 0 : i32
          %while3A_127 = arith.subi %select_n3A_125, %while3A_126 : i32
          %while3A_128 = arith.addi %while3A_126, %while3A_127 : i32
          %while3A_129 = arith.constant 1 : i32
          %while3A_130 = arith.divsi %while3A_127, %while3A_129 : i32
          %while3A_131 = arith.muli %while3A_130, %while3A_129 : i32
          %while3A_132 = arith.addi %while3A_126, %while3A_131 : i32
          %while3A_133 = arith.constant 1 : i32
          %while3A_134:3 = scf.for %while3A_164 = %while3A_126 to %while3A_132 step %while3A_133 iter_args(%while3A_165 = %select_n3A_99, %while3A_166 = %while3A_89, %while3A_167 = %while3A_90) -> (i32, vector<16xf32>, vector<16xf32>)  : i32 {
            %get3A_168 = arith.index_cast %while3A_165 : i32 to index
            %get3A_169 = arith.constant 0 : index
            %get3A_170 = tpu.vector_load %arg8[%get3A_168, %get3A_169] {strides = array<i32>} : memref<1000x16xf32, #tpu.memory_space<vmem>>, vector<16xf32>,
            %add3A_171 = arith.constant 1 : i32
            %add3A_172 = arith.addi %while3A_165, %add3A_171 : i32
            %get3A_173 = arith.index_cast %add3A_172 : i32 to index
            %get3A_174 = arith.constant 0 : index
            %get3A_175 = tpu.vector_load %arg8[%get3A_173, %get3A_174] {strides = array<i32>} : memref<1000x16xf32, #tpu.memory_space<vmem>>, vector<16xf32>,
            %add3A_176 = arith.constant 2 : i32
            %add3A_177 = arith.addi %while3A_165, %add3A_176 : i32
            %max3A = arith.maximumf %get3A_170, %get3A_175 : vector<16xf32>
            %max3A_178 = arith.maximumf %while3A_166, %max3A : vector<16xf32>
            %add3A_179 = arith.addf %while3A_167, %get3A_170 : vector<16xf32>
            %add3A_180 = arith.addf %add3A_179, %get3A_175 : vector<16xf32>
            scf.yield %add3A_177, %max3A_178, %add3A_180 : i32, vector<16xf32>, vector<16xf32>
          }
          %while3A_135 = arith.constant 1 : i32
          %while3A_136:3 = scf.for %while3A_164 = %while3A_132 to %while3A_128 step %while3A_135 iter_args(%while3A_165 = %while3A_134#0, %while3A_166 = %while3A_134#1, %while3A_167 = %while3A_134#2) -> (i32, vector<16xf32>, vector<16xf32>)  : i32 {
            %get3A_168 = arith.index_cast %while3A_165 : i32 to index
            %get3A_169 = arith.constant 0 : index
            %get3A_170 = tpu.vector_load %arg8[%get3A_168, %get3A_169] {strides = array<i32>} : memref<1000x16xf32, #tpu.memory_space<vmem>>, vector<16xf32>,
            %add3A_171 = arith.constant 1 : i32
            %add3A_172 = arith.addi %while3A_165, %add3A_171 : i32
            %get3A_173 = arith.index_cast %add3A_172 : i32 to index
            %get3A_174 = arith.constant 0 : index
            %get3A_175 = tpu.vector_load %arg8[%get3A_173, %get3A_174] {strides = array<i32>} : memref<1000x16xf32, #tpu.memory_space<vmem>>, vector<16xf32>,
            %add3A_176 = arith.constant 2 : i32
            %add3A_177 = arith.addi %while3A_165, %add3A_176 : i32
            %max3A = arith.maximumf %get3A_170, %get3A_175 : vector<16xf32>
            %max3A_178 = arith.maximumf %while3A_166, %max3A : vector<16xf32>
            %add3A_179 = arith.addf %while3A_167, %get3A_170 : vector<16xf32>
            %add3A_180 = arith.addf %add3A_179, %get3A_175 : vector<16xf32>
            scf.yield %add3A_177, %max3A_178, %add3A_180 : i32, vector<16xf32>, vector<16xf32>
          }
          %jit3A_137 = arith.constant 2 : i32
          %eq3A_138 = arith.constant 0 : i32
          %eq3A_139 = arith.cmpi eq, %jit3A_137, %eq3A_138 : i32
          %jit3A_140 = arith.constant 1 : i32
          %select_n3A_141 = arith.select %eq3A_139, %jit3A_140, %jit3A_137 : i32
          %rem3A_142 = arith.remsi %min3A, %select_n3A_141 : i32
          %ne3A_143 = arith.constant 0 : i32
          %ne3A_144 = arith.cmpi ne, %rem3A_142, %ne3A_143 : i32
          %lt3A = arith.constant 0 : i32
          %lt3A_145 = arith.cmpi slt, %rem3A_142, %lt3A : i32
          %lt3A_146 = arith.constant 0 : i32
          %lt3A_147 = arith.cmpi slt, %select_n3A_141, %lt3A_146 : i32
          %ne3A_148 = arith.xori %lt3A_145, %lt3A_147 : i1
          %and3A_149 = arith.andi %ne3A_148, %ne3A_144 : i1
          %add3A_150 = arith.addi %rem3A_142, %select_n3A_141 : i32
          %select_n3A_151 = arith.select %and3A_149, %add3A_150, %rem3A_142 : i32
          %while3A_152 = arith.constant 0 : i32
          %while3A_153 = arith.subi %select_n3A_151, %while3A_152 : i32
          %while3A_154 = arith.addi %while3A_152, %while3A_153 : i32
          %while3A_155 = arith.constant 1 : i32
          %while3A_156 = arith.divsi %while3A_153, %while3A_155 : i32
          %while3A_157 = arith.muli %while3A_156, %while3A_155 : i32
          %while3A_158 = arith.addi %while3A_152, %while3A_157 : i32
          %while3A_159 = arith.constant 1 : i32
          %while3A_160:3 = scf.for %while3A_164 = %while3A_152 to %while3A_158 step %while3A_159 iter_args(%while3A_165 = %while3A_136#0, %while3A_166 = %while3A_136#1, %while3A_167 = %while3A_136#2) -> (i32, vector<16xf32>, vector<16xf32>)  : i32 {
            %get3A_168 = arith.index_cast %while3A_165 : i32 to index
            %get3A_169 = arith.constant 0 : index
            %get3A_170 = tpu.vector_load %arg8[%get3A_168, %get3A_169] {strides = array<i32>} : memref<1000x16xf32, #tpu.memory_space<vmem>>, vector<16xf32>,
            %add3A_171 = arith.constant 1 : i32
            %add3A_172 = arith.addi %while3A_165, %add3A_171 : i32
            %max3A = arith.maximumf %while3A_166, %get3A_170 : vector<16xf32>
            %add3A_173 = arith.addf %while3A_167, %get3A_170 : vector<16xf32>
            scf.yield %add3A_172, %max3A, %add3A_173 : i32, vector<16xf32>, vector<16xf32>
          }
          %while3A_161 = arith.constant 1 : i32
          %while3A_162:3 = scf.for %while3A_164 = %while3A_158 to %while3A_154 step %while3A_161 iter_args(%while3A_165 = %while3A_160#0, %while3A_166 = %while3A_160#1, %while3A_167 = %while3A_160#2) -> (i32, vector<16xf32>, vector<16xf32>)  : i32 {
            %get3A_168 = arith.index_cast %while3A_165 : i32 to index
            %get3A_169 = arith.constant 0 : index
            %get3A_170 = tpu.vector_load %arg8[%get3A_168, %get3A_169] {strides = array<i32>} : memref<1000x16xf32, #tpu.memory_space<vmem>>, vector<16xf32>,
            %add3A_171 = arith.constant 1 : i32
            %add3A_172 = arith.addi %while3A_165, %add3A_171 : i32
            %max3A = arith.maximumf %while3A_166, %get3A_170 : vector<16xf32>
            %add3A_173 = arith.addf %while3A_167, %get3A_170 : vector<16xf32>
            scf.yield %add3A_172, %max3A, %add3A_173 : i32, vector<16xf32>, vector<16xf32>
          }
          %sub3A_163 = arith.subi %while3A_86, %min3A : i32
          scf.yield %sub3A_163, %while3A_162#0, %select_n3A_95, %while3A_162#1, %while3A_162#2 : i32, i32, i32, vector<16xf32>, vector<16xf32>
        }
        %mul3A_74 = arith.constant 16 : i32
        %mul3A_75 = arith.muli %scan3A_43, %mul3A_74 : i32
        %add3A_76 = arith.addi %mul3A_75, %scan3A_60 : i32
        %swap3A_77 = arith.index_cast %add3A_76 : i32 to index
        %swap3A_78 = arith.constant 0 : index
        %swap3A_79 = tpu.vector_load %arg9[%swap3A_77, %swap3A_78] {strides = array<i32>} : memref<3136x16xf32, #tpu.memory_space<vmem>>, vector<16xf32>,
        tpu.vector_store %arg9[%swap3A_77, %swap3A_78], %while3A#3 {strides = array<i32>} : memref<3136x16xf32, #tpu.memory_space<vmem>>, vector<16xf32>,
        %mul3A_80 = arith.constant 16 : i32
        %mul3A_81 = arith.muli %scan3A_43, %mul3A_80 : i32
        %add3A_82 = arith.addi %mul3A_81, %scan3A_60 : i32
        %swap3A_83 = arith.index_cast %add3A_82 : i32 to index
        %swap3A_84 = arith.constant 0 : index
        %swap3A_85 = tpu.vector_load %arg10[%swap3A_83, %swap3A_84] {strides = array<i32>} : memref<3136x16xf32, #tpu.memory_space<vmem>>, vector<16xf32>,
        tpu.vector_store %arg10[%swap3A_83, %swap3A_84], %while3A#4 {strides = array<i32>} : memref<3136x16xf32, #tpu.memory_space<vmem>>, vector<16xf32>,
        scf.yield %while3A#1, %while3A#2 : i32, i32
      }
      %scan3A_59 = arith.constant 16 : i32
      scf.yield %scan3A_58#0, %scan3A_58#1 : i32, i32
    }
    %scan3A_42 = arith.constant 196 : i32
    "tpu.region"() ({
      %run_scoped3A_43 = tpu.sem_alloc : memref<!tpu.dma_semaphore, #tpu.memory_space<semaphore_mem>>
      %dma_start3A = arith.constant 0 : i32
      %dma_start3A_44 = arith.constant 0 : i32
      %dma_start3A_45 = tpu.memref_slice %arg9[%dma_start3A, %dma_start3A_44] : memref<3136x16xf32, #tpu.memory_space<vmem>> -> memref<3128x16xf32, #tpu.memory_space<vmem>>
      %dma_start3A_46 = arith.constant 0 : i32
      %dma_start3A_47 = tpu.memref_slice %arg5[%mul3A_2, %dma_start3A_46] : memref<100096x16xf32, #tpu.memory_space<hbm>> -> memref<3128x16xf32, #tpu.memory_space<hbm>>
      %dma_start3A_48 = arith.constant 0 : i32
      %dma_start3A_49 = tpu.memref_slice %arg5[%mul3A_2, %dma_start3A_48] : memref<100096x16xf32, #tpu.memory_space<hbm>> -> memref<3128x16xf32, #tpu.memory_space<hbm>>
      %dma_start3A_50 = arith.constant 0 : i32
      %dma_start3A_51 = arith.constant 0 : i32
      %dma_start3A_52 = tpu.memref_slice %arg9[%dma_start3A_50, %dma_start3A_51] : memref<3136x16xf32, #tpu.memory_space<vmem>> -> memref<3128x16xf32, #tpu.memory_space<vmem>>
      tpu.enqueue_dma source(%dma_start3A_52 : memref<3128x16xf32, #tpu.memory_space<vmem>>) target(%dma_start3A_49 : memref<3128x16xf32, #tpu.memory_space<hbm>>) target_semaphore(%run_scoped3A_43 : memref<!tpu.dma_semaphore, #tpu.memory_space<semaphore_mem>>)
      %dma_wait3A = arith.constant 0 : i32
      %dma_wait3A_53 = arith.constant 0 : i32
      %dma_wait3A_54 = tpu.memref_slice %arg9[%dma_wait3A, %dma_wait3A_53] : memref<3136x16xf32, #tpu.memory_space<vmem>> -> memref<3128x16xf32, #tpu.memory_space<vmem>>
      %dma_wait3A_55 = arith.constant 0 : i32
      %dma_wait3A_56 = tpu.memref_slice %arg5[%mul3A_2, %dma_wait3A_55] : memref<100096x16xf32, #tpu.memory_space<hbm>> -> memref<3128x16xf32, #tpu.memory_space<hbm>>
      %dma_wait3A_57 = arith.constant 0 : i32
      %dma_wait3A_58 = tpu.memref_slice %arg5[%mul3A_2, %dma_wait3A_57] : memref<100096x16xf32, #tpu.memory_space<hbm>> -> memref<3128x16xf32, #tpu.memory_space<hbm>>
      %dma_wait3A_59 = arith.constant 0 : i32
      %dma_wait3A_60 = arith.constant 0 : i32
      %dma_wait3A_61 = tpu.memref_slice %arg9[%dma_wait3A_59, %dma_wait3A_60] : memref<3136x16xf32, #tpu.memory_space<vmem>> -> memref<3128x16xf32, #tpu.memory_space<vmem>>
      tpu.wait_dma2 semaphore(%run_scoped3A_43 : memref<!tpu.dma_semaphore, #tpu.memory_space<semaphore_mem>>) src(%dma_wait3A_61 : memref<3128x16xf32, #tpu.memory_space<vmem>>) dst(%dma_wait3A_58 : memref<3128x16xf32, #tpu.memory_space<hbm>>)
      tpu.yield
    }) : () -> ()
    "tpu.region"() ({
      %run_scoped3A_43 = tpu.sem_alloc : memref<!tpu.dma_semaphore, #tpu.memory_space<semaphore_mem>>
      %dma_start3A = arith.constant 0 : i32
      %dma_start3A_44 = arith.constant 0 : i32
      %dma_start3A_45 = tpu.memref_slice %arg10[%dma_start3A, %dma_start3A_44] : memref<3136x16xf32, #tpu.memory_space<vmem>> -> memref<3128x16xf32, #tpu.memory_space<vmem>>
      %dma_start3A_46 = arith.constant 0 : i32
      %dma_start3A_47 = tpu.memref_slice %arg6[%mul3A_2, %dma_start3A_46] : memref<100096x16xf32, #tpu.memory_space<hbm>> -> memref<3128x16xf32, #tpu.memory_space<hbm>>
      %dma_start3A_48 = arith.constant 0 : i32
      %dma_start3A_49 = tpu.memref_slice %arg6[%mul3A_2, %dma_start3A_48] : memref<100096x16xf32, #tpu.memory_space<hbm>> -> memref<3128x16xf32, #tpu.memory_space<hbm>>
      %dma_start3A_50 = arith.constant 0 : i32
      %dma_start3A_51 = arith.constant 0 : i32
      %dma_start3A_52 = tpu.memref_slice %arg10[%dma_start3A_50, %dma_start3A_51] : memref<3136x16xf32, #tpu.memory_space<vmem>> -> memref<3128x16xf32, #tpu.memory_space<vmem>>
      tpu.enqueue_dma source(%dma_start3A_52 : memref<3128x16xf32, #tpu.memory_space<vmem>>) target(%dma_start3A_49 : memref<3128x16xf32, #tpu.memory_space<hbm>>) target_semaphore(%run_scoped3A_43 : memref<!tpu.dma_semaphore, #tpu.memory_space<semaphore_mem>>)
      %dma_wait3A = arith.constant 0 : i32
      %dma_wait3A_53 = arith.constant 0 : i32
      %dma_wait3A_54 = tpu.memref_slice %arg10[%dma_wait3A, %dma_wait3A_53] : memref<3136x16xf32, #tpu.memory_space<vmem>> -> memref<3128x16xf32, #tpu.memory_space<vmem>>
      %dma_wait3A_55 = arith.constant 0 : i32
      %dma_wait3A_56 = tpu.memref_slice %arg6[%mul3A_2, %dma_wait3A_55] : memref<100096x16xf32, #tpu.memory_space<hbm>> -> memref<3128x16xf32, #tpu.memory_space<hbm>>
      %dma_wait3A_57 = arith.constant 0 : i32
      %dma_wait3A_58 = tpu.memref_slice %arg6[%mul3A_2, %dma_wait3A_57] : memref<100096x16xf32, #tpu.memory_space<hbm>> -> memref<3128x16xf32, #tpu.memory_space<hbm>>
      %dma_wait3A_59 = arith.constant 0 : i32
      %dma_wait3A_60 = arith.constant 0 : i32
      %dma_wait3A_61 = tpu.memref_slice %arg10[%dma_wait3A_59, %dma_wait3A_60] : memref<3136x16xf32, #tpu.memory_space<vmem>> -> memref<3128x16xf32, #tpu.memory_space<vmem>>
      tpu.wait_dma2 semaphore(%run_scoped3A_43 : memref<!tpu.dma_semaphore, #tpu.memory_space<semaphore_mem>>) src(%dma_wait3A_61 : memref<3128x16xf32, #tpu.memory_space<vmem>>) dst(%dma_wait3A_58 : memref<3128x16xf32, #tpu.memory_space<hbm>>)
      tpu.yield
    }) : () -> ()
    "tpu.region"() ({
      %run_scoped3A_43 = tpu.sem_alloc : memref<!tpu.dma_semaphore, #tpu.memory_space<semaphore_mem>>
      %dma_start3A = arith.constant 0 : i32
      %dma_start3A_44 = tpu.memref_slice %arg12[%dma_start3A] : memref<3136xf32, #tpu.memory_space<vmem>> -> memref<3128xf32, #tpu.memory_space<vmem>>
      %dma_start3A_45 = tpu.memref_slice %arg7[%mul3A_2] : memref<100096xf32, #tpu.memory_space<hbm>> -> memref<3128xf32, #tpu.memory_space<hbm>>
      %dma_start3A_46 = tpu.memref_slice %arg7[%mul3A_2] : memref<100096xf32, #tpu.memory_space<hbm>> -> memref<3128xf32, #tpu.memory_space<hbm>>
      %dma_start3A_47 = arith.constant 0 : i32
      %dma_start3A_48 = tpu.memref_slice %arg12[%dma_start3A_47] : memref<3136xf32, #tpu.memory_space<vmem>> -> memref<3128xf32, #tpu.memory_space<vmem>>
      tpu.enqueue_dma source(%dma_start3A_48 : memref<3128xf32, #tpu.memory_space<vmem>>) target(%dma_start3A_46 : memref<3128xf32, #tpu.memory_space<hbm>>) target_semaphore(%run_scoped3A_43 : memref<!tpu.dma_semaphore, #tpu.memory_space<semaphore_mem>>)
      %dma_wait3A = arith.constant 0 : i32
      %dma_wait3A_49 = tpu.memref_slice %arg12[%dma_wait3A] : memref<3136xf32, #tpu.memory_space<vmem>> -> memref<3128xf32, #tpu.memory_space<vmem>>
      %dma_wait3A_50 = tpu.memref_slice %arg7[%mul3A_2] : memref<100096xf32, #tpu.memory_space<hbm>> -> memref<3128xf32, #tpu.memory_space<hbm>>
      %dma_wait3A_51 = tpu.memref_slice %arg7[%mul3A_2] : memref<100096xf32, #tpu.memory_space<hbm>> -> memref<3128xf32, #tpu.memory_space<hbm>>
      %dma_wait3A_52 = arith.constant 0 : i32
      %dma_wait3A_53 = tpu.memref_slice %arg12[%dma_wait3A_52] : memref<3136xf32, #tpu.memory_space<vmem>> -> memref<3128xf32, #tpu.memory_space<vmem>>
      tpu.wait_dma2 semaphore(%run_scoped3A_43 : memref<!tpu.dma_semaphore, #tpu.memory_space<semaphore_mem>>) src(%dma_wait3A_53 : memref<3128xf32, #tpu.memory_space<vmem>>) dst(%dma_wait3A_51 : memref<3128xf32, #tpu.memory_space<hbm>>)
      tpu.yield
    }) : () -> ()
    return
  }
}

#map = affine_map<(d0, d1) -> (0)>
#map1 = affine_map<(d0, d1) -> (0, 0)>
module attributes {stable_mosaic.version = 14 : i64} {
  func.func @_sc_hist_body(%arg0: i32, %arg1: i32, %arg2: memref<3200000xi32, #tpu.memory_space<hbm>>, %arg3: memref<6256xi32, #tpu.memory_space<hbm>>, %arg4: memref<32x100096xi32, #tpu.memory_space<hbm>>, %arg5: memref<100096xi32, #tpu.memory_space<vmem>>, %arg6: memref<800xi32, #tpu.memory_space<vmem>>, %arg7: memref<800xi32, #tpu.memory_space<vmem>>, %arg8: memref<!tpu.dma_semaphore, #tpu.memory_space<semaphore_mem>>, %arg9: memref<!tpu.dma_semaphore, #tpu.memory_space<semaphore_mem>>) attributes {dimension_semantics = [#tpu.dimension_semantics<core_parallel>, #tpu.dimension_semantics<subcore_parallel>], iteration_bounds = array<i64: 2, 16>, scalar_prefetch = 0 : i64, scratch_operands = 5 : i64, tpu.core_type = #tpu.core_type<sc_vector_subcore>, window_params = [{transform_indices = #map}, {transform_indices = #map}, {transform_indices = #map1}]} {
    %mul3A = arith.constant 2 : i32
    %mul3A_0 = arith.muli %arg1, %mul3A : i32
    %add3A = arith.addi %mul3A_0, %arg0 : i32
    %scan3A = arith.constant 0 : i32
    %scan3A_1 = arith.constant 16 : i32
    %scan3A_2 = arith.addi %scan3A, %scan3A_1 : i32
    %scan3A_3 = arith.constant 1 : i32
    scf.for %scan3A_21 = %scan3A to %scan3A_2 step %scan3A_3  : i32 {
      %mul3A_22 = arith.constant 6256 : i32
      %mul3A_23 = arith.muli %scan3A_21, %mul3A_22 : i32
      %add3A_24 = arith.constant 0 : i32
      %add3A_25 = arith.addi %add3A_24, %mul3A_23 : i32
      "tpu.region"() ({
        %run_scoped3A = tpu.sem_alloc : memref<!tpu.dma_semaphore, #tpu.memory_space<semaphore_mem>>
        %dma_start3A_26 = tpu.memref_slice %arg5[%add3A_25] : memref<100096xi32, #tpu.memory_space<vmem>> -> memref<6256xi32, #tpu.memory_space<vmem>>
        %dma_start3A_27 = tpu.memref_slice %arg5[%add3A_25] : memref<100096xi32, #tpu.memory_space<vmem>> -> memref<6256xi32, #tpu.memory_space<vmem>>
        tpu.enqueue_dma source(%arg3 : memref<6256xi32, #tpu.memory_space<hbm>>) target(%dma_start3A_27 : memref<6256xi32, #tpu.memory_space<vmem>>) target_semaphore(%run_scoped3A : memref<!tpu.dma_semaphore, #tpu.memory_space<semaphore_mem>>)
        %dma_wait3A_28 = tpu.memref_slice %arg5[%add3A_25] : memref<100096xi32, #tpu.memory_space<vmem>> -> memref<6256xi32, #tpu.memory_space<vmem>>
        %dma_wait3A_29 = tpu.memref_slice %arg5[%add3A_25] : memref<100096xi32, #tpu.memory_space<vmem>> -> memref<6256xi32, #tpu.memory_space<vmem>>
        tpu.wait_dma2 semaphore(%run_scoped3A : memref<!tpu.dma_semaphore, #tpu.memory_space<semaphore_mem>>) src(%arg3 : memref<6256xi32, #tpu.memory_space<hbm>>) dst(%dma_wait3A_29 : memref<6256xi32, #tpu.memory_space<vmem>>)
        tpu.yield
      }) : () -> ()
    }
    %scan3A_4 = arith.constant 16 : i32
    %mul3A_5 = arith.constant 100000 : i32
    %mul3A_6 = arith.muli %add3A, %mul3A_5 : i32
    %add3A_7 = arith.constant 0 : i32
    %add3A_8 = arith.addi %mul3A_6, %add3A_7 : i32
    %dma_start3A = tpu.memref_slice %arg2[%add3A_8] : memref<3200000xi32, #tpu.memory_space<hbm>> -> memref<800xi32, #tpu.memory_space<hbm>>
    %dma_start3A_9 = tpu.memref_slice %arg2[%add3A_8] : memref<3200000xi32, #tpu.memory_space<hbm>> -> memref<800xi32, #tpu.memory_space<hbm>>
    tpu.enqueue_dma source(%dma_start3A_9 : memref<800xi32, #tpu.memory_space<hbm>>) target(%arg6 : memref<800xi32, #tpu.memory_space<vmem>>) target_semaphore(%arg8 : memref<!tpu.dma_semaphore, #tpu.memory_space<semaphore_mem>>)
    %scan3A_10 = arith.constant 0 : i32
    %scan3A_11 = arith.constant 62 : i32
    %scan3A_12 = arith.addi %scan3A_10, %scan3A_11 : i32
    %scan3A_13 = arith.constant 1 : i32
    scf.for %scan3A_21 = %scan3A_10 to %scan3A_12 step %scan3A_13  : i32 {
      %mul3A_22 = arith.constant 2 : i32
      %mul3A_23 = arith.muli %scan3A_21, %mul3A_22 : i32
      %add3A_24 = arith.constant 0 : i32
      %add3A_25 = arith.addi %add3A_24, %mul3A_23 : i32
      %add3A_26 = arith.constant 1 : i32
      %add3A_27 = arith.addi %add3A_25, %add3A_26 : i32
      %mul3A_28 = arith.constant 800 : i32
      %mul3A_29 = arith.muli %add3A_27, %mul3A_28 : i32
      %add3A_30 = arith.addi %mul3A_6, %mul3A_29 : i32
      %dma_start3A_31 = tpu.memref_slice %arg2[%add3A_30] : memref<3200000xi32, #tpu.memory_space<hbm>> -> memref<800xi32, #tpu.memory_space<hbm>>
      %dma_start3A_32 = tpu.memref_slice %arg2[%add3A_30] : memref<3200000xi32, #tpu.memory_space<hbm>> -> memref<800xi32, #tpu.memory_space<hbm>>
      tpu.enqueue_dma source(%dma_start3A_32 : memref<800xi32, #tpu.memory_space<hbm>>) target(%arg7 : memref<800xi32, #tpu.memory_space<vmem>>) target_semaphore(%arg9 : memref<!tpu.dma_semaphore, #tpu.memory_space<semaphore_mem>>)
      %dma_wait3A_33 = tpu.memref_slice %arg2[%mul3A_6] : memref<3200000xi32, #tpu.memory_space<hbm>> -> memref<800xi32, #tpu.memory_space<hbm>>
      %dma_wait3A_34 = tpu.memref_slice %arg2[%mul3A_6] : memref<3200000xi32, #tpu.memory_space<hbm>> -> memref<800xi32, #tpu.memory_space<hbm>>
      tpu.wait_dma2 semaphore(%arg8 : memref<!tpu.dma_semaphore, #tpu.memory_space<semaphore_mem>>) src(%dma_wait3A_34 : memref<800xi32, #tpu.memory_space<hbm>>) dst(%arg6 : memref<800xi32, #tpu.memory_space<vmem>>)
      %scan3A_35 = arith.constant 0 : i32
      %scan3A_36 = arith.constant 50 : i32
      %scan3A_37 = arith.addi %scan3A_35, %scan3A_36 : i32
      %scan3A_38 = arith.constant 1 : i32
      scf.for %scan3A_54 = %scan3A_35 to %scan3A_37 step %scan3A_38  : i32 {
        %mul3A_55 = arith.constant 16 : i32
        %mul3A_56 = arith.muli %scan3A_54, %mul3A_55 : i32
        %add3A_57 = arith.constant 0 : i32
        %add3A_58 = arith.addi %add3A_57, %mul3A_56 : i32
        %get3A = arith.index_cast %add3A_58 : i32 to index
        %get3A_59 = tpu.vector_load %arg6[%get3A] {strides = array<i32>} : memref<800xi32, #tpu.memory_space<vmem>>, vector<16xi32>,
        %iota3A = tpu.iota {dimensions = array<i32: 0>} : vector<16xi32>
        %masked_sort3A = arith.constant dense<true> : vector<16xi1>
        %masked_sort3A_60 = arith.constant -2147483648 : i32
        %masked_sort3A_61 = vector.broadcast %masked_sort3A_60 : i32 to vector<16xi32>
        %masked_sort3A_62 = arith.xori %get3A_59, %masked_sort3A_61 : vector<16xi32>
        %masked_sort3A_63, %masked_sort3A_64, %masked_sort3A_65 = tpu.sort %masked_sort3A_62, %iota3A masked %masked_sort3A : (vector<16xi32>, vector<16xi32>, vector<16xi1>) -> (vector<16xi1>, vector<16xi32>, vector<16xi32>)
        %masked_sort3A_66 = arith.xori %masked_sort3A_64, %masked_sort3A_61 : vector<16xi32>
        %sub3A = arith.constant 1 : i32
        %sub3A_67 = vector.broadcast %sub3A : i32 to vector<16xi32>
        %sub3A_68 = arith.subi %iota3A, %sub3A_67 : vector<16xi32>
        %max3A = arith.constant 0 : i32
        %max3A_69 = vector.broadcast %max3A : i32 to vector<16xi32>
        %max3A_70 = arith.maxsi %sub3A_68, %max3A_69 : vector<16xi32>
        %broadcast_in_dim3A = vector.shape_cast %max3A_70 : vector<16xi32> to vector<16x1xi32>
        %gather3A = vector.shape_cast %broadcast_in_dim3A : vector<16x1xi32> to vector<16xi32>
        %gather3A_71 = tpu.dynamic_gather %masked_sort3A_66[%gather3A] in [0] : vector<16xi32>, vector<16xi32> -> vector<16xi32>
        %eq3A = arith.constant 0 : i32
        %eq3A_72 = vector.broadcast %eq3A : i32 to vector<16xi32>
        %eq3A_73 = arith.cmpi eq, %iota3A, %eq3A_72 : vector<16xi32>
        %ne3A = arith.cmpi ne, %masked_sort3A_66, %gather3A_71 : vector<16xi32>
        %or3A = arith.ori %eq3A_73, %ne3A : vector<16xi1>
        %jit3A = arith.constant 0 : i32
        %broadcast_in_dim3A_74 = vector.broadcast %jit3A : i32 to vector<16xi32>
        %select_n3A = arith.select %or3A, %iota3A, %broadcast_in_dim3A_74 : vector<16xi1>, vector<16xi32>
        %broadcast_in_dim3A_75 = arith.constant true
        %broadcast_in_dim3A_76 = vector.broadcast %broadcast_in_dim3A_75 : i1 to vector<16xi1>
        %masked_cummax3A = arith.constant -2147483648 : i32
        %masked_cummax3A_77 = vector.broadcast %masked_cummax3A : i32 to vector<16xi32>
        %masked_cummax3A_78 = arith.xori %select_n3A, %masked_cummax3A_77 : vector<16xi32>
        %masked_cummax3A_79 = tpu.scan <max>, %masked_cummax3A_78 masked %broadcast_in_dim3A_76 : vector<16xi32>, vector<16xi1> -> vector<16xi32>
        %masked_cummax3A_80 = arith.xori %masked_cummax3A_79, %masked_cummax3A_77 : vector<16xi32>
        %sub3A_81 = arith.subi %iota3A, %masked_cummax3A_80 : vector<16xi32>
        %add3A_82 = arith.constant 1 : i32
        %add3A_83 = vector.broadcast %add3A_82 : i32 to vector<16xi32>
        %add3A_84 = arith.addi %iota3A, %add3A_83 : vector<16xi32>
        %min3A = arith.constant 15 : i32
        %min3A_85 = vector.broadcast %min3A : i32 to vector<16xi32>
        %min3A_86 = arith.minsi %add3A_84, %min3A_85 : vector<16xi32>
        %broadcast_in_dim3A_87 = vector.shape_cast %min3A_86 : vector<16xi32> to vector<16x1xi32>
        %gather3A_88 = vector.shape_cast %broadcast_in_dim3A_87 : vector<16x1xi32> to vector<16xi32>
        %gather3A_89 = tpu.dynamic_gather %masked_sort3A_66[%gather3A_88] in [0] : vector<16xi32>, vector<16xi32> -> vector<16xi32>
        %eq3A_90 = arith.constant 15 : i32
        %eq3A_91 = vector.broadcast %eq3A_90 : i32 to vector<16xi32>
        %eq3A_92 = arith.cmpi eq, %iota3A, %eq3A_91 : vector<16xi32>
        %ne3A_93 = arith.cmpi ne, %masked_sort3A_66, %gather3A_89 : vector<16xi32>
        %or3A_94 = arith.ori %eq3A_92, %ne3A_93 : vector<16xi1>
        %add3A_95 = arith.constant 1 : i32
        %add3A_96 = vector.broadcast %add3A_95 : i32 to vector<16xi32>
        %add3A_97 = arith.addi %sub3A_81, %add3A_96 : vector<16xi32>
        tpu.vector_store_idx %arg5[%masked_sort3A_66], %add3A_97 masked %or3A_94 {add = true} : memref<100096xi32, #tpu.memory_space<vmem>>[vector<16xi32>], vector<16xi32>, vector<16xi1>
      }
      %scan3A_39 = arith.constant 50 : i32
      %add3A_40 = arith.constant 2 : i32
      %add3A_41 = arith.addi %add3A_25, %add3A_40 : i32
      %mul3A_42 = arith.constant 800 : i32
      %mul3A_43 = arith.muli %add3A_41, %mul3A_42 : i32
      %add3A_44 = arith.addi %mul3A_6, %mul3A_43 : i32
      %dma_start3A_45 = tpu.memref_slice %arg2[%add3A_44] : memref<3200000xi32, #tpu.memory_space<hbm>> -> memref<800xi32, #tpu.memory_space<hbm>>
      %dma_start3A_46 = tpu.memref_slice %arg2[%add3A_44] : memref<3200000xi32, #tpu.memory_space<hbm>> -> memref<800xi32, #tpu.memory_space<hbm>>
      tpu.enqueue_dma source(%dma_start3A_46 : memref<800xi32, #tpu.memory_space<hbm>>) target(%arg6 : memref<800xi32, #tpu.memory_space<vmem>>) target_semaphore(%arg8 : memref<!tpu.dma_semaphore, #tpu.memory_space<semaphore_mem>>)
      %dma_wait3A_47 = tpu.memref_slice %arg2[%mul3A_6] : memref<3200000xi32, #tpu.memory_space<hbm>> -> memref<800xi32, #tpu.memory_space<hbm>>
      %dma_wait3A_48 = tpu.memref_slice %arg2[%mul3A_6] : memref<3200000xi32, #tpu.memory_space<hbm>> -> memref<800xi32, #tpu.memory_space<hbm>>
      tpu.wait_dma2 semaphore(%arg9 : memref<!tpu.dma_semaphore, #tpu.memory_space<semaphore_mem>>) src(%dma_wait3A_48 : memref<800xi32, #tpu.memory_space<hbm>>) dst(%arg7 : memref<800xi32, #tpu.memory_space<vmem>>)
      %scan3A_49 = arith.constant 0 : i32
      %scan3A_50 = arith.constant 50 : i32
      %scan3A_51 = arith.addi %scan3A_49, %scan3A_50 : i32
      %scan3A_52 = arith.constant 1 : i32
      scf.for %scan3A_54 = %scan3A_49 to %scan3A_51 step %scan3A_52  : i32 {
        %mul3A_55 = arith.constant 16 : i32
        %mul3A_56 = arith.muli %scan3A_54, %mul3A_55 : i32
        %add3A_57 = arith.constant 0 : i32
        %add3A_58 = arith.addi %add3A_57, %mul3A_56 : i32
        %get3A = arith.index_cast %add3A_58 : i32 to index
        %get3A_59 = tpu.vector_load %arg7[%get3A] {strides = array<i32>} : memref<800xi32, #tpu.memory_space<vmem>>, vector<16xi32>,
        %iota3A = tpu.iota {dimensions = array<i32: 0>} : vector<16xi32>
        %masked_sort3A = arith.constant dense<true> : vector<16xi1>
        %masked_sort3A_60 = arith.constant -2147483648 : i32
        %masked_sort3A_61 = vector.broadcast %masked_sort3A_60 : i32 to vector<16xi32>
        %masked_sort3A_62 = arith.xori %get3A_59, %masked_sort3A_61 : vector<16xi32>
        %masked_sort3A_63, %masked_sort3A_64, %masked_sort3A_65 = tpu.sort %masked_sort3A_62, %iota3A masked %masked_sort3A : (vector<16xi32>, vector<16xi32>, vector<16xi1>) -> (vector<16xi1>, vector<16xi32>, vector<16xi32>)
        %masked_sort3A_66 = arith.xori %masked_sort3A_64, %masked_sort3A_61 : vector<16xi32>
        %sub3A = arith.constant 1 : i32
        %sub3A_67 = vector.broadcast %sub3A : i32 to vector<16xi32>
        %sub3A_68 = arith.subi %iota3A, %sub3A_67 : vector<16xi32>
        %max3A = arith.constant 0 : i32
        %max3A_69 = vector.broadcast %max3A : i32 to vector<16xi32>
        %max3A_70 = arith.maxsi %sub3A_68, %max3A_69 : vector<16xi32>
        %broadcast_in_dim3A = vector.shape_cast %max3A_70 : vector<16xi32> to vector<16x1xi32>
        %gather3A = vector.shape_cast %broadcast_in_dim3A : vector<16x1xi32> to vector<16xi32>
        %gather3A_71 = tpu.dynamic_gather %masked_sort3A_66[%gather3A] in [0] : vector<16xi32>, vector<16xi32> -> vector<16xi32>
        %eq3A = arith.constant 0 : i32
        %eq3A_72 = vector.broadcast %eq3A : i32 to vector<16xi32>
        %eq3A_73 = arith.cmpi eq, %iota3A, %eq3A_72 : vector<16xi32>
        %ne3A = arith.cmpi ne, %masked_sort3A_66, %gather3A_71 : vector<16xi32>
        %or3A = arith.ori %eq3A_73, %ne3A : vector<16xi1>
        %jit3A = arith.constant 0 : i32
        %broadcast_in_dim3A_74 = vector.broadcast %jit3A : i32 to vector<16xi32>
        %select_n3A = arith.select %or3A, %iota3A, %broadcast_in_dim3A_74 : vector<16xi1>, vector<16xi32>
        %broadcast_in_dim3A_75 = arith.constant true
        %broadcast_in_dim3A_76 = vector.broadcast %broadcast_in_dim3A_75 : i1 to vector<16xi1>
        %masked_cummax3A = arith.constant -2147483648 : i32
        %masked_cummax3A_77 = vector.broadcast %masked_cummax3A : i32 to vector<16xi32>
        %masked_cummax3A_78 = arith.xori %select_n3A, %masked_cummax3A_77 : vector<16xi32>
        %masked_cummax3A_79 = tpu.scan <max>, %masked_cummax3A_78 masked %broadcast_in_dim3A_76 : vector<16xi32>, vector<16xi1> -> vector<16xi32>
        %masked_cummax3A_80 = arith.xori %masked_cummax3A_79, %masked_cummax3A_77 : vector<16xi32>
        %sub3A_81 = arith.subi %iota3A, %masked_cummax3A_80 : vector<16xi32>
        %add3A_82 = arith.constant 1 : i32
        %add3A_83 = vector.broadcast %add3A_82 : i32 to vector<16xi32>
        %add3A_84 = arith.addi %iota3A, %add3A_83 : vector<16xi32>
        %min3A = arith.constant 15 : i32
        %min3A_85 = vector.broadcast %min3A : i32 to vector<16xi32>
        %min3A_86 = arith.minsi %add3A_84, %min3A_85 : vector<16xi32>
        %broadcast_in_dim3A_87 = vector.shape_cast %min3A_86 : vector<16xi32> to vector<16x1xi32>
        %gather3A_88 = vector.shape_cast %broadcast_in_dim3A_87 : vector<16x1xi32> to vector<16xi32>
        %gather3A_89 = tpu.dynamic_gather %masked_sort3A_66[%gather3A_88] in [0] : vector<16xi32>, vector<16xi32> -> vector<16xi32>
        %eq3A_90 = arith.constant 15 : i32
        %eq3A_91 = vector.broadcast %eq3A_90 : i32 to vector<16xi32>
        %eq3A_92 = arith.cmpi eq, %iota3A, %eq3A_91 : vector<16xi32>
        %ne3A_93 = arith.cmpi ne, %masked_sort3A_66, %gather3A_89 : vector<16xi32>
        %or3A_94 = arith.ori %eq3A_92, %ne3A_93 : vector<16xi1>
        %add3A_95 = arith.constant 1 : i32
        %add3A_96 = vector.broadcast %add3A_95 : i32 to vector<16xi32>
        %add3A_97 = arith.addi %sub3A_81, %add3A_96 : vector<16xi32>
        tpu.vector_store_idx %arg5[%masked_sort3A_66], %add3A_97 masked %or3A_94 {add = true} : memref<100096xi32, #tpu.memory_space<vmem>>[vector<16xi32>], vector<16xi32>, vector<16xi1>
      }
      %scan3A_53 = arith.constant 50 : i32
    }
    %scan3A_14 = arith.constant 62 : i32
    %dma_wait3A = tpu.memref_slice %arg2[%mul3A_6] : memref<3200000xi32, #tpu.memory_space<hbm>> -> memref<800xi32, #tpu.memory_space<hbm>>
    %dma_wait3A_15 = tpu.memref_slice %arg2[%mul3A_6] : memref<3200000xi32, #tpu.memory_space<hbm>> -> memref<800xi32, #tpu.memory_space<hbm>>
    tpu.wait_dma2 semaphore(%arg8 : memref<!tpu.dma_semaphore, #tpu.memory_space<semaphore_mem>>) src(%dma_wait3A_15 : memref<800xi32, #tpu.memory_space<hbm>>) dst(%arg6 : memref<800xi32, #tpu.memory_space<vmem>>)
    %scan3A_16 = arith.constant 0 : i32
    %scan3A_17 = arith.constant 50 : i32
    %scan3A_18 = arith.addi %scan3A_16, %scan3A_17 : i32
    %scan3A_19 = arith.constant 1 : i32
    scf.for %scan3A_21 = %scan3A_16 to %scan3A_18 step %scan3A_19  : i32 {
      %mul3A_22 = arith.constant 16 : i32
      %mul3A_23 = arith.muli %scan3A_21, %mul3A_22 : i32
      %add3A_24 = arith.constant 0 : i32
      %add3A_25 = arith.addi %add3A_24, %mul3A_23 : i32
      %get3A = arith.index_cast %add3A_25 : i32 to index
      %get3A_26 = tpu.vector_load %arg6[%get3A] {strides = array<i32>} : memref<800xi32, #tpu.memory_space<vmem>>, vector<16xi32>,
      %iota3A = tpu.iota {dimensions = array<i32: 0>} : vector<16xi32>
      %masked_sort3A = arith.constant dense<true> : vector<16xi1>
      %masked_sort3A_27 = arith.constant -2147483648 : i32
      %masked_sort3A_28 = vector.broadcast %masked_sort3A_27 : i32 to vector<16xi32>
      %masked_sort3A_29 = arith.xori %get3A_26, %masked_sort3A_28 : vector<16xi32>
      %masked_sort3A_30, %masked_sort3A_31, %masked_sort3A_32 = tpu.sort %masked_sort3A_29, %iota3A masked %masked_sort3A : (vector<16xi32>, vector<16xi32>, vector<16xi1>) -> (vector<16xi1>, vector<16xi32>, vector<16xi32>)
      %masked_sort3A_33 = arith.xori %masked_sort3A_31, %masked_sort3A_28 : vector<16xi32>
      %sub3A = arith.constant 1 : i32
      %sub3A_34 = vector.broadcast %sub3A : i32 to vector<16xi32>
      %sub3A_35 = arith.subi %iota3A, %sub3A_34 : vector<16xi32>
      %max3A = arith.constant 0 : i32
      %max3A_36 = vector.broadcast %max3A : i32 to vector<16xi32>
      %max3A_37 = arith.maxsi %sub3A_35, %max3A_36 : vector<16xi32>
      %broadcast_in_dim3A = vector.shape_cast %max3A_37 : vector<16xi32> to vector<16x1xi32>
      %gather3A = vector.shape_cast %broadcast_in_dim3A : vector<16x1xi32> to vector<16xi32>
      %gather3A_38 = tpu.dynamic_gather %masked_sort3A_33[%gather3A] in [0] : vector<16xi32>, vector<16xi32> -> vector<16xi32>
      %eq3A = arith.constant 0 : i32
      %eq3A_39 = vector.broadcast %eq3A : i32 to vector<16xi32>
      %eq3A_40 = arith.cmpi eq, %iota3A, %eq3A_39 : vector<16xi32>
      %ne3A = arith.cmpi ne, %masked_sort3A_33, %gather3A_38 : vector<16xi32>
      %or3A = arith.ori %eq3A_40, %ne3A : vector<16xi1>
      %jit3A = arith.constant 0 : i32
      %broadcast_in_dim3A_41 = vector.broadcast %jit3A : i32 to vector<16xi32>
      %select_n3A = arith.select %or3A, %iota3A, %broadcast_in_dim3A_41 : vector<16xi1>, vector<16xi32>
      %broadcast_in_dim3A_42 = arith.constant true
      %broadcast_in_dim3A_43 = vector.broadcast %broadcast_in_dim3A_42 : i1 to vector<16xi1>
      %masked_cummax3A = arith.constant -2147483648 : i32
      %masked_cummax3A_44 = vector.broadcast %masked_cummax3A : i32 to vector<16xi32>
      %masked_cummax3A_45 = arith.xori %select_n3A, %masked_cummax3A_44 : vector<16xi32>
      %masked_cummax3A_46 = tpu.scan <max>, %masked_cummax3A_45 masked %broadcast_in_dim3A_43 : vector<16xi32>, vector<16xi1> -> vector<16xi32>
      %masked_cummax3A_47 = arith.xori %masked_cummax3A_46, %masked_cummax3A_44 : vector<16xi32>
      %sub3A_48 = arith.subi %iota3A, %masked_cummax3A_47 : vector<16xi32>
      %add3A_49 = arith.constant 1 : i32
      %add3A_50 = vector.broadcast %add3A_49 : i32 to vector<16xi32>
      %add3A_51 = arith.addi %iota3A, %add3A_50 : vector<16xi32>
      %min3A = arith.constant 15 : i32
      %min3A_52 = vector.broadcast %min3A : i32 to vector<16xi32>
      %min3A_53 = arith.minsi %add3A_51, %min3A_52 : vector<16xi32>
      %broadcast_in_dim3A_54 = vector.shape_cast %min3A_53 : vector<16xi32> to vector<16x1xi32>
      %gather3A_55 = vector.shape_cast %broadcast_in_dim3A_54 : vector<16x1xi32> to vector<16xi32>
      %gather3A_56 = tpu.dynamic_gather %masked_sort3A_33[%gather3A_55] in [0] : vector<16xi32>, vector<16xi32> -> vector<16xi32>
      %eq3A_57 = arith.constant 15 : i32
      %eq3A_58 = vector.broadcast %eq3A_57 : i32 to vector<16xi32>
      %eq3A_59 = arith.cmpi eq, %iota3A, %eq3A_58 : vector<16xi32>
      %ne3A_60 = arith.cmpi ne, %masked_sort3A_33, %gather3A_56 : vector<16xi32>
      %or3A_61 = arith.ori %eq3A_59, %ne3A_60 : vector<16xi1>
      %add3A_62 = arith.constant 1 : i32
      %add3A_63 = vector.broadcast %add3A_62 : i32 to vector<16xi32>
      %add3A_64 = arith.addi %sub3A_48, %add3A_63 : vector<16xi32>
      tpu.vector_store_idx %arg5[%masked_sort3A_33], %add3A_64 masked %or3A_61 {add = true} : memref<100096xi32, #tpu.memory_space<vmem>>[vector<16xi32>], vector<16xi32>, vector<16xi1>
    }
    %scan3A_20 = arith.constant 50 : i32
    "tpu.region"() ({
      %run_scoped3A = tpu.sem_alloc : memref<!tpu.dma_semaphore, #tpu.memory_space<semaphore_mem>>
      %dma_start3A_21 = arith.constant 0 : i32
      %dma_start3A_22 = tpu.memref_slice %arg4[%add3A, %dma_start3A_21] : memref<32x100096xi32, #tpu.memory_space<hbm>> -> memref<1x100096xi32, #tpu.memory_space<hbm>>
      %dma_start3A_23 = tpu.memref_squeeze %dma_start3A_22 : memref<1x100096xi32, #tpu.memory_space<hbm>> -> memref<100096xi32, #tpu.memory_space<hbm>>
      %dma_start3A_24 = arith.constant 0 : i32
      %dma_start3A_25 = tpu.memref_slice %arg4[%add3A, %dma_start3A_24] : memref<32x100096xi32, #tpu.memory_space<hbm>> -> memref<1x100096xi32, #tpu.memory_space<hbm>>
      %dma_start3A_26 = tpu.memref_squeeze %dma_start3A_25 : memref<1x100096xi32, #tpu.memory_space<hbm>> -> memref<100096xi32, #tpu.memory_space<hbm>>
      tpu.enqueue_dma source(%arg5 : memref<100096xi32, #tpu.memory_space<vmem>>) target(%dma_start3A_26 : memref<100096xi32, #tpu.memory_space<hbm>>) target_semaphore(%run_scoped3A : memref<!tpu.dma_semaphore, #tpu.memory_space<semaphore_mem>>)
      %dma_wait3A_27 = arith.constant 0 : i32
      %dma_wait3A_28 = tpu.memref_slice %arg4[%add3A, %dma_wait3A_27] : memref<32x100096xi32, #tpu.memory_space<hbm>> -> memref<1x100096xi32, #tpu.memory_space<hbm>>
      %dma_wait3A_29 = tpu.memref_squeeze %dma_wait3A_28 : memref<1x100096xi32, #tpu.memory_space<hbm>> -> memref<100096xi32, #tpu.memory_space<hbm>>
      %dma_wait3A_30 = arith.constant 0 : i32
      %dma_wait3A_31 = tpu.memref_slice %arg4[%add3A, %dma_wait3A_30] : memref<32x100096xi32, #tpu.memory_space<hbm>> -> memref<1x100096xi32, #tpu.memory_space<hbm>>
      %dma_wait3A_32 = tpu.memref_squeeze %dma_wait3A_31 : memref<1x100096xi32, #tpu.memory_space<hbm>> -> memref<100096xi32, #tpu.memory_space<hbm>>
      tpu.wait_dma2 semaphore(%run_scoped3A : memref<!tpu.dma_semaphore, #tpu.memory_space<semaphore_mem>>) src(%arg5 : memref<100096xi32, #tpu.memory_space<vmem>>) dst(%dma_wait3A_32 : memref<100096xi32, #tpu.memory_space<hbm>>)
      tpu.yield
    }) : () -> ()
    return
  }
}

#map = affine_map<(d0, d1) -> (0)>
#map1 = affine_map<(d0, d1) -> (0, 0)>
module attributes {stable_mosaic.version = 14 : i64} {
  func.func @_sc_place_body(%arg0: i32, %arg1: i32, %arg2: memref<3200000xi32, #tpu.memory_space<hbm>>, %arg3: memref<3200000x16xf32, #tpu.memory_space<hbm>>, %arg4: memref<32x100096xi32, #tpu.memory_space<hbm>>, %arg5: memref<3201008x16xf32, #tpu.memory_space<hbm>>, %arg6: memref<100096xi32, #tpu.memory_space<vmem>>, %arg7: memref<800xi32, #tpu.memory_space<vmem>>, %arg8: memref<800x16xf32, #tpu.memory_space<vmem>>, %arg9: memref<800xi32, #tpu.memory_space<vmem>>, %arg10: memref<800xi32, #tpu.memory_space<vmem>>, %arg11: memref<800x16xf32, #tpu.memory_space<vmem>>, %arg12: memref<800xi32, #tpu.memory_space<vmem>>, %arg13: memref<16xi32, #tpu.memory_space<vmem>>, %arg14: memref<!tpu.dma_semaphore, #tpu.memory_space<semaphore_mem>>, %arg15: memref<!tpu.dma_semaphore, #tpu.memory_space<semaphore_mem>>, %arg16: memref<!tpu.dma_semaphore, #tpu.memory_space<semaphore_mem>>, %arg17: memref<!tpu.dma_semaphore, #tpu.memory_space<semaphore_mem>>) attributes {dimension_semantics = [#tpu.dimension_semantics<core_parallel>, #tpu.dimension_semantics<subcore_parallel>], iteration_bounds = array<i64: 2, 16>, scalar_prefetch = 0 : i64, scratch_operands = 12 : i64, tpu.core_type = #tpu.core_type<sc_vector_subcore>, window_params = [{transform_indices = #map}, {transform_indices = #map1}, {transform_indices = #map1}, {transform_indices = #map1}]} {
    %mul3A = arith.constant 2 : i32
    %mul3A_0 = arith.muli %arg1, %mul3A : i32
    %add3A = arith.addi %mul3A_0, %arg0 : i32
    "tpu.region"() ({
      %run_scoped3A = tpu.sem_alloc : memref<!tpu.dma_semaphore, #tpu.memory_space<semaphore_mem>>
      %dma_start3A_24 = arith.constant 0 : i32
      %dma_start3A_25 = tpu.memref_slice %arg4[%add3A, %dma_start3A_24] : memref<32x100096xi32, #tpu.memory_space<hbm>> -> memref<1x100096xi32, #tpu.memory_space<hbm>>
      %dma_start3A_26 = tpu.memref_squeeze %dma_start3A_25 : memref<1x100096xi32, #tpu.memory_space<hbm>> -> memref<100096xi32, #tpu.memory_space<hbm>>
      %dma_start3A_27 = arith.constant 0 : i32
      %dma_start3A_28 = tpu.memref_slice %arg4[%add3A, %dma_start3A_27] : memref<32x100096xi32, #tpu.memory_space<hbm>> -> memref<1x100096xi32, #tpu.memory_space<hbm>>
      %dma_start3A_29 = tpu.memref_squeeze %dma_start3A_28 : memref<1x100096xi32, #tpu.memory_space<hbm>> -> memref<100096xi32, #tpu.memory_space<hbm>>
      tpu.enqueue_dma source(%dma_start3A_29 : memref<100096xi32, #tpu.memory_space<hbm>>) target(%arg6 : memref<100096xi32, #tpu.memory_space<vmem>>) target_semaphore(%run_scoped3A : memref<!tpu.dma_semaphore, #tpu.memory_space<semaphore_mem>>)
      %dma_wait3A_30 = arith.constant 0 : i32
      %dma_wait3A_31 = tpu.memref_slice %arg4[%add3A, %dma_wait3A_30] : memref<32x100096xi32, #tpu.memory_space<hbm>> -> memref<1x100096xi32, #tpu.memory_space<hbm>>
      %dma_wait3A_32 = tpu.memref_squeeze %dma_wait3A_31 : memref<1x100096xi32, #tpu.memory_space<hbm>> -> memref<100096xi32, #tpu.memory_space<hbm>>
      %dma_wait3A_33 = arith.constant 0 : i32
      %dma_wait3A_34 = tpu.memref_slice %arg4[%add3A, %dma_wait3A_33] : memref<32x100096xi32, #tpu.memory_space<hbm>> -> memref<1x100096xi32, #tpu.memory_space<hbm>>
      %dma_wait3A_35 = tpu.memref_squeeze %dma_wait3A_34 : memref<1x100096xi32, #tpu.memory_space<hbm>> -> memref<100096xi32, #tpu.memory_space<hbm>>
      tpu.wait_dma2 semaphore(%run_scoped3A : memref<!tpu.dma_semaphore, #tpu.memory_space<semaphore_mem>>) src(%dma_wait3A_35 : memref<100096xi32, #tpu.memory_space<hbm>>) dst(%arg6 : memref<100096xi32, #tpu.memory_space<vmem>>)
      tpu.yield
    }) : () -> ()
    %mul3A_1 = arith.constant 100000 : i32
    %mul3A_2 = arith.muli %add3A, %mul3A_1 : i32
    %add3A_3 = arith.constant 0 : i32
    %add3A_4 = arith.addi %mul3A_2, %add3A_3 : i32
    %dma_start3A = tpu.memref_slice %arg2[%add3A_4] : memref<3200000xi32, #tpu.memory_space<hbm>> -> memref<800xi32, #tpu.memory_space<hbm>>
    %dma_start3A_5 = tpu.memref_slice %arg2[%add3A_4] : memref<3200000xi32, #tpu.memory_space<hbm>> -> memref<800xi32, #tpu.memory_space<hbm>>
    tpu.enqueue_dma source(%dma_start3A_5 : memref<800xi32, #tpu.memory_space<hbm>>) target(%arg7 : memref<800xi32, #tpu.memory_space<vmem>>) target_semaphore(%arg14 : memref<!tpu.dma_semaphore, #tpu.memory_space<semaphore_mem>>)
    %dma_start3A_6 = arith.constant 0 : i32
    %dma_start3A_7 = tpu.memref_slice %arg3[%add3A_4, %dma_start3A_6] : memref<3200000x16xf32, #tpu.memory_space<hbm>> -> memref<800x16xf32, #tpu.memory_space<hbm>>
    %dma_start3A_8 = arith.constant 0 : i32
    %dma_start3A_9 = tpu.memref_slice %arg3[%add3A_4, %dma_start3A_8] : memref<3200000x16xf32, #tpu.memory_space<hbm>> -> memref<800x16xf32, #tpu.memory_space<hbm>>
    tpu.enqueue_dma source(%dma_start3A_9 : memref<800x16xf32, #tpu.memory_space<hbm>>) target(%arg8 : memref<800x16xf32, #tpu.memory_space<vmem>>) target_semaphore(%arg15 : memref<!tpu.dma_semaphore, #tpu.memory_space<semaphore_mem>>)
    %scan3A = arith.constant 0 : i32
    %scan3A_10 = arith.constant 62 : i32
    %scan3A_11 = arith.addi %scan3A, %scan3A_10 : i32
    %scan3A_12 = arith.constant 1 : i32
    scf.for %scan3A_24 = %scan3A to %scan3A_11 step %scan3A_12  : i32 {
      %mul3A_25 = arith.constant 2 : i32
      %mul3A_26 = arith.muli %scan3A_24, %mul3A_25 : i32
      %add3A_27 = arith.constant 0 : i32
      %add3A_28 = arith.addi %add3A_27, %mul3A_26 : i32
      %add3A_29 = arith.constant 1 : i32
      %add3A_30 = arith.addi %add3A_28, %add3A_29 : i32
      %mul3A_31 = arith.constant 800 : i32
      %mul3A_32 = arith.muli %add3A_30, %mul3A_31 : i32
      %add3A_33 = arith.addi %mul3A_2, %mul3A_32 : i32
      %dma_start3A_34 = tpu.memref_slice %arg2[%add3A_33] : memref<3200000xi32, #tpu.memory_space<hbm>> -> memref<800xi32, #tpu.memory_space<hbm>>
      %dma_start3A_35 = tpu.memref_slice %arg2[%add3A_33] : memref<3200000xi32, #tpu.memory_space<hbm>> -> memref<800xi32, #tpu.memory_space<hbm>>
      tpu.enqueue_dma source(%dma_start3A_35 : memref<800xi32, #tpu.memory_space<hbm>>) target(%arg10 : memref<800xi32, #tpu.memory_space<vmem>>) target_semaphore(%arg16 : memref<!tpu.dma_semaphore, #tpu.memory_space<semaphore_mem>>)
      %dma_start3A_36 = arith.constant 0 : i32
      %dma_start3A_37 = tpu.memref_slice %arg3[%add3A_33, %dma_start3A_36] : memref<3200000x16xf32, #tpu.memory_space<hbm>> -> memref<800x16xf32, #tpu.memory_space<hbm>>
      %dma_start3A_38 = arith.constant 0 : i32
      %dma_start3A_39 = tpu.memref_slice %arg3[%add3A_33, %dma_start3A_38] : memref<3200000x16xf32, #tpu.memory_space<hbm>> -> memref<800x16xf32, #tpu.memory_space<hbm>>
      tpu.enqueue_dma source(%dma_start3A_39 : memref<800x16xf32, #tpu.memory_space<hbm>>) target(%arg11 : memref<800x16xf32, #tpu.memory_space<vmem>>) target_semaphore(%arg17 : memref<!tpu.dma_semaphore, #tpu.memory_space<semaphore_mem>>)
      %dma_wait3A_40 = tpu.memref_slice %arg2[%mul3A_2] : memref<3200000xi32, #tpu.memory_space<hbm>> -> memref<800xi32, #tpu.memory_space<hbm>>
      %dma_wait3A_41 = tpu.memref_slice %arg2[%mul3A_2] : memref<3200000xi32, #tpu.memory_space<hbm>> -> memref<800xi32, #tpu.memory_space<hbm>>
      tpu.wait_dma2 semaphore(%arg14 : memref<!tpu.dma_semaphore, #tpu.memory_space<semaphore_mem>>) src(%dma_wait3A_41 : memref<800xi32, #tpu.memory_space<hbm>>) dst(%arg7 : memref<800xi32, #tpu.memory_space<vmem>>)
      %dma_wait3A_42 = arith.constant 0 : i32
      %dma_wait3A_43 = tpu.memref_slice %arg3[%mul3A_2, %dma_wait3A_42] : memref<3200000x16xf32, #tpu.memory_space<hbm>> -> memref<800x16xf32, #tpu.memory_space<hbm>>
      %dma_wait3A_44 = arith.constant 0 : i32
      %dma_wait3A_45 = tpu.memref_slice %arg3[%mul3A_2, %dma_wait3A_44] : memref<3200000x16xf32, #tpu.memory_space<hbm>> -> memref<800x16xf32, #tpu.memory_space<hbm>>
      tpu.wait_dma2 semaphore(%arg15 : memref<!tpu.dma_semaphore, #tpu.memory_space<semaphore_mem>>) src(%dma_wait3A_45 : memref<800x16xf32, #tpu.memory_space<hbm>>) dst(%arg8 : memref<800x16xf32, #tpu.memory_space<vmem>>)
      %scan3A_46 = arith.constant 0 : i32
      %scan3A_47 = arith.constant 50 : i32
      %scan3A_48 = arith.addi %scan3A_46, %scan3A_47 : i32
      %scan3A_49 = arith.constant 1 : i32
      scf.for %scan3A_73 = %scan3A_46 to %scan3A_48 step %scan3A_49  : i32 {
        %mul3A_74 = arith.constant 16 : i32
        %mul3A_75 = arith.muli %scan3A_73, %mul3A_74 : i32
        %add3A_76 = arith.constant 0 : i32
        %add3A_77 = arith.addi %add3A_76, %mul3A_75 : i32
        %get3A = arith.index_cast %add3A_77 : i32 to index
        %get3A_78 = tpu.vector_load %arg7[%get3A] {strides = array<i32>} : memref<800xi32, #tpu.memory_space<vmem>>, vector<16xi32>,
        %iota3A = tpu.iota {dimensions = array<i32: 0>} : vector<16xi32>
        %masked_sort3A = arith.constant dense<true> : vector<16xi1>
        %masked_sort3A_79 = arith.constant -2147483648 : i32
        %masked_sort3A_80 = vector.broadcast %masked_sort3A_79 : i32 to vector<16xi32>
        %masked_sort3A_81 = arith.xori %get3A_78, %masked_sort3A_80 : vector<16xi32>
        %masked_sort3A_82, %masked_sort3A_83, %masked_sort3A_84 = tpu.sort %masked_sort3A_81, %iota3A masked %masked_sort3A : (vector<16xi32>, vector<16xi32>, vector<16xi1>) -> (vector<16xi1>, vector<16xi32>, vector<16xi32>)
        %masked_sort3A_85 = arith.xori %masked_sort3A_83, %masked_sort3A_80 : vector<16xi32>
        %sub3A = arith.constant 1 : i32
        %sub3A_86 = vector.broadcast %sub3A : i32 to vector<16xi32>
        %sub3A_87 = arith.subi %iota3A, %sub3A_86 : vector<16xi32>
        %max3A = arith.constant 0 : i32
        %max3A_88 = vector.broadcast %max3A : i32 to vector<16xi32>
        %max3A_89 = arith.maxsi %sub3A_87, %max3A_88 : vector<16xi32>
        %broadcast_in_dim3A = vector.shape_cast %max3A_89 : vector<16xi32> to vector<16x1xi32>
        %gather3A = vector.shape_cast %broadcast_in_dim3A : vector<16x1xi32> to vector<16xi32>
        %gather3A_90 = tpu.dynamic_gather %masked_sort3A_85[%gather3A] in [0] : vector<16xi32>, vector<16xi32> -> vector<16xi32>
        %eq3A = arith.constant 0 : i32
        %eq3A_91 = vector.broadcast %eq3A : i32 to vector<16xi32>
        %eq3A_92 = arith.cmpi eq, %iota3A, %eq3A_91 : vector<16xi32>
        %ne3A = arith.cmpi ne, %masked_sort3A_85, %gather3A_90 : vector<16xi32>
        %or3A = arith.ori %eq3A_92, %ne3A : vector<16xi1>
        %jit3A = arith.constant 0 : i32
        %broadcast_in_dim3A_93 = vector.broadcast %jit3A : i32 to vector<16xi32>
        %select_n3A = arith.select %or3A, %iota3A, %broadcast_in_dim3A_93 : vector<16xi1>, vector<16xi32>
        %broadcast_in_dim3A_94 = arith.constant true
        %broadcast_in_dim3A_95 = vector.broadcast %broadcast_in_dim3A_94 : i1 to vector<16xi1>
        %masked_cummax3A = arith.constant -2147483648 : i32
        %masked_cummax3A_96 = vector.broadcast %masked_cummax3A : i32 to vector<16xi32>
        %masked_cummax3A_97 = arith.xori %select_n3A, %masked_cummax3A_96 : vector<16xi32>
        %masked_cummax3A_98 = tpu.scan <max>, %masked_cummax3A_97 masked %broadcast_in_dim3A_95 : vector<16xi32>, vector<16xi1> -> vector<16xi32>
        %masked_cummax3A_99 = arith.xori %masked_cummax3A_98, %masked_cummax3A_96 : vector<16xi32>
        %sub3A_100 = arith.subi %iota3A, %masked_cummax3A_99 : vector<16xi32>
        %add3A_101 = arith.constant 1 : i32
        %add3A_102 = vector.broadcast %add3A_101 : i32 to vector<16xi32>
        %add3A_103 = arith.addi %iota3A, %add3A_102 : vector<16xi32>
        %min3A = arith.constant 15 : i32
        %min3A_104 = vector.broadcast %min3A : i32 to vector<16xi32>
        %min3A_105 = arith.minsi %add3A_103, %min3A_104 : vector<16xi32>
        %broadcast_in_dim3A_106 = vector.shape_cast %min3A_105 : vector<16xi32> to vector<16x1xi32>
        %gather3A_107 = vector.shape_cast %broadcast_in_dim3A_106 : vector<16x1xi32> to vector<16xi32>
        %gather3A_108 = tpu.dynamic_gather %masked_sort3A_85[%gather3A_107] in [0] : vector<16xi32>, vector<16xi32> -> vector<16xi32>
        %eq3A_109 = arith.constant 15 : i32
        %eq3A_110 = vector.broadcast %eq3A_109 : i32 to vector<16xi32>
        %eq3A_111 = arith.cmpi eq, %iota3A, %eq3A_110 : vector<16xi32>
        %ne3A_112 = arith.cmpi ne, %masked_sort3A_85, %gather3A_108 : vector<16xi32>
        %or3A_113 = arith.ori %eq3A_111, %ne3A_112 : vector<16xi1>
        %gather3A_114 = tpu.vector_load_idx %arg6[%masked_sort3A_85] : memref<100096xi32, #tpu.memory_space<vmem>>[vector<16xi32>], vector<16xi32>,
        %add3A_115 = arith.addi %gather3A_114, %sub3A_100 : vector<16xi32>
        %add3A_116 = arith.constant 1 : i32
        %add3A_117 = vector.broadcast %add3A_116 : i32 to vector<16xi32>
        %add3A_118 = arith.addi %add3A_115, %add3A_117 : vector<16xi32>
        tpu.vector_store_idx %arg6[%masked_sort3A_85], %add3A_118 masked %or3A_113 : memref<100096xi32, #tpu.memory_space<vmem>>[vector<16xi32>], vector<16xi32>, vector<16xi1>
        tpu.vector_store_idx %arg13[%masked_sort3A_84], %add3A_115 : memref<16xi32, #tpu.memory_space<vmem>>[vector<16xi32>], vector<16xi32>,
        %get3A_119 = arith.constant 0 : index
        %get3A_120 = tpu.vector_load %arg13[%get3A_119] {strides = array<i32>} : memref<16xi32, #tpu.memory_space<vmem>>, vector<16xi32>,
        %swap3A = arith.index_cast %add3A_77 : i32 to index
        %swap3A_121 = tpu.vector_load %arg9[%swap3A] {strides = array<i32>} : memref<800xi32, #tpu.memory_space<vmem>>, vector<16xi32>,
        tpu.vector_store %arg9[%swap3A], %get3A_120 {strides = array<i32>} : memref<800xi32, #tpu.memory_space<vmem>>, vector<16xi32>,
      }
      %scan3A_50 = arith.constant 50 : i32
      "tpu.region"() ({
        %run_scoped3A = tpu.sem_alloc : memref<!tpu.dma_semaphore, #tpu.memory_space<semaphore_mem>>
        %dma_start3A_73 = arith.constant 0 : i32
        %dma_start3A_74 = arith.constant 0 : i32
        %dma_start3A_75 = tpu.memref_slice %arg5[%dma_start3A_73, %dma_start3A_74] : memref<3201008x16xf32, #tpu.memory_space<hbm>> -> memref<3201008x16xf32, #tpu.memory_space<hbm>>
        tpu.enqueue_indirect_dma source(%arg8 : memref<800x16xf32, #tpu.memory_space<vmem>>) target(%dma_start3A_75 : memref<3201008x16xf32, #tpu.memory_space<hbm>>) offsets(%arg9 : memref<800xi32, #tpu.memory_space<vmem>>) semaphore(%run_scoped3A : memref<!tpu.dma_semaphore, #tpu.memory_space<semaphore_mem>>)
        %dma_wait3A_76 = arith.constant 0 : i32
        %dma_wait3A_77 = arith.constant 0 : i32
        %dma_wait3A_78 = tpu.memref_slice %arg5[%dma_wait3A_76, %dma_wait3A_77] : memref<3201008x16xf32, #tpu.memory_space<hbm>> -> memref<3201008x16xf32, #tpu.memory_space<hbm>>
        tpu.wait_indirect_dma semaphore(%run_scoped3A : memref<!tpu.dma_semaphore, #tpu.memory_space<semaphore_mem>>) src(%arg8 : memref<800x16xf32, #tpu.memory_space<vmem>>) dst(%dma_wait3A_78 : memref<3201008x16xf32, #tpu.memory_space<hbm>>)
        tpu.yield
      }) : () -> ()
      %add3A_51 = arith.constant 2 : i32
      %add3A_52 = arith.addi %add3A_28, %add3A_51 : i32
      %mul3A_53 = arith.constant 800 : i32
      %mul3A_54 = arith.muli %add3A_52, %mul3A_53 : i32
      %add3A_55 = arith.addi %mul3A_2, %mul3A_54 : i32
      %dma_start3A_56 = tpu.memref_slice %arg2[%add3A_55] : memref<3200000xi32, #tpu.memory_space<hbm>> -> memref<800xi32, #tpu.memory_space<hbm>>
      %dma_start3A_57 = tpu.memref_slice %arg2[%add3A_55] : memref<3200000xi32, #tpu.memory_space<hbm>> -> memref<800xi32, #tpu.memory_space<hbm>>
      tpu.enqueue_dma source(%dma_start3A_57 : memref<800xi32, #tpu.memory_space<hbm>>) target(%arg7 : memref<800xi32, #tpu.memory_space<vmem>>) target_semaphore(%arg14 : memref<!tpu.dma_semaphore, #tpu.memory_space<semaphore_mem>>)
      %dma_start3A_58 = arith.constant 0 : i32
      %dma_start3A_59 = tpu.memref_slice %arg3[%add3A_55, %dma_start3A_58] : memref<3200000x16xf32, #tpu.memory_space<hbm>> -> memref<800x16xf32, #tpu.memory_space<hbm>>
      %dma_start3A_60 = arith.constant 0 : i32
      %dma_start3A_61 = tpu.memref_slice %arg3[%add3A_55, %dma_start3A_60] : memref<3200000x16xf32, #tpu.memory_space<hbm>> -> memref<800x16xf32, #tpu.memory_space<hbm>>
      tpu.enqueue_dma source(%dma_start3A_61 : memref<800x16xf32, #tpu.memory_space<hbm>>) target(%arg8 : memref<800x16xf32, #tpu.memory_space<vmem>>) target_semaphore(%arg15 : memref<!tpu.dma_semaphore, #tpu.memory_space<semaphore_mem>>)
      %dma_wait3A_62 = tpu.memref_slice %arg2[%mul3A_2] : memref<3200000xi32, #tpu.memory_space<hbm>> -> memref<800xi32, #tpu.memory_space<hbm>>
      %dma_wait3A_63 = tpu.memref_slice %arg2[%mul3A_2] : memref<3200000xi32, #tpu.memory_space<hbm>> -> memref<800xi32, #tpu.memory_space<hbm>>
      tpu.wait_dma2 semaphore(%arg16 : memref<!tpu.dma_semaphore, #tpu.memory_space<semaphore_mem>>) src(%dma_wait3A_63 : memref<800xi32, #tpu.memory_space<hbm>>) dst(%arg10 : memref<800xi32, #tpu.memory_space<vmem>>)
      %dma_wait3A_64 = arith.constant 0 : i32
      %dma_wait3A_65 = tpu.memref_slice %arg3[%mul3A_2, %dma_wait3A_64] : memref<3200000x16xf32, #tpu.memory_space<hbm>> -> memref<800x16xf32, #tpu.memory_space<hbm>>
      %dma_wait3A_66 = arith.constant 0 : i32
      %dma_wait3A_67 = tpu.memref_slice %arg3[%mul3A_2, %dma_wait3A_66] : memref<3200000x16xf32, #tpu.memory_space<hbm>> -> memref<800x16xf32, #tpu.memory_space<hbm>>
      tpu.wait_dma2 semaphore(%arg17 : memref<!tpu.dma_semaphore, #tpu.memory_space<semaphore_mem>>) src(%dma_wait3A_67 : memref<800x16xf32, #tpu.memory_space<hbm>>) dst(%arg11 : memref<800x16xf32, #tpu.memory_space<vmem>>)
      %scan3A_68 = arith.constant 0 : i32
      %scan3A_69 = arith.constant 50 : i32
      %scan3A_70 = arith.addi %scan3A_68, %scan3A_69 : i32
      %scan3A_71 = arith.constant 1 : i32
      scf.for %scan3A_73 = %scan3A_68 to %scan3A_70 step %scan3A_71  : i32 {
        %mul3A_74 = arith.constant 16 : i32
        %mul3A_75 = arith.muli %scan3A_73, %mul3A_74 : i32
        %add3A_76 = arith.constant 0 : i32
        %add3A_77 = arith.addi %add3A_76, %mul3A_75 : i32
        %get3A = arith.index_cast %add3A_77 : i32 to index
        %get3A_78 = tpu.vector_load %arg10[%get3A] {strides = array<i32>} : memref<800xi32, #tpu.memory_space<vmem>>, vector<16xi32>,
        %iota3A = tpu.iota {dimensions = array<i32: 0>} : vector<16xi32>
        %masked_sort3A = arith.constant dense<true> : vector<16xi1>
        %masked_sort3A_79 = arith.constant -2147483648 : i32
        %masked_sort3A_80 = vector.broadcast %masked_sort3A_79 : i32 to vector<16xi32>
        %masked_sort3A_81 = arith.xori %get3A_78, %masked_sort3A_80 : vector<16xi32>
        %masked_sort3A_82, %masked_sort3A_83, %masked_sort3A_84 = tpu.sort %masked_sort3A_81, %iota3A masked %masked_sort3A : (vector<16xi32>, vector<16xi32>, vector<16xi1>) -> (vector<16xi1>, vector<16xi32>, vector<16xi32>)
        %masked_sort3A_85 = arith.xori %masked_sort3A_83, %masked_sort3A_80 : vector<16xi32>
        %sub3A = arith.constant 1 : i32
        %sub3A_86 = vector.broadcast %sub3A : i32 to vector<16xi32>
        %sub3A_87 = arith.subi %iota3A, %sub3A_86 : vector<16xi32>
        %max3A = arith.constant 0 : i32
        %max3A_88 = vector.broadcast %max3A : i32 to vector<16xi32>
        %max3A_89 = arith.maxsi %sub3A_87, %max3A_88 : vector<16xi32>
        %broadcast_in_dim3A = vector.shape_cast %max3A_89 : vector<16xi32> to vector<16x1xi32>
        %gather3A = vector.shape_cast %broadcast_in_dim3A : vector<16x1xi32> to vector<16xi32>
        %gather3A_90 = tpu.dynamic_gather %masked_sort3A_85[%gather3A] in [0] : vector<16xi32>, vector<16xi32> -> vector<16xi32>
        %eq3A = arith.constant 0 : i32
        %eq3A_91 = vector.broadcast %eq3A : i32 to vector<16xi32>
        %eq3A_92 = arith.cmpi eq, %iota3A, %eq3A_91 : vector<16xi32>
        %ne3A = arith.cmpi ne, %masked_sort3A_85, %gather3A_90 : vector<16xi32>
        %or3A = arith.ori %eq3A_92, %ne3A : vector<16xi1>
        %jit3A = arith.constant 0 : i32
        %broadcast_in_dim3A_93 = vector.broadcast %jit3A : i32 to vector<16xi32>
        %select_n3A = arith.select %or3A, %iota3A, %broadcast_in_dim3A_93 : vector<16xi1>, vector<16xi32>
        %broadcast_in_dim3A_94 = arith.constant true
        %broadcast_in_dim3A_95 = vector.broadcast %broadcast_in_dim3A_94 : i1 to vector<16xi1>
        %masked_cummax3A = arith.constant -2147483648 : i32
        %masked_cummax3A_96 = vector.broadcast %masked_cummax3A : i32 to vector<16xi32>
        %masked_cummax3A_97 = arith.xori %select_n3A, %masked_cummax3A_96 : vector<16xi32>
        %masked_cummax3A_98 = tpu.scan <max>, %masked_cummax3A_97 masked %broadcast_in_dim3A_95 : vector<16xi32>, vector<16xi1> -> vector<16xi32>
        %masked_cummax3A_99 = arith.xori %masked_cummax3A_98, %masked_cummax3A_96 : vector<16xi32>
        %sub3A_100 = arith.subi %iota3A, %masked_cummax3A_99 : vector<16xi32>
        %add3A_101 = arith.constant 1 : i32
        %add3A_102 = vector.broadcast %add3A_101 : i32 to vector<16xi32>
        %add3A_103 = arith.addi %iota3A, %add3A_102 : vector<16xi32>
        %min3A = arith.constant 15 : i32
        %min3A_104 = vector.broadcast %min3A : i32 to vector<16xi32>
        %min3A_105 = arith.minsi %add3A_103, %min3A_104 : vector<16xi32>
        %broadcast_in_dim3A_106 = vector.shape_cast %min3A_105 : vector<16xi32> to vector<16x1xi32>
        %gather3A_107 = vector.shape_cast %broadcast_in_dim3A_106 : vector<16x1xi32> to vector<16xi32>
        %gather3A_108 = tpu.dynamic_gather %masked_sort3A_85[%gather3A_107] in [0] : vector<16xi32>, vector<16xi32> -> vector<16xi32>
        %eq3A_109 = arith.constant 15 : i32
        %eq3A_110 = vector.broadcast %eq3A_109 : i32 to vector<16xi32>
        %eq3A_111 = arith.cmpi eq, %iota3A, %eq3A_110 : vector<16xi32>
        %ne3A_112 = arith.cmpi ne, %masked_sort3A_85, %gather3A_108 : vector<16xi32>
        %or3A_113 = arith.ori %eq3A_111, %ne3A_112 : vector<16xi1>
        %gather3A_114 = tpu.vector_load_idx %arg6[%masked_sort3A_85] : memref<100096xi32, #tpu.memory_space<vmem>>[vector<16xi32>], vector<16xi32>,
        %add3A_115 = arith.addi %gather3A_114, %sub3A_100 : vector<16xi32>
        %add3A_116 = arith.constant 1 : i32
        %add3A_117 = vector.broadcast %add3A_116 : i32 to vector<16xi32>
        %add3A_118 = arith.addi %add3A_115, %add3A_117 : vector<16xi32>
        tpu.vector_store_idx %arg6[%masked_sort3A_85], %add3A_118 masked %or3A_113 : memref<100096xi32, #tpu.memory_space<vmem>>[vector<16xi32>], vector<16xi32>, vector<16xi1>
        tpu.vector_store_idx %arg13[%masked_sort3A_84], %add3A_115 : memref<16xi32, #tpu.memory_space<vmem>>[vector<16xi32>], vector<16xi32>,
        %get3A_119 = arith.constant 0 : index
        %get3A_120 = tpu.vector_load %arg13[%get3A_119] {strides = array<i32>} : memref<16xi32, #tpu.memory_space<vmem>>, vector<16xi32>,
        %swap3A = arith.index_cast %add3A_77 : i32 to index
        %swap3A_121 = tpu.vector_load %arg12[%swap3A] {strides = array<i32>} : memref<800xi32, #tpu.memory_space<vmem>>, vector<16xi32>,
        tpu.vector_store %arg12[%swap3A], %get3A_120 {strides = array<i32>} : memref<800xi32, #tpu.memory_space<vmem>>, vector<16xi32>,
      }
      %scan3A_72 = arith.constant 50 : i32
      "tpu.region"() ({
        %run_scoped3A = tpu.sem_alloc : memref<!tpu.dma_semaphore, #tpu.memory_space<semaphore_mem>>
        %dma_start3A_73 = arith.constant 0 : i32
        %dma_start3A_74 = arith.constant 0 : i32
        %dma_start3A_75 = tpu.memref_slice %arg5[%dma_start3A_73, %dma_start3A_74] : memref<3201008x16xf32, #tpu.memory_space<hbm>> -> memref<3201008x16xf32, #tpu.memory_space<hbm>>
        tpu.enqueue_indirect_dma source(%arg11 : memref<800x16xf32, #tpu.memory_space<vmem>>) target(%dma_start3A_75 : memref<3201008x16xf32, #tpu.memory_space<hbm>>) offsets(%arg12 : memref<800xi32, #tpu.memory_space<vmem>>) semaphore(%run_scoped3A : memref<!tpu.dma_semaphore, #tpu.memory_space<semaphore_mem>>)
        %dma_wait3A_76 = arith.constant 0 : i32
        %dma_wait3A_77 = arith.constant 0 : i32
        %dma_wait3A_78 = tpu.memref_slice %arg5[%dma_wait3A_76, %dma_wait3A_77] : memref<3201008x16xf32, #tpu.memory_space<hbm>> -> memref<3201008x16xf32, #tpu.memory_space<hbm>>
        tpu.wait_indirect_dma semaphore(%run_scoped3A : memref<!tpu.dma_semaphore, #tpu.memory_space<semaphore_mem>>) src(%arg11 : memref<800x16xf32, #tpu.memory_space<vmem>>) dst(%dma_wait3A_78 : memref<3201008x16xf32, #tpu.memory_space<hbm>>)
        tpu.yield
      }) : () -> ()
    }
    %scan3A_13 = arith.constant 62 : i32
    %dma_wait3A = tpu.memref_slice %arg2[%mul3A_2] : memref<3200000xi32, #tpu.memory_space<hbm>> -> memref<800xi32, #tpu.memory_space<hbm>>
    %dma_wait3A_14 = tpu.memref_slice %arg2[%mul3A_2] : memref<3200000xi32, #tpu.memory_space<hbm>> -> memref<800xi32, #tpu.memory_space<hbm>>
    tpu.wait_dma2 semaphore(%arg14 : memref<!tpu.dma_semaphore, #tpu.memory_space<semaphore_mem>>) src(%dma_wait3A_14 : memref<800xi32, #tpu.memory_space<hbm>>) dst(%arg7 : memref<800xi32, #tpu.memory_space<vmem>>)
    %dma_wait3A_15 = arith.constant 0 : i32
    %dma_wait3A_16 = tpu.memref_slice %arg3[%mul3A_2, %dma_wait3A_15] : memref<3200000x16xf32, #tpu.memory_space<hbm>> -> memref<800x16xf32, #tpu.memory_space<hbm>>
    %dma_wait3A_17 = arith.constant 0 : i32
    %dma_wait3A_18 = tpu.memref_slice %arg3[%mul3A_2, %dma_wait3A_17] : memref<3200000x16xf32, #tpu.memory_space<hbm>> -> memref<800x16xf32, #tpu.memory_space<hbm>>
    tpu.wait_dma2 semaphore(%arg15 : memref<!tpu.dma_semaphore, #tpu.memory_space<semaphore_mem>>) src(%dma_wait3A_18 : memref<800x16xf32, #tpu.memory_space<hbm>>) dst(%arg8 : memref<800x16xf32, #tpu.memory_space<vmem>>)
    %scan3A_19 = arith.constant 0 : i32
    %scan3A_20 = arith.constant 50 : i32
    %scan3A_21 = arith.addi %scan3A_19, %scan3A_20 : i32
    %scan3A_22 = arith.constant 1 : i32
    scf.for %scan3A_24 = %scan3A_19 to %scan3A_21 step %scan3A_22  : i32 {
      %mul3A_25 = arith.constant 16 : i32
      %mul3A_26 = arith.muli %scan3A_24, %mul3A_25 : i32
      %add3A_27 = arith.constant 0 : i32
      %add3A_28 = arith.addi %add3A_27, %mul3A_26 : i32
      %get3A = arith.index_cast %add3A_28 : i32 to index
      %get3A_29 = tpu.vector_load %arg7[%get3A] {strides = array<i32>} : memref<800xi32, #tpu.memory_space<vmem>>, vector<16xi32>,
      %iota3A = tpu.iota {dimensions = array<i32: 0>} : vector<16xi32>
      %masked_sort3A = arith.constant dense<true> : vector<16xi1>
      %masked_sort3A_30 = arith.constant -2147483648 : i32
      %masked_sort3A_31 = vector.broadcast %masked_sort3A_30 : i32 to vector<16xi32>
      %masked_sort3A_32 = arith.xori %get3A_29, %masked_sort3A_31 : vector<16xi32>
      %masked_sort3A_33, %masked_sort3A_34, %masked_sort3A_35 = tpu.sort %masked_sort3A_32, %iota3A masked %masked_sort3A : (vector<16xi32>, vector<16xi32>, vector<16xi1>) -> (vector<16xi1>, vector<16xi32>, vector<16xi32>)
      %masked_sort3A_36 = arith.xori %masked_sort3A_34, %masked_sort3A_31 : vector<16xi32>
      %sub3A = arith.constant 1 : i32
      %sub3A_37 = vector.broadcast %sub3A : i32 to vector<16xi32>
      %sub3A_38 = arith.subi %iota3A, %sub3A_37 : vector<16xi32>
      %max3A = arith.constant 0 : i32
      %max3A_39 = vector.broadcast %max3A : i32 to vector<16xi32>
      %max3A_40 = arith.maxsi %sub3A_38, %max3A_39 : vector<16xi32>
      %broadcast_in_dim3A = vector.shape_cast %max3A_40 : vector<16xi32> to vector<16x1xi32>
      %gather3A = vector.shape_cast %broadcast_in_dim3A : vector<16x1xi32> to vector<16xi32>
      %gather3A_41 = tpu.dynamic_gather %masked_sort3A_36[%gather3A] in [0] : vector<16xi32>, vector<16xi32> -> vector<16xi32>
      %eq3A = arith.constant 0 : i32
      %eq3A_42 = vector.broadcast %eq3A : i32 to vector<16xi32>
      %eq3A_43 = arith.cmpi eq, %iota3A, %eq3A_42 : vector<16xi32>
      %ne3A = arith.cmpi ne, %masked_sort3A_36, %gather3A_41 : vector<16xi32>
      %or3A = arith.ori %eq3A_43, %ne3A : vector<16xi1>
      %jit3A = arith.constant 0 : i32
      %broadcast_in_dim3A_44 = vector.broadcast %jit3A : i32 to vector<16xi32>
      %select_n3A = arith.select %or3A, %iota3A, %broadcast_in_dim3A_44 : vector<16xi1>, vector<16xi32>
      %broadcast_in_dim3A_45 = arith.constant true
      %broadcast_in_dim3A_46 = vector.broadcast %broadcast_in_dim3A_45 : i1 to vector<16xi1>
      %masked_cummax3A = arith.constant -2147483648 : i32
      %masked_cummax3A_47 = vector.broadcast %masked_cummax3A : i32 to vector<16xi32>
      %masked_cummax3A_48 = arith.xori %select_n3A, %masked_cummax3A_47 : vector<16xi32>
      %masked_cummax3A_49 = tpu.scan <max>, %masked_cummax3A_48 masked %broadcast_in_dim3A_46 : vector<16xi32>, vector<16xi1> -> vector<16xi32>
      %masked_cummax3A_50 = arith.xori %masked_cummax3A_49, %masked_cummax3A_47 : vector<16xi32>
      %sub3A_51 = arith.subi %iota3A, %masked_cummax3A_50 : vector<16xi32>
      %add3A_52 = arith.constant 1 : i32
      %add3A_53 = vector.broadcast %add3A_52 : i32 to vector<16xi32>
      %add3A_54 = arith.addi %iota3A, %add3A_53 : vector<16xi32>
      %min3A = arith.constant 15 : i32
      %min3A_55 = vector.broadcast %min3A : i32 to vector<16xi32>
      %min3A_56 = arith.minsi %add3A_54, %min3A_55 : vector<16xi32>
      %broadcast_in_dim3A_57 = vector.shape_cast %min3A_56 : vector<16xi32> to vector<16x1xi32>
      %gather3A_58 = vector.shape_cast %broadcast_in_dim3A_57 : vector<16x1xi32> to vector<16xi32>
      %gather3A_59 = tpu.dynamic_gather %masked_sort3A_36[%gather3A_58] in [0] : vector<16xi32>, vector<16xi32> -> vector<16xi32>
      %eq3A_60 = arith.constant 15 : i32
      %eq3A_61 = vector.broadcast %eq3A_60 : i32 to vector<16xi32>
      %eq3A_62 = arith.cmpi eq, %iota3A, %eq3A_61 : vector<16xi32>
      %ne3A_63 = arith.cmpi ne, %masked_sort3A_36, %gather3A_59 : vector<16xi32>
      %or3A_64 = arith.ori %eq3A_62, %ne3A_63 : vector<16xi1>
      %gather3A_65 = tpu.vector_load_idx %arg6[%masked_sort3A_36] : memref<100096xi32, #tpu.memory_space<vmem>>[vector<16xi32>], vector<16xi32>,
      %add3A_66 = arith.addi %gather3A_65, %sub3A_51 : vector<16xi32>
      %add3A_67 = arith.constant 1 : i32
      %add3A_68 = vector.broadcast %add3A_67 : i32 to vector<16xi32>
      %add3A_69 = arith.addi %add3A_66, %add3A_68 : vector<16xi32>
      tpu.vector_store_idx %arg6[%masked_sort3A_36], %add3A_69 masked %or3A_64 : memref<100096xi32, #tpu.memory_space<vmem>>[vector<16xi32>], vector<16xi32>, vector<16xi1>
      tpu.vector_store_idx %arg13[%masked_sort3A_35], %add3A_66 : memref<16xi32, #tpu.memory_space<vmem>>[vector<16xi32>], vector<16xi32>,
      %get3A_70 = arith.constant 0 : index
      %get3A_71 = tpu.vector_load %arg13[%get3A_70] {strides = array<i32>} : memref<16xi32, #tpu.memory_space<vmem>>, vector<16xi32>,
      %swap3A = arith.index_cast %add3A_28 : i32 to index
      %swap3A_72 = tpu.vector_load %arg9[%swap3A] {strides = array<i32>} : memref<800xi32, #tpu.memory_space<vmem>>, vector<16xi32>,
      tpu.vector_store %arg9[%swap3A], %get3A_71 {strides = array<i32>} : memref<800xi32, #tpu.memory_space<vmem>>, vector<16xi32>,
    }
    %scan3A_23 = arith.constant 50 : i32
    "tpu.region"() ({
      %run_scoped3A = tpu.sem_alloc : memref<!tpu.dma_semaphore, #tpu.memory_space<semaphore_mem>>
      %dma_start3A_24 = arith.constant 0 : i32
      %dma_start3A_25 = arith.constant 0 : i32
      %dma_start3A_26 = tpu.memref_slice %arg5[%dma_start3A_24, %dma_start3A_25] : memref<3201008x16xf32, #tpu.memory_space<hbm>> -> memref<3201008x16xf32, #tpu.memory_space<hbm>>
      tpu.enqueue_indirect_dma source(%arg8 : memref<800x16xf32, #tpu.memory_space<vmem>>) target(%dma_start3A_26 : memref<3201008x16xf32, #tpu.memory_space<hbm>>) offsets(%arg9 : memref<800xi32, #tpu.memory_space<vmem>>) semaphore(%run_scoped3A : memref<!tpu.dma_semaphore, #tpu.memory_space<semaphore_mem>>)
      %dma_wait3A_27 = arith.constant 0 : i32
      %dma_wait3A_28 = arith.constant 0 : i32
      %dma_wait3A_29 = tpu.memref_slice %arg5[%dma_wait3A_27, %dma_wait3A_28] : memref<3201008x16xf32, #tpu.memory_space<hbm>> -> memref<3201008x16xf32, #tpu.memory_space<hbm>>
      tpu.wait_indirect_dma semaphore(%run_scoped3A : memref<!tpu.dma_semaphore, #tpu.memory_space<semaphore_mem>>) src(%arg8 : memref<800x16xf32, #tpu.memory_space<vmem>>) dst(%dma_wait3A_29 : memref<3201008x16xf32, #tpu.memory_space<hbm>>)
      tpu.yield
    }) : () -> ()
    return
  }
}

module attributes {stable_mosaic.version = 14 : i64} {
  func.func @_offsets_body(%arg0: i32, %arg1: memref<32x4352xi32, #tpu.memory_space<vmem>>, %arg2: memref<32x4352xi32, #tpu.memory_space<vmem>>, %arg3: memref<1x4352xi32, #tpu.memory_space<vmem>>, %arg4: memref<1x4352xi32, #tpu.memory_space<vmem>>, %arg5: memref<1x1xi32, #tpu.memory_space<smem>>) attributes {dimension_semantics = [#tpu.dimension_semantics<arbitrary>], iteration_bounds = array<i64: 23>, scalar_prefetch = 0 : i64, scratch_operands = 1 : i64, tpu.core_type = #tpu.core_type<tc>, window_params = [{transform_indices = @transform_0, window_bounds = array<i64: 32, 4352>}, {transform_indices = @transform_1, window_bounds = array<i64: 32, 4352>}, {transform_indices = @transform_2, window_bounds = array<i64: 1, 4352>}, {transform_indices = @transform_3, window_bounds = array<i64: 1, 4352>}]} {
    %eq3A = arith.constant 0 : i32
    %eq3A_0 = arith.cmpi eq, %arg0, %eq3A : i32
    %convert_element_type3A = arith.extui %eq3A_0 : i1 to i32
    %cond3A = arith.constant 0 : i32
    %cond3A_1 = arith.cmpi ne, %convert_element_type3A, %cond3A : i32
    scf.if %cond3A_1 {
      %swap3A_159 = arith.constant 0 : i32
      %swap3A_160 = arith.constant 0 : index
      %swap3A_161 = arith.constant 0 : index
      %swap3A_162 = memref.load %arg5[%swap3A_160, %swap3A_161] : memref<1x1xi32, #tpu.memory_space<smem>>
      memref.store %swap3A_159, %arg5[%swap3A_160, %swap3A_161] : memref<1x1xi32, #tpu.memory_space<smem>>
    } else {
    }
    %get3A = arith.constant 0 : index
    %get3A_2 = arith.constant 0 : index
    %get3A_3 = vector.load %arg1[%get3A, %get3A_2] : memref<32x4352xi32, #tpu.memory_space<vmem>>, vector<32x4352xi32>
    %reduce_sum3A = arith.constant dense<0> : vector<4352xi32>
    %reduce_sum3A_4 = vector.multi_reduction <add>, %get3A_3, %reduce_sum3A [0] : vector<32x4352xi32> to vector<4352xi32>
    %broadcast_in_dim3A = vector.shape_cast %reduce_sum3A_4 : vector<4352xi32> to vector<1x4352xi32>
    %broadcast_in_dim3A_5 = arith.constant 0 : i32
    %broadcast_in_dim3A_6 = vector.broadcast %broadcast_in_dim3A_5 : i32 to vector<1x1xi32>
    %slice3A = vector.extract_strided_slice %broadcast_in_dim3A {offsets = [0, 0], sizes = [1, 4351], strides = [1, 1]} : vector<1x4352xi32> to vector<1x4351xi32>
    %concatenate3A = tpu.concatenate %broadcast_in_dim3A_6, %slice3A in 1 : vector<1x1xi32>, vector<1x4351xi32> -> vector<1x4352xi32>
    %add3A = arith.addi %broadcast_in_dim3A, %concatenate3A : vector<1x4352xi32>
    %broadcast_in_dim3A_7 = arith.constant 0 : i32
    %broadcast_in_dim3A_8 = vector.broadcast %broadcast_in_dim3A_7 : i32 to vector<1x2xi32>
    %slice3A_9 = vector.extract_strided_slice %add3A {offsets = [0, 0], sizes = [1, 4350], strides = [1, 1]} : vector<1x4352xi32> to vector<1x4350xi32>
    %concatenate3A_10 = tpu.concatenate %broadcast_in_dim3A_8, %slice3A_9 in 1 : vector<1x2xi32>, vector<1x4350xi32> -> vector<1x4352xi32>
    %add3A_11 = arith.addi %add3A, %concatenate3A_10 : vector<1x4352xi32>
    %broadcast_in_dim3A_12 = arith.constant 0 : i32
    %broadcast_in_dim3A_13 = vector.broadcast %broadcast_in_dim3A_12 : i32 to vector<1x4xi32>
    %slice3A_14 = vector.extract_strided_slice %add3A_11 {offsets = [0, 0], sizes = [1, 4348], strides = [1, 1]} : vector<1x4352xi32> to vector<1x4348xi32>
    %concatenate3A_15 = tpu.concatenate %broadcast_in_dim3A_13, %slice3A_14 in 1 : vector<1x4xi32>, vector<1x4348xi32> -> vector<1x4352xi32>
    %add3A_16 = arith.addi %add3A_11, %concatenate3A_15 : vector<1x4352xi32>
    %broadcast_in_dim3A_17 = arith.constant 0 : i32
    %broadcast_in_dim3A_18 = vector.broadcast %broadcast_in_dim3A_17 : i32 to vector<1x8xi32>
    %slice3A_19 = vector.extract_strided_slice %add3A_16 {offsets = [0, 0], sizes = [1, 4344], strides = [1, 1]} : vector<1x4352xi32> to vector<1x4344xi32>
    %concatenate3A_20 = tpu.concatenate %broadcast_in_dim3A_18, %slice3A_19 in 1 : vector<1x8xi32>, vector<1x4344xi32> -> vector<1x4352xi32>
    %add3A_21 = arith.addi %add3A_16, %concatenate3A_20 : vector<1x4352xi32>
    %broadcast_in_dim3A_22 = arith.constant 0 : i32
    %broadcast_in_dim3A_23 = vector.broadcast %broadcast_in_dim3A_22 : i32 to vector<1x16xi32>
    %slice3A_24 = vector.extract_strided_slice %add3A_21 {offsets = [0, 0], sizes = [1, 4336], strides = [1, 1]} : vector<1x4352xi32> to vector<1x4336xi32>
    %concatenate3A_25 = tpu.concatenate %broadcast_in_dim3A_23, %slice3A_24 in 1 : vector<1x16xi32>, vector<1x4336xi32> -> vector<1x4352xi32>
    %add3A_26 = arith.addi %add3A_21, %concatenate3A_25 : vector<1x4352xi32>
    %broadcast_in_dim3A_27 = arith.constant 0 : i32
    %broadcast_in_dim3A_28 = vector.broadcast %broadcast_in_dim3A_27 : i32 to vector<1x32xi32>
    %slice3A_29 = vector.extract_strided_slice %add3A_26 {offsets = [0, 0], sizes = [1, 4320], strides = [1, 1]} : vector<1x4352xi32> to vector<1x4320xi32>
    %concatenate3A_30 = tpu.concatenate %broadcast_in_dim3A_28, %slice3A_29 in 1 : vector<1x32xi32>, vector<1x4320xi32> -> vector<1x4352xi32>
    %add3A_31 = arith.addi %add3A_26, %concatenate3A_30 : vector<1x4352xi32>
    %broadcast_in_dim3A_32 = arith.constant 0 : i32
    %broadcast_in_dim3A_33 = vector.broadcast %broadcast_in_dim3A_32 : i32 to vector<1x64xi32>
    %slice3A_34 = vector.extract_strided_slice %add3A_31 {offsets = [0, 0], sizes = [1, 4288], strides = [1, 1]} : vector<1x4352xi32> to vector<1x4288xi32>
    %concatenate3A_35 = tpu.concatenate %broadcast_in_dim3A_33, %slice3A_34 in 1 : vector<1x64xi32>, vector<1x4288xi32> -> vector<1x4352xi32>
    %add3A_36 = arith.addi %add3A_31, %concatenate3A_35 : vector<1x4352xi32>
    %broadcast_in_dim3A_37 = arith.constant 0 : i32
    %broadcast_in_dim3A_38 = vector.broadcast %broadcast_in_dim3A_37 : i32 to vector<1x128xi32>
    %slice3A_39 = vector.extract_strided_slice %add3A_36 {offsets = [0, 0], sizes = [1, 4224], strides = [1, 1]} : vector<1x4352xi32> to vector<1x4224xi32>
    %concatenate3A_40 = tpu.concatenate %broadcast_in_dim3A_38, %slice3A_39 in 1 : vector<1x128xi32>, vector<1x4224xi32> -> vector<1x4352xi32>
    %add3A_41 = arith.addi %add3A_36, %concatenate3A_40 : vector<1x4352xi32>
    %broadcast_in_dim3A_42 = arith.constant 0 : i32
    %broadcast_in_dim3A_43 = vector.broadcast %broadcast_in_dim3A_42 : i32 to vector<1x256xi32>
    %slice3A_44 = vector.extract_strided_slice %add3A_41 {offsets = [0, 0], sizes = [1, 4096], strides = [1, 1]} : vector<1x4352xi32> to vector<1x4096xi32>
    %concatenate3A_45 = tpu.concatenate %broadcast_in_dim3A_43, %slice3A_44 in 1 : vector<1x256xi32>, vector<1x4096xi32> -> vector<1x4352xi32>
    %add3A_46 = arith.addi %add3A_41, %concatenate3A_45 : vector<1x4352xi32>
    %broadcast_in_dim3A_47 = arith.constant 0 : i32
    %broadcast_in_dim3A_48 = vector.broadcast %broadcast_in_dim3A_47 : i32 to vector<1x512xi32>
    %slice3A_49 = vector.extract_strided_slice %add3A_46 {offsets = [0, 0], sizes = [1, 3840], strides = [1, 1]} : vector<1x4352xi32> to vector<1x3840xi32>
    %concatenate3A_50 = tpu.concatenate %broadcast_in_dim3A_48, %slice3A_49 in 1 : vector<1x512xi32>, vector<1x3840xi32> -> vector<1x4352xi32>
    %add3A_51 = arith.addi %add3A_46, %concatenate3A_50 : vector<1x4352xi32>
    %broadcast_in_dim3A_52 = arith.constant 0 : i32
    %broadcast_in_dim3A_53 = vector.broadcast %broadcast_in_dim3A_52 : i32 to vector<1x1024xi32>
    %slice3A_54 = vector.extract_strided_slice %add3A_51 {offsets = [0, 0], sizes = [1, 3328], strides = [1, 1]} : vector<1x4352xi32> to vector<1x3328xi32>
    %concatenate3A_55 = tpu.concatenate %broadcast_in_dim3A_53, %slice3A_54 in 1 : vector<1x1024xi32>, vector<1x3328xi32> -> vector<1x4352xi32>
    %add3A_56 = arith.addi %add3A_51, %concatenate3A_55 : vector<1x4352xi32>
    %broadcast_in_dim3A_57 = arith.constant 0 : i32
    %broadcast_in_dim3A_58 = vector.broadcast %broadcast_in_dim3A_57 : i32 to vector<1x2048xi32>
    %slice3A_59 = vector.extract_strided_slice %add3A_56 {offsets = [0, 0], sizes = [1, 2304], strides = [1, 1]} : vector<1x4352xi32> to vector<1x2304xi32>
    %concatenate3A_60 = tpu.concatenate %broadcast_in_dim3A_58, %slice3A_59 in 1 : vector<1x2048xi32>, vector<1x2304xi32> -> vector<1x4352xi32>
    %add3A_61 = arith.addi %add3A_56, %concatenate3A_60 : vector<1x4352xi32>
    %broadcast_in_dim3A_62 = arith.constant 0 : i32
    %broadcast_in_dim3A_63 = vector.broadcast %broadcast_in_dim3A_62 : i32 to vector<1x4096xi32>
    %slice3A_64 = vector.extract_strided_slice %add3A_61 {offsets = [0, 0], sizes = [1, 256], strides = [1, 1]} : vector<1x4352xi32> to vector<1x256xi32>
    %concatenate3A_65 = tpu.concatenate %broadcast_in_dim3A_63, %slice3A_64 in 1 : vector<1x4096xi32>, vector<1x256xi32> -> vector<1x4352xi32>
    %add3A_66 = arith.addi %add3A_61, %concatenate3A_65 : vector<1x4352xi32>
    %sub3A = arith.subi %add3A_66, %broadcast_in_dim3A : vector<1x4352xi32>
    %get3A_67 = arith.constant 0 : index
    %get3A_68 = arith.constant 0 : index
    %get3A_69 = memref.load %arg5[%get3A_67, %get3A_68] : memref<1x1xi32, #tpu.memory_space<smem>>
    %add3A_70 = vector.broadcast %get3A_69 : i32 to vector<1x4352xi32>
    %add3A_71 = arith.addi %sub3A, %add3A_70 : vector<1x4352xi32>
    %broadcast_in_dim3A_72 = arith.constant 0 : i32
    %broadcast_in_dim3A_73 = vector.broadcast %broadcast_in_dim3A_72 : i32 to vector<1x4352xi32>
    %slice3A_74 = vector.extract_strided_slice %get3A_3 {offsets = [0, 0], sizes = [1, 4352], strides = [1, 1]} : vector<32x4352xi32> to vector<1x4352xi32>
    %add3A_75 = arith.addi %broadcast_in_dim3A_73, %slice3A_74 : vector<1x4352xi32>
    %slice3A_76 = vector.extract_strided_slice %get3A_3 {offsets = [1, 0], sizes = [1, 4352], strides = [1, 1]} : vector<32x4352xi32> to vector<1x4352xi32>
    %add3A_77 = arith.addi %add3A_75, %slice3A_76 : vector<1x4352xi32>
    %slice3A_78 = vector.extract_strided_slice %get3A_3 {offsets = [2, 0], sizes = [1, 4352], strides = [1, 1]} : vector<32x4352xi32> to vector<1x4352xi32>
    %add3A_79 = arith.addi %add3A_77, %slice3A_78 : vector<1x4352xi32>
    %slice3A_80 = vector.extract_strided_slice %get3A_3 {offsets = [3, 0], sizes = [1, 4352], strides = [1, 1]} : vector<32x4352xi32> to vector<1x4352xi32>
    %add3A_81 = arith.addi %add3A_79, %slice3A_80 : vector<1x4352xi32>
    %slice3A_82 = vector.extract_strided_slice %get3A_3 {offsets = [4, 0], sizes = [1, 4352], strides = [1, 1]} : vector<32x4352xi32> to vector<1x4352xi32>
    %add3A_83 = arith.addi %add3A_81, %slice3A_82 : vector<1x4352xi32>
    %slice3A_84 = vector.extract_strided_slice %get3A_3 {offsets = [5, 0], sizes = [1, 4352], strides = [1, 1]} : vector<32x4352xi32> to vector<1x4352xi32>
    %add3A_85 = arith.addi %add3A_83, %slice3A_84 : vector<1x4352xi32>
    %slice3A_86 = vector.extract_strided_slice %get3A_3 {offsets = [6, 0], sizes = [1, 4352], strides = [1, 1]} : vector<32x4352xi32> to vector<1x4352xi32>
    %add3A_87 = arith.addi %add3A_85, %slice3A_86 : vector<1x4352xi32>
    %slice3A_88 = vector.extract_strided_slice %get3A_3 {offsets = [7, 0], sizes = [1, 4352], strides = [1, 1]} : vector<32x4352xi32> to vector<1x4352xi32>
    %add3A_89 = arith.addi %add3A_87, %slice3A_88 : vector<1x4352xi32>
    %slice3A_90 = vector.extract_strided_slice %get3A_3 {offsets = [8, 0], sizes = [1, 4352], strides = [1, 1]} : vector<32x4352xi32> to vector<1x4352xi32>
    %add3A_91 = arith.addi %add3A_89, %slice3A_90 : vector<1x4352xi32>
    %slice3A_92 = vector.extract_strided_slice %get3A_3 {offsets = [9, 0], sizes = [1, 4352], strides = [1, 1]} : vector<32x4352xi32> to vector<1x4352xi32>
    %add3A_93 = arith.addi %add3A_91, %slice3A_92 : vector<1x4352xi32>
    %slice3A_94 = vector.extract_strided_slice %get3A_3 {offsets = [10, 0], sizes = [1, 4352], strides = [1, 1]} : vector<32x4352xi32> to vector<1x4352xi32>
    %add3A_95 = arith.addi %add3A_93, %slice3A_94 : vector<1x4352xi32>
    %slice3A_96 = vector.extract_strided_slice %get3A_3 {offsets = [11, 0], sizes = [1, 4352], strides = [1, 1]} : vector<32x4352xi32> to vector<1x4352xi32>
    %add3A_97 = arith.addi %add3A_95, %slice3A_96 : vector<1x4352xi32>
    %slice3A_98 = vector.extract_strided_slice %get3A_3 {offsets = [12, 0], sizes = [1, 4352], strides = [1, 1]} : vector<32x4352xi32> to vector<1x4352xi32>
    %add3A_99 = arith.addi %add3A_97, %slice3A_98 : vector<1x4352xi32>
    %slice3A_100 = vector.extract_strided_slice %get3A_3 {offsets = [13, 0], sizes = [1, 4352], strides = [1, 1]} : vector<32x4352xi32> to vector<1x4352xi32>
    %add3A_101 = arith.addi %add3A_99, %slice3A_100 : vector<1x4352xi32>
    %slice3A_102 = vector.extract_strided_slice %get3A_3 {offsets = [14, 0], sizes = [1, 4352], strides = [1, 1]} : vector<32x4352xi32> to vector<1x4352xi32>
    %add3A_103 = arith.addi %add3A_101, %slice3A_102 : vector<1x4352xi32>
    %slice3A_104 = vector.extract_strided_slice %get3A_3 {offsets = [15, 0], sizes = [1, 4352], strides = [1, 1]} : vector<32x4352xi32> to vector<1x4352xi32>
    %add3A_105 = arith.addi %add3A_103, %slice3A_104 : vector<1x4352xi32>
    %slice3A_106 = vector.extract_strided_slice %get3A_3 {offsets = [16, 0], sizes = [1, 4352], strides = [1, 1]} : vector<32x4352xi32> to vector<1x4352xi32>
    %add3A_107 = arith.addi %add3A_105, %slice3A_106 : vector<1x4352xi32>
    %slice3A_108 = vector.extract_strided_slice %get3A_3 {offsets = [17, 0], sizes = [1, 4352], strides = [1, 1]} : vector<32x4352xi32> to vector<1x4352xi32>
    %add3A_109 = arith.addi %add3A_107, %slice3A_108 : vector<1x4352xi32>
    %slice3A_110 = vector.extract_strided_slice %get3A_3 {offsets = [18, 0], sizes = [1, 4352], strides = [1, 1]} : vector<32x4352xi32> to vector<1x4352xi32>
    %add3A_111 = arith.addi %add3A_109, %slice3A_110 : vector<1x4352xi32>
    %slice3A_112 = vector.extract_strided_slice %get3A_3 {offsets = [19, 0], sizes = [1, 4352], strides = [1, 1]} : vector<32x4352xi32> to vector<1x4352xi32>
    %add3A_113 = arith.addi %add3A_111, %slice3A_112 : vector<1x4352xi32>
    %slice3A_114 = vector.extract_strided_slice %get3A_3 {offsets = [20, 0], sizes = [1, 4352], strides = [1, 1]} : vector<32x4352xi32> to vector<1x4352xi32>
    %add3A_115 = arith.addi %add3A_113, %slice3A_114 : vector<1x4352xi32>
    %slice3A_116 = vector.extract_strided_slice %get3A_3 {offsets = [21, 0], sizes = [1, 4352], strides = [1, 1]} : vector<32x4352xi32> to vector<1x4352xi32>
    %add3A_117 = arith.addi %add3A_115, %slice3A_116 : vector<1x4352xi32>
    %slice3A_118 = vector.extract_strided_slice %get3A_3 {offsets = [22, 0], sizes = [1, 4352], strides = [1, 1]} : vector<32x4352xi32> to vector<1x4352xi32>
    %add3A_119 = arith.addi %add3A_117, %slice3A_118 : vector<1x4352xi32>
    %slice3A_120 = vector.extract_strided_slice %get3A_3 {offsets = [23, 0], sizes = [1, 4352], strides = [1, 1]} : vector<32x4352xi32> to vector<1x4352xi32>
    %add3A_121 = arith.addi %add3A_119, %slice3A_120 : vector<1x4352xi32>
    %slice3A_122 = vector.extract_strided_slice %get3A_3 {offsets = [24, 0], sizes = [1, 4352], strides = [1, 1]} : vector<32x4352xi32> to vector<1x4352xi32>
    %add3A_123 = arith.addi %add3A_121, %slice3A_122 : vector<1x4352xi32>
    %slice3A_124 = vector.extract_strided_slice %get3A_3 {offsets = [25, 0], sizes = [1, 4352], strides = [1, 1]} : vector<32x4352xi32> to vector<1x4352xi32>
    %add3A_125 = arith.addi %add3A_123, %slice3A_124 : vector<1x4352xi32>
    %slice3A_126 = vector.extract_strided_slice %get3A_3 {offsets = [26, 0], sizes = [1, 4352], strides = [1, 1]} : vector<32x4352xi32> to vector<1x4352xi32>
    %add3A_127 = arith.addi %add3A_125, %slice3A_126 : vector<1x4352xi32>
    %slice3A_128 = vector.extract_strided_slice %get3A_3 {offsets = [27, 0], sizes = [1, 4352], strides = [1, 1]} : vector<32x4352xi32> to vector<1x4352xi32>
    %add3A_129 = arith.addi %add3A_127, %slice3A_128 : vector<1x4352xi32>
    %slice3A_130 = vector.extract_strided_slice %get3A_3 {offsets = [28, 0], sizes = [1, 4352], strides = [1, 1]} : vector<32x4352xi32> to vector<1x4352xi32>
    %add3A_131 = arith.addi %add3A_129, %slice3A_130 : vector<1x4352xi32>
    %slice3A_132 = vector.extract_strided_slice %get3A_3 {offsets = [29, 0], sizes = [1, 4352], strides = [1, 1]} : vector<32x4352xi32> to vector<1x4352xi32>
    %add3A_133 = arith.addi %add3A_131, %slice3A_132 : vector<1x4352xi32>
    %slice3A_134 = vector.extract_strided_slice %get3A_3 {offsets = [30, 0], sizes = [1, 4352], strides = [1, 1]} : vector<32x4352xi32> to vector<1x4352xi32>
    %add3A_135 = arith.addi %add3A_133, %slice3A_134 : vector<1x4352xi32>
    %concatenate3A_136 = tpu.concatenate %broadcast_in_dim3A_73, %add3A_75, %add3A_77, %add3A_79, %add3A_81, %add3A_83, %add3A_85, %add3A_87, %add3A_89, %add3A_91, %add3A_93, %add3A_95, %add3A_97, %add3A_99, %add3A_101, %add3A_103, %add3A_105, %add3A_107, %add3A_109, %add3A_111, %add3A_113, %add3A_115, %add3A_117, %add3A_119, %add3A_121, %add3A_123, %add3A_125, %add3A_127, %add3A_129, %add3A_131, %add3A_133, %add3A_135 in 0 : vector<1x4352xi32>, vector<1x4352xi32>, vector<1x4352xi32>, vector<1x4352xi32>, vector<1x4352xi32>, vector<1x4352xi32>, vector<1x4352xi32>, vector<1x4352xi32>, vector<1x4352xi32>, vector<1x4352xi32>, vector<1x4352xi32>, vector<1x4352xi32>, vector<1x4352xi32>, vector<1x4352xi32>, vector<1x4352xi32>, vector<1x4352xi32>, vector<1x4352xi32>, vector<1x4352xi32>, vector<1x4352xi32>, vector<1x4352xi32>, vector<1x4352xi32>, vector<1x4352xi32>, vector<1x4352xi32>, vector<1x4352xi32>, vector<1x4352xi32>, vector<1x4352xi32>, vector<1x4352xi32>, vector<1x4352xi32>, vector<1x4352xi32>, vector<1x4352xi32>, vector<1x4352xi32>, vector<1x4352xi32> -> vector<32x4352xi32>
    %add3A_137 = vector.broadcast %add3A_71 : vector<1x4352xi32> to vector<32x4352xi32>
    %add3A_138 = arith.addi %concatenate3A_136, %add3A_137 : vector<32x4352xi32>
    %swap3A = arith.constant 0 : index
    %swap3A_139 = arith.constant 0 : index
    %swap3A_140 = vector.load %arg2[%swap3A, %swap3A_139] : memref<32x4352xi32, #tpu.memory_space<vmem>>, vector<32x4352xi32>
    tpu.vector_store %arg2[%swap3A, %swap3A_139], %add3A_138 {strides = array<i32>} : memref<32x4352xi32, #tpu.memory_space<vmem>>, vector<32x4352xi32>,
    %swap3A_141 = arith.constant 0 : index
    %swap3A_142 = arith.constant 0 : index
    %swap3A_143 = vector.load %arg3[%swap3A_141, %swap3A_142] : memref<1x4352xi32, #tpu.memory_space<vmem>>, vector<1x4352xi32>
    tpu.vector_store %arg3[%swap3A_141, %swap3A_142], %add3A_71 {strides = array<i32>} : memref<1x4352xi32, #tpu.memory_space<vmem>>, vector<1x4352xi32>,
    %swap3A_144 = arith.constant 0 : index
    %swap3A_145 = arith.constant 0 : index
    %swap3A_146 = vector.load %arg4[%swap3A_144, %swap3A_145] : memref<1x4352xi32, #tpu.memory_space<vmem>>, vector<1x4352xi32>
    tpu.vector_store %arg4[%swap3A_144, %swap3A_145], %broadcast_in_dim3A {strides = array<i32>} : memref<1x4352xi32, #tpu.memory_space<vmem>>, vector<1x4352xi32>,
    %get3A_147 = arith.constant 0 : index
    %get3A_148 = arith.constant 0 : index
    %get3A_149 = memref.load %arg5[%get3A_147, %get3A_148] : memref<1x1xi32, #tpu.memory_space<smem>>
    %reduce_sum3A_150 = vector.shape_cast %get3A_3 : vector<32x4352xi32> to vector<1x32x4352xi32>
    %reduce_sum3A_151 = arith.constant dense<0> : vector<1xi32>
    %reduce_sum3A_152 = vector.multi_reduction <add>, %reduce_sum3A_150, %reduce_sum3A_151 [1, 2] : vector<1x32x4352xi32> to vector<1xi32>
    %reduce_sum3A_153 = vector.shape_cast %reduce_sum3A_152 : vector<1xi32> to vector<1x1x1xi32>
    %reduce_sum3A_154 = vector.extract %reduce_sum3A_153[0, 0, 0] : i32 from vector<1x1x1xi32>
    %add3A_155 = arith.addi %get3A_149, %reduce_sum3A_154 : i32
    %swap3A_156 = arith.constant 0 : index
    %swap3A_157 = arith.constant 0 : index
    %swap3A_158 = memref.load %arg5[%swap3A_156, %swap3A_157] : memref<1x1xi32, #tpu.memory_space<smem>>
    memref.store %add3A_155, %arg5[%swap3A_156, %swap3A_157] : memref<1x1xi32, #tpu.memory_space<smem>>
    return
  }
  func.func @transform_0(%arg0: i32) -> (i32, i32) {
    %c0_i32 = arith.constant 0 : i32
    %c0_i32_0 = arith.constant 0 : i32
    return %c0_i32, %arg0 : i32, i32
  }
  func.func @transform_1(%arg0: i32) -> (i32, i32) {
    %c0_i32 = arith.constant 0 : i32
    %c0_i32_0 = arith.constant 0 : i32
    return %c0_i32, %arg0 : i32, i32
  }
  func.func @transform_2(%arg0: i32) -> (i32, i32) {
    %c0_i32 = arith.constant 0 : i32
    %c0_i32_0 = arith.constant 0 : i32
    return %c0_i32, %arg0 : i32, i32
  }
  func.func @transform_3(%arg0: i32) -> (i32, i32) {
    %c0_i32 = arith.constant 0 : i32
    %c0_i32_0 = arith.constant 0 : i32
    return %c0_i32, %arg0 : i32, i32
  }
}

module attributes {stable_mosaic.version = 14 : i64} {
  func.func @_mlp_body(%arg0: i32, %arg1: memref<2000x128xf32, #tpu.memory_space<vmem>>, %arg2: memref<2000x16xf32, #tpu.memory_space<vmem>>, %arg3: memref<2000x1xf32, #tpu.memory_space<vmem>>, %arg4: memref<2000x16xf32, #tpu.memory_space<vmem>>, %arg5: memref<2000x1xi32, #tpu.memory_space<vmem>>, %arg6: memref<8x16xf32, #tpu.memory_space<vmem>>, %arg7: memref<192x256xf32, #tpu.memory_space<vmem>>, %arg8: memref<1x256xf32, #tpu.memory_space<vmem>>, %arg9: memref<256x128xf32, #tpu.memory_space<vmem>>, %arg10: memref<1x128xf32, #tpu.memory_space<vmem>>, %arg11: memref<2000x128xf32, #tpu.memory_space<vmem>>) attributes {dimension_semantics = [#tpu.dimension_semantics<arbitrary>], iteration_bounds = array<i64: 50>, scalar_prefetch = 0 : i64, scratch_operands = 0 : i64, tpu.core_type = #tpu.core_type<tc>, window_params = [{transform_indices = @transform_0, window_bounds = array<i64: 2000, 128>}, {transform_indices = @transform_1, window_bounds = array<i64: 2000, 16>}, {transform_indices = @transform_2, window_bounds = array<i64: 2000, 1>}, {transform_indices = @transform_3, window_bounds = array<i64: 2000, 16>}, {transform_indices = @transform_4, window_bounds = array<i64: 2000, 1>}, {pipeline_mode = #tpu.pipeline_mode<synchronous>, transform_indices = @transform_5, window_bounds = array<i64: 8, 16>}, {pipeline_mode = #tpu.pipeline_mode<synchronous>, transform_indices = @transform_6, window_bounds = array<i64: 192, 256>}, {pipeline_mode = #tpu.pipeline_mode<synchronous>, transform_indices = @transform_7, window_bounds = array<i64: 1, 256>}, {pipeline_mode = #tpu.pipeline_mode<synchronous>, transform_indices = @transform_8, window_bounds = array<i64: 256, 128>}, {pipeline_mode = #tpu.pipeline_mode<synchronous>, transform_indices = @transform_9, window_bounds = array<i64: 1, 128>}, {transform_indices = @transform_10, window_bounds = array<i64: 2000, 128>}]} {
    %get3A = arith.constant 0 : index
    %get3A_0 = arith.constant 0 : index
    %get3A_1 = vector.load %arg1[%get3A, %get3A_0] : memref<2000x128xf32, #tpu.memory_space<vmem>>, vector<2000x128xf32>
    %get3A_2 = arith.constant 0 : index
    %get3A_3 = arith.constant 0 : index
    %get3A_4 = vector.load %arg2[%get3A_2, %get3A_3] : memref<2000x16xf32, #tpu.memory_space<vmem>>, vector<2000x16xf32>
    %get3A_5 = arith.constant 0 : index
    %get3A_6 = arith.constant 0 : index
    %get3A_7 = vector.load %arg3[%get3A_5, %get3A_6] : memref<2000x1xf32, #tpu.memory_space<vmem>>, vector<2000x1xf32>
    %gt3A = arith.constant 0.000000e+00 : f32
    %gt3A_8 = vector.broadcast %gt3A : f32 to vector<2000x1xf32>
    %gt3A_9 = arith.cmpf ogt, %get3A_7, %gt3A_8 : vector<2000x1xf32>
    %get3A_10 = arith.constant 0 : index
    %get3A_11 = arith.constant 0 : index
    %get3A_12 = vector.load %arg4[%get3A_10, %get3A_11] : memref<2000x16xf32, #tpu.memory_space<vmem>>, vector<2000x16xf32>
    %jit3A = arith.constant 0.000000e+00 : f32
    %broadcast_in_dim3A = vector.shape_cast %gt3A_9 : vector<2000x1xi1> to vector<2000x1xi1>
    %broadcast_in_dim3A_13 = vector.broadcast %broadcast_in_dim3A : vector<2000x1xi1> to vector<2000x16xi1>
    %broadcast_in_dim3A_14 = vector.broadcast %jit3A : f32 to vector<2000x16xf32>
    %select_n3A = arith.select %broadcast_in_dim3A_13, %get3A_12, %broadcast_in_dim3A_14 : vector<2000x16xi1>, vector<2000x16xf32>
    %max3A = arith.constant 1.000000e+00 : f32
    %max3A_15 = vector.broadcast %max3A : f32 to vector<2000x1xf32>
    %max3A_16 = arith.maximumf %get3A_7, %max3A_15 : vector<2000x1xf32>
    %div3A = vector.broadcast %max3A_16 : vector<2000x1xf32> to vector<2000x16xf32>
    %div3A_17 = arith.divf %get3A_4, %div3A : vector<2000x16xf32>
    %get3A_18 = arith.constant 0 : index
    %get3A_19 = arith.constant 0 : index
    %get3A_20 = vector.load %arg5[%get3A_18, %get3A_19] : memref<2000x1xi32, #tpu.memory_space<vmem>>, vector<2000x1xi32>
    %iota3A = tpu.iota {dimensions = array<i32: 1>} : vector<2000x8xi32>
    %eq3A = vector.broadcast %get3A_20 : vector<2000x1xi32> to vector<2000x8xi32>
    %eq3A_21 = arith.cmpi eq, %eq3A, %iota3A : vector<2000x8xi32>
    %convert_element_type3A = arith.extui %eq3A_21 : vector<2000x8xi1> to vector<2000x8xi32>
    %convert_element_type3A_22 = arith.sitofp %convert_element_type3A : vector<2000x8xi32> to vector<2000x8xf32>
    %get3A_23 = arith.constant 0 : index
    %get3A_24 = arith.constant 0 : index
    %get3A_25 = vector.load %arg6[%get3A_23, %get3A_24] : memref<8x16xf32, #tpu.memory_space<vmem>>, vector<8x16xf32>
    %dot_general3A = arith.constant dense<0.000000e+00> : vector<2000x16xf32>
    %dot_general3A_26 = tpu.matmul %convert_element_type3A_22, %get3A_25, %dot_general3A {dimension_numbers = #tpu.dot_dimension_numbers<[1], [0], [0], [1], [0, 0, 1, 1], [], []>, transpose_lhs_hint = false} : vector<2000x8xf32>, vector<8x16xf32>, vector<2000x16xf32> -> vector<2000x16xf32>
    %concatenate3A = tpu.concatenate %get3A_1, %get3A_4, %select_n3A, %div3A_17, %dot_general3A_26 in 1 : vector<2000x128xf32>, vector<2000x16xf32>, vector<2000x16xf32>, vector<2000x16xf32>, vector<2000x16xf32> -> vector<2000x192xf32>
    %get3A_27 = arith.constant 0 : index
    %get3A_28 = arith.constant 0 : index
    %get3A_29 = vector.load %arg7[%get3A_27, %get3A_28] : memref<192x256xf32, #tpu.memory_space<vmem>>, vector<192x256xf32>
    %dot_general3A_30 = arith.constant dense<0.000000e+00> : vector<2000x256xf32>
    %dot_general3A_31 = tpu.matmul %concatenate3A, %get3A_29, %dot_general3A_30 {dimension_numbers = #tpu.dot_dimension_numbers<[1], [0], [0], [1], [0, 0, 1, 1], [], []>, transpose_lhs_hint = false} : vector<2000x192xf32>, vector<192x256xf32>, vector<2000x256xf32> -> vector<2000x256xf32>
    %get3A_32 = arith.constant 0 : index
    %get3A_33 = arith.constant 0 : index
    %get3A_34 = vector.load %arg8[%get3A_32, %get3A_33] : memref<1x256xf32, #tpu.memory_space<vmem>>, vector<1x256xf32>
    %add3A = vector.broadcast %get3A_34 : vector<1x256xf32> to vector<2000x256xf32>
    %add3A_35 = arith.addf %dot_general3A_31, %add3A : vector<2000x256xf32>
    %max3A_36 = arith.constant 0.000000e+00 : f32
    %max3A_37 = vector.broadcast %max3A_36 : f32 to vector<2000x256xf32>
    %max3A_38 = arith.maximumf %add3A_35, %max3A_37 : vector<2000x256xf32>
    %get3A_39 = arith.constant 0 : index
    %get3A_40 = arith.constant 0 : index
    %get3A_41 = vector.load %arg9[%get3A_39, %get3A_40] : memref<256x128xf32, #tpu.memory_space<vmem>>, vector<256x128xf32>
    %dot_general3A_42 = arith.constant dense<0.000000e+00> : vector<2000x128xf32>
    %dot_general3A_43 = tpu.matmul %max3A_38, %get3A_41, %dot_general3A_42 {dimension_numbers = #tpu.dot_dimension_numbers<[1], [0], [0], [1], [0, 0, 1, 1], [], []>, transpose_lhs_hint = false} : vector<2000x256xf32>, vector<256x128xf32>, vector<2000x128xf32> -> vector<2000x128xf32>
    %get3A_44 = arith.constant 0 : index
    %get3A_45 = arith.constant 0 : index
    %get3A_46 = vector.load %arg10[%get3A_44, %get3A_45] : memref<1x128xf32, #tpu.memory_space<vmem>>, vector<1x128xf32>
    %add3A_47 = vector.broadcast %get3A_46 : vector<1x128xf32> to vector<2000x128xf32>
    %add3A_48 = arith.addf %dot_general3A_43, %add3A_47 : vector<2000x128xf32>
    %add3A_49 = arith.addf %add3A_48, %get3A_1 : vector<2000x128xf32>
    %swap3A = arith.constant 0 : index
    %swap3A_50 = arith.constant 0 : index
    %swap3A_51 = vector.load %arg11[%swap3A, %swap3A_50] : memref<2000x128xf32, #tpu.memory_space<vmem>>, vector<2000x128xf32>
    tpu.vector_store %arg11[%swap3A, %swap3A_50], %add3A_49 {strides = array<i32>} : memref<2000x128xf32, #tpu.memory_space<vmem>>, vector<2000x128xf32>,
    return
  }
  func.func @transform_0(%arg0: i32) -> (i32, i32) {
    %c0_i32 = arith.constant 0 : i32
    %c0_i32_0 = arith.constant 0 : i32
    return %arg0, %c0_i32 : i32, i32
  }
  func.func @transform_1(%arg0: i32) -> (i32, i32) {
    %c0_i32 = arith.constant 0 : i32
    %c0_i32_0 = arith.constant 0 : i32
    return %arg0, %c0_i32 : i32, i32
  }
  func.func @transform_2(%arg0: i32) -> (i32, i32) {
    %c0_i32 = arith.constant 0 : i32
    %c0_i32_0 = arith.constant 0 : i32
    return %arg0, %c0_i32 : i32, i32
  }
  func.func @transform_3(%arg0: i32) -> (i32, i32) {
    %c0_i32 = arith.constant 0 : i32
    %c0_i32_0 = arith.constant 0 : i32
    return %arg0, %c0_i32 : i32, i32
  }
  func.func @transform_4(%arg0: i32) -> (i32, i32) {
    %c0_i32 = arith.constant 0 : i32
    %c0_i32_0 = arith.constant 0 : i32
    return %arg0, %c0_i32 : i32, i32
  }
  func.func @transform_5(%arg0: i32) -> (i32, i32) {
    %c0_i32 = arith.constant 0 : i32
    %c0_i32_0 = arith.constant 0 : i32
    %c0_i32_1 = arith.constant 0 : i32
    return %c0_i32, %c0_i32_0 : i32, i32
  }
  func.func @transform_6(%arg0: i32) -> (i32, i32) {
    %c0_i32 = arith.constant 0 : i32
    %c0_i32_0 = arith.constant 0 : i32
    %c0_i32_1 = arith.constant 0 : i32
    return %c0_i32, %c0_i32_0 : i32, i32
  }
  func.func @transform_7(%arg0: i32) -> (i32, i32) {
    %c0_i32 = arith.constant 0 : i32
    %c0_i32_0 = arith.constant 0 : i32
    %c0_i32_1 = arith.constant 0 : i32
    return %c0_i32, %c0_i32_0 : i32, i32
  }
  func.func @transform_8(%arg0: i32) -> (i32, i32) {
    %c0_i32 = arith.constant 0 : i32
    %c0_i32_0 = arith.constant 0 : i32
    %c0_i32_1 = arith.constant 0 : i32
    return %c0_i32, %c0_i32_0 : i32, i32
  }
  func.func @transform_9(%arg0: i32) -> (i32, i32) {
    %c0_i32 = arith.constant 0 : i32
    %c0_i32_0 = arith.constant 0 : i32
    %c0_i32_1 = arith.constant 0 : i32
    return %c0_i32, %c0_i32_0 : i32, i32
  }
  func.func @transform_10(%arg0: i32) -> (i32, i32) {
    %c0_i32 = arith.constant 0 : i32
    %c0_i32_0 = arith.constant 0 : i32
    return %arg0, %c0_i32 : i32, i32
  }
}

</mosaic_0001>

<sc_bundles>
// kernel: kernel.10.cloned.1.call-start
scs
__scs_entry_jumppad:
0x0: {  	(pc) =	sbr.rel $0x88, $3  }
0x1: {  	(tag) =	ssettag $0x0;
	lr =	simm.s32 $0x1  }
0x2: {  	[smem:$0x3F98] =	sst lr;
	_ =	strace $0xD0000000  }
0x3: {  	_ = 	snop  }
0x4: {  	_ = 	snop  }
0x5: {  	_ = 	snop  }
0x6: {  	_ = 	snop  }
0x7: {  	_ = 	snop  }
__scs_overlays_trampoline_lowered:
0x8: {  	[smem:$0x3FA7] =	sst s0  }
0x9: {  	[smem:$0x3FA8] =	sst s1  }
0xa: {  	[smem:$0x3FA9] =	sst s2  }
0xb: {  	[smem:$0x3FAA] =	sst s3  }
0xc: {  	[smem:$0x3FAB] =	sst s4  }
0xd: {  	[smem:$0x3FAC] =	sst s5  }
0xe: {  	[smem:$0x3FAD] =	sst s6  }
0xf: {  	[smem:$0x3FAE] =	sst s7  }
0x10: {  	[smem:$0x3FAF] =	sst s8  }
0x11: {  	[smem:$0x3FB0] =	sst s9;
	s0 =	simm.s32 @!p0 $0x0  }
0x12: {  	s1 =	sld [smem:$0x3F96];
	s0 =	simm.s32 @p0 $0x1  }
0x13: {  	[smem:$0x3FB1] =	sst s0;
	s0 =	simm.s32 @!p1 $0x0  }
0x14: {  	s2 =	sld [smem:$0x3F95];
	s0 =	simm.s32 @p1 $0x1  }
0x15: {  	[smem:$0x3FB2] =	sst s0;
	s0 =	simm.s32 @!p2 $0x0  }
0x16: {  	s3 =	sld [smem:$0x3FDB];
	s0 =	simm.s32 @p2 $0x1  }
0x17: {  	s4 =	simm.s32 $0x1BF5;
	[smem:$0x3FB4] =	sst s0  }
0x18: {  	s0 =	sld [smem:$0x3F97];
	_ =	swait.ge [sflag:s4], $0x0  }
0x19: {  	s7 =	sld [smem:$0x3F98]  }
0x1a: {  	s8 =	sadd.s32 $0xFFFFE003, lr  }
0x1b: {  	s9 =	sadd.s32 $0xFFFFFEF7, lr;
	s5 =	simm.s32 $0xFFFFFFFF;
	p2 =	slt.u32 s8, $0xFFFFF086  }
0x1c: {  	p1 =	slt.u32 s9, $0xF7A;
	s5 =	simm.s32 @!p2 $0x0  }
0x1d: {  	s5 =	simm.s32 @p1 $0x1;
	p0 =	seq.s32 s7, s2  }
0x1e: {  	s7 =	smul.u32 @!p0 $0xF7A, s2;
	p2 =	seq.s32 @!p0 s5, $0x0  }
0x1f: {  	s9 =	smul.u32 $0xF7A, s1;
	s8 =	simm.s32 @!p0 $0x1BF5;
	p2 =	por !p2, p0  }
0x20: {  	[sflag:s8] =	ssyncset.s32 @!p0 $0xFFFFF086;
	s6 =	sadd.s32 @!p0 s3, s7;
	s7 =	simm.s32 @!p0 $0x108  }
0x21: {  	s3 =	sadd.s32 s3, s9;
	s6 =	sadd.s32 @!p0 $0x88, s6;
	s7 =	simm.s32 @p2 $0x1082  }
0x22: {  	[simem:s7], [sflag:s8] =	dma.local @!p0 [hbm:s6], $0xF7A  }
0x23: {  	s9 =	sor.u32 $0xD0000000, s2;
	s6 =	simm.s32 $0x108;
	_ =	swait.ge @!p0 [sflag:s8], $0x0  }
0x24: {  	s3 =	sadd.s32 $0x88, s3;
	s6 =	simm.s32 @!p1 $0x1082;
	[sflag:s4] =	ssyncset.s32 $0xFFFFF086  }
0x25: {  	[simem:s6], [sflag:s4] =	dma.local [hbm:s3], $0xF7A  }
0x26: {  	[smem:$0x3F98] =	sst s1;
	(tag) =	ssettag s2;
	_ =	strace s9  }
0x27: {  	s1 =	sld [smem:$0x3FA8]  }
0x28: {  	s2 =	sld [smem:$0x3FA9]  }
0x29: {  	s4 =	sld [smem:$0x3FAB]  }
0x2a: {  	p0 =	seq.s32 s5, $0x0;
	s5 =	sld [smem:$0x3FAC]  }
0x2b: {  	s6 =	sld [smem:$0x3FAD]  }
0x2c: {  	s7 =	sld [smem:$0x3FAE]  }
0x2d: {  	s3 =	simm.s32 $0x108;
	s8 =	sld [smem:$0x3FAF]  }
0x2e: {  	s3 =	simm.s32 @!p0 $0x1082;
	s9 =	sld [smem:$0x3FB0]  }
0x2f: {  	lr =	sadd.s32 s0, s3;
	s0 =	sld [smem:$0x3FA7]  }
0x30: {  	s3 =	sld [smem:$0x3FAA]  }
0x31: {  	[smem:$0x3FB3] =	sst s10  }
0x32: {  	s10 =	sld [smem:$0x3FB1];
	_ =	sdelay $0x3  }
0x33: {  	p0 =	seq.s32 s10, $0x1;
	s10 =	sld [smem:$0x3FB3];
	_ =	sdelay $0x3  }
0x34: {  	[smem:$0x3FB3] =	sst s10  }
0x35: {  	s10 =	sld [smem:$0x3FB2];
	_ =	sdelay $0x3  }
0x36: {  	p1 =	seq.s32 s10, $0x1;
	s10 =	sld [smem:$0x3FB3];
	_ =	sdelay $0x3  }
0x37: {  	[smem:$0x3FB3] =	sst s10  }
0x38: {  	s10 =	sld [smem:$0x3FB4]  }
0x39: {  	_ = 	snop;
	(pc) =	sbr.ind lr, $3  }
0x3a: {  	_ = 	snop  }
0x3b: {  	_ = 	snop  }
0x3c: {  	p2 =	seq.s32 s10, $0x1;
	s10 =	sld [smem:$0x3FB3]  }
0x3d: {  	_ =	shalt  }
0x3e: {  	_ =	shalt  }
0x3f: {  	_ =	shalt  }
0x40: {  	_ =	shalt  }
0x41: {  	_ =	shalt  }
0x42: {  	_ =	shalt  }
0x43: {  	_ =	shalt  }
0x44: {  	_ =	shalt  }
0x45: {  	_ =	shalt  }
0x46: {  	_ =	shalt  }
0x47: {  	_ =	shalt  }
0x48: {  	_ =	shalt  }
0x49: {  	_ =	shalt  }
0x4a: {  	_ =	shalt  }
0x4b: {  	_ =	shalt  }
0x4c: {  	_ =	shalt  }
0x4d: {  	_ =	shalt  }
0x4e: {  	_ =	shalt  }
0x4f: {  	_ =	shalt  }
0x50: {  	_ =	shalt  }
0x51: {  	_ =	shalt  }
0x52: {  	_ =	shalt  }
0x53: {  	_ =	shalt  }
0x54: {  	_ =	shalt  }
0x55: {  	_ =	shalt  }
0x56: {  	_ =	shalt  }
0x57: {  	_ =	shalt  }
0x58: {  	_ =	shalt  }
0x59: {  	_ =	shalt  }
0x5a: {  	_ =	shalt  }
0x5b: {  	_ =	shalt  }
0x5c: {  	_ =	shalt  }
0x5d: {  	_ =	shalt  }
0x5e: {  	_ =	shalt  }
0x5f: {  	_ =	shalt  }
0x60: {  	_ =	shalt  }
0x61: {  	_ =	shalt  }
0x62: {  	_ =	shalt  }
0x63: {  	_ =	shalt  }
0x64: {  	_ =	shalt  }
0x65: {  	_ =	shalt  }
0x66: {  	_ =	shalt  }
0x67: {  	_ =	shalt  }
0x68: {  	_ =	shalt  }
0x69: {  	_ =	shalt  }
0x6a: {  	_ =	shalt  }
0x6b: {  	_ =	shalt  }
0x6c: {  	_ =	shalt  }
0x6d: {  	_ =	shalt  }
0x6e: {  	_ =	shalt  }
0x6f: {  	_ =	shalt  }
0x70: {  	_ =	shalt  }
0x71: {  	_ =	shalt  }
0x72: {  	_ =	shalt  }
0x73: {  	_ =	shalt  }
0x74: {  	_ =	shalt  }
0x75: {  	_ =	shalt  }
0x76: {  	_ =	shalt  }
0x77: {  	_ =	shalt  }
0x78: {  	_ =	shalt  }
0x79: {  	_ =	shalt  }
0x7a: {  	_ =	shalt  }
0x7b: {  	_ =	shalt  }
0x7c: {  	_ =	shalt  }
0x7d: {  	_ =	shalt  }
0x7e: {  	_ =	shalt  }
0x7f: {  	_ =	shalt  }
0x80: {  	_ =	shalt  }
0x81: {  	_ =	shalt  }
0x82: {  	_ =	shalt  }
0x83: {  	_ =	shalt  }
0x84: {  	_ =	shalt  }
0x85: {  	_ =	shalt  }
0x86: {  	_ =	shalt  }
0x87: {  	_ =	shalt  }
.Lfunc_end0:
.L_simem_size_0:
called_computation.1_lowered:
.L_overlay_start_0:
0x88: {  	s2 =	sld [smem:$0x3FD9]  }
0x89: {  	s3 =	sld [smem:$0x3FFE];
	_ =	sdelay $0x1  }
0x8a: {  	s1 =	srdreg.scid  }
0x8b: {  	s0 =	sand.u32 $0x1, s1  }
0x8c: {  	s17 =	sshll.u32 s0, $0xA;
	s2 =	sadd.s32 s3, s2  }
0x8d: {  	s2 =	sadd.s32 s2, s17  }
0x8e: {  	[smem:$0x3FBF] =	sst s2  }
0x8f: {  	_ = 	snop  }
0x90: {  	s2 =	sld [smem:$0x3FD0];
	(tm) =	ssettm $0x1  }
0x91: {  	s18 =	sld [smem:$0x3FFB];
	_ =	sdelay $0x3  }
0x92: {  	_ =	strace s18  }
0x93: {  	s3 =	sld [smem:$0x3FFC];
	_ =	sdelay $0x3  }
0x94: {  	_ =	strace s3  }
0x95: {  	s3 =	sld [smem:$0x3FFD];
	_ =	sdelay $0x3  }
0x96: {  	_ =	strace s3  }
0x97: {  	_ =	strace $0x8FFFFFFF  }
0x98: {  	s19 =	sld [smem:$0x3FDB];
	_ =	sdelay $0x1  }
0x99: {  	s4 =	simm.s32 $_scs_section_size  }
0x9a: {  	s5 =	simm.s32 $_size__tile_overlayer_lowered;
	s6 =	simm.s32 $_tile_overlayer_lowered  }
0x9b: {  	s22 =	simm.s32 $0x1BFF;
	s21 =	sshll.u32 s6, $0x1;
	s3 =	sadd.s32 s4, s19  }
0x9c: {  	s7 =	simm.s32 $0x0;
	s20 =	sshll.u32 s5, $0x1;
	s5 =	sadd.s32 s21, s3  }
0x9d: {  	[timem:s7], [sflag:s22] =	dma.local [hbm:s5], s20  }
0x9e: {  	_ =	swait.ge [sflag:s22], s20  }
0x9f: {  	s4 =	ssub.s32 $0x0, s20;
	[sflag:s22] =	ssyncset.done $0x0  }
0xa0: {  	[sflag:s22] =	ssyncadd.s32 s4;
	_ =	sdelay $0x1  }
0xa1: {  	s23 =	simm.s32 $0x1B8B  }
0xa2: {  	_ =	swait.ge [sflag:s23], $0x1  }
0xa3: {  	[sflag:s23] =	ssyncset.done $0x0  }
0xa4: {  	s25 =	simm.s32 $0x1B8E;
	s24 =	sld [smem:$0x3FFE];
	[sflag:s23] =	ssyncadd.s32 $0xFFFFFFFF  }
0xa5: {  	s26 =	simm.s32 $execute0_lowered;
	[smem:$0x3FD2] =	sst s25  }
0xa6: {  	s5 =	sshll.u32 s26, $0x1;
	_ =	strace $0x80000049;
	[dreg:$0x1] =	wrdreg $0xFFFFFFFF  }
0xa7: {  	s28 =	simm.s32 $_size_execute0_lowered;
	s3 =	sadd.s32 s3, s5;
	[dreg:$0x0] =	wrdreg $0x0  }
0xa8: {  	s5 =	sshll.u32 s28, $0x1;
	[dreg:$0x2] =	wrdreg s3  }
0xa9: {  	[dreg:$0x3] =	wrdreg s5  }
0xaa: {  	[dreg:$0x4] =	wrdreg $0xC0  }
0xab: {  	_ =	task [dreg:s7], $0x5FFFF  }
0xac: {  	[dreg:$0x1] =	wrdreg $0xFFFFFFFF  }
0xad: {  	[dreg:$0x0] =	wrdreg $0x60  }
0xae: {  	[dreg:$0x2] =	wrdreg s24  }
0xaf: {  	[dreg:$0x3] =	wrdreg s2  }
0xb0: {  	[dreg:$0x4] =	wrdreg $0x9  }
0xb1: {  	_ =	task.clear_ibuf [dreg:s7], $0x5FFFF;
	_ =	strace $0x90000049  }
0xb2: {  	s29 =	simm.s32 $0x9;
	_ =	strace $0x8000004B  }
0xb3: {  	_ =	swait.ge [sflag:s29], $0x1  }
0xb4: {  	[sflag:s29] =	ssyncadd.s32 $0xFFFFFFFF  }
0xb5: {  	_ =	strace $0x9000004B  }
0xb6: {  	_ =	sfence  }
0xb7: {  	s30 =	sld [smem:$0x0];
	_ =	sdelay $0x2  }
0xb8: {  	s31 =	sshll.u32 s1, $0xD;
	s1 =	sshrl.u32 s1, $0x2  }
0xb9: {  	s3 =	sand.u32 $0x4000, s31;
	s1 =	sadd.s32 s1, s30  }
0xba: {  	s0 =	sor.u32 s3, s0;
	s1 =	sshll.u32 s1, $0x11  }
0xbb: {  	s0 =	sor.u32 s1, s0  }
0xbc: {  	s0 =	sadd.s32 $0x8F2B, s0  }
0xbd: {  	[sflag:s0] =	ssyncadd.remote.s32 $0x1  }
0xbe: {  	_ =	sfence.sel $0xFFFF  }
0xbf: {  	[dreg:$0x0] =	wrdreg $0xFFFFFFFF;
	(pc) =	sbr.abs _section_cstart, $3  }
0xc0: {  	[dreg:$0x1] =	wrdreg $0xFFFFFFFF  }
0xc1: {  	_ =	task.clear_ibuf [dreg:s7], $0x2FFFF;
	_ =	strace $0x9FFFFFFF  }
0xc2: {  	(tm) =	ssettm $0x7FFFFFFF  }
0xc3: {  	_ =	shalt  }
tec
execute0_lowered:
.L_overlay_start_1:
0x0: {  	(tag) =	ssettag $0x1  }
0x1: {  	s5 =	rddreg [dreg:$0x0]  }
0x2: {  	s6 =	rddreg [dreg:$0x1];
	s2 =	simm.s32 $0x0;
	s3 =	srdreg.scid  }
0x3: {  	s1 =	stileid.u32;
	s13 =	simm.s32 $0x18700;
	s14 =	simm.s32 $0x18A20  }
0x4: {  	s15 =	simm.s32 $0x1BF40;
	s16 =	simm.s32 $0x1C260;
	s17 =	simm.s32 $0x1  }
0x5: {  	s18 =	simm.s32 $0x2;
	s19 =	simm.s32 $0x1F780;
	s20 =	simm.s32 $0x320  }
0x6: {  	s21 =	simm.s32 $0x1BC20;
	s22 =	simm.s32 $0x3;
	s23 =	simm.s32 $0x4  }
0x7: {  	v0 =	vimm.s32 $0xEDCBA987;
	s24 =	simm.s32 $0x1F460;
	s7 =	sand.u32 $0x1, s3;
	s31 =	sshll.u32 s1, $0x1  }
0x8: {  	v1 =	vimm.s32 $0x65432100;
	v2 =	vimm.s32 $0xFFEDCBA9;
	s25 =	simm.s32 $0x0;
	[smem:$0x7FF] =	sst s2;
	s8 =	sor.u32 s7, s31  }
0x9: {  	v3 =	vimm.s32 $0x87654321;
	s3 =	sadd.s32 $0x1C00, s5;
	s4 =	sadd.s32 $0x3199400, s5;
	v0 =	vunpack.c.l.s4.s8 v0;
	s10 =	smul.u32 $0x186A0, s8  }
0xa: {  	s5 =	sadd.s32 $0x69C00, s5;
	v1 =	vunpack.c.l.s4.s8 v1;
	v2 =	vunpack.c.l.s4.s8 v2;
	v3 =	vunpack.c.l.s4.s8 v3;
	s7 =	ssub.s32 $0x2, s7;
	s9 =	smul.u32 $0x30E0, s8  }
0xb: {  	_ =	strace $0x8000004A;
	s11 =	sshrl.u32 s7, $0x1;
	s8 =	smul.u32 $0x30D40, s8;
	v4 =	vunpack.c.0.s8.s32 v0;
	v0 =	vlaneseq.u32  }
0xc: {  	v1 =	vunpack.c.0.s8.s32 v1;
	v5 =	vunpack.c.0.s8.s32 v2;
	v3 =	vunpack.c.0.s8.s32 v3;
	s11 =	ssub.s32 s7, s11;
	s12 =	sshrl.u32 s10, $0x3;
	s6 =	sadd.s32 s6, s9  }
0xd: {  	vm0 =	vcmask $0x3F3C;
	v2 =	vor.u32 $0x80000000, v0;
	s8 =	sadd.s32 s4, s8;
	s9 =	sadd.s32 $0x320, s10;
	s10 =	sadd.s32 $0x640, s10;
	v4 =	vand.u32 $0xF, v4  }
0xe: {  	s11 =	smax.u32 s11, $0x1;
	v3 =	vcombine.low v3, v5;
	s7 =	sadd.s32 s3, s12;
	s12 =	simm.s32 $0x5;
	v1 =	vcombine.low v1, v4;
	v4 =	vadd.s32 $0x1, v0  }
.LBB2_1:
0xf: {  	[tilespmem:s2], [sflag:$0x5] =	stream.linear.gather [hbm4b:s6+s2], $0x18700, $0x38;
	[tilespmem:$0x1F790] =	vst v63  }
0x10: {  	_ =	swait.ge [sflag:s12], $0x18700  }
0x11: {  	[sflag:s12] =	ssyncset.done $0x0  }
0x12: {  	[sflag:s12] =	ssyncadd.s32 $0xFFFE7900  }
0x13: {  	[tilespmem:s13], [sflag:$0x1] =	stream.linear.gather [hbm4b:s7+s2], $0x320, $0x38;
	[tilespmem:$0x1F790] =	vst v63  }
0x14: {  	s26 =	simm.s32 $0x0  }
0x15: {  	[tilespmem:s14], [sflag:$0x2] =	stream.linear.gather [hbm4b:s8+s2], $0x3200, $0x38;
	[tilespmem:$0x1F790] =	vst v63  }
.LBB2_2:
0x16: {  	s28 =	smul.u32 $0x640, s26;
	_ =	sdelay $0x1  }
0x17: {  	s29 =	sadd.s32 s28, s9  }
0x18: {  	s30 =	sshrl.u32 s29, $0x3;
	s29 =	sshll.u32 s29, $0x1  }
0x19: {  	s31 =	simm.s32 $0x0;
	s30 =	sadd.s32 s3, s30;
	s29 =	sand.u32 $0x1FFFFFC0, s29  }
0x1a: {  	[tilespmem:s15], [sflag:$0x3] =	stream.linear.gather [hbm4b:s30+s31], $0x320, $0x38;
	[tilespmem:$0x1F790] =	vst v63  }
0x1b: {  	s29 =	sadd.s32 s4, s29  }
0x1c: {  	[tilespmem:s16], [sflag:$0x4] =	stream.linear.gather [hbm4b:s29+s31], $0x3200, $0x38;
	[tilespmem:$0x1F790] =	vst v63  }
0x1d: {  	_ =	swait.ge [sflag:s17], $0x320  }
0x1e: {  	[sflag:s17] =	ssyncset.done $0x0  }
0x1f: {  	[sflag:s17] =	ssyncadd.s32 $0xFFFFFCE0  }
0x20: {  	_ =	swait.ge [sflag:s18], $0x3200  }
0x21: {  	[sflag:s18] =	ssyncset.done $0x0  }
0x22: {  	s29 =	simm.s32 $0x0;
	[sflag:s18] =	ssyncadd.s32 $0xFFFFCE00  }
0x23: {  	v5 =	vld [tilespmem:s29+$0x18700];
	_ =	sdelay $0x4  }
0x24: {  	v5 =	vxor.u32 $0x80000000, v5  }
0x25: {  	(xrf1) =	vsort.ascd.msk.u32 $0xffff, v5, v0;
	_ =	sdelay $0xd  }
0x26: {  	v5, v6, _ =	vpop (xrf1)  }
0x27: {  	v5 =	vxor.u32 $0x80000000, v5  }
0x28: {  	v7 =	vperm.xlane v5, v1;
	_ =	sdelay $0x1  }
0x29: {  	vm1 =	veq.s32 v5, v7  }
0x2a: {  	v7 =	vsel vm1, $0x80000000, v2  }
0x2b: {  	(xrf0) =	vmax.scan.msk.u32 $0xffff, v7  }
0x2c: {  	v7 =	vperm.xlane v5, v3;
	_ =	sdelay $0x1  }
0x2d: {  	vm1 =	vne.s32 v5, v7;
	v7 =	vld.idx.msk [tilespmem:v5+s2+$0x0], $0xffff  }
0x2e: {  	vm1 =	vmor vm1, vm0;
	_ =	sdelay $0x1  }
0x2f: {  	v8, _, _ =	vpop (xrf0)  }
0x30: {  	v8 =	vxor.u32 $0x80000000, v8  }
0x31: {  	v7 =	vsub.s32 v7, v8  }
0x32: {  	v8 =	vadd.s32 v4, v7  }
0x33: {  	v7 =	vadd.s32 v0, v7;
	[tilespmem:v5+s2+$0x0] =	vst.idx.msk vm1, v8  }
0x34: {  	s31 =	simm.s32 $0x10;
	[tilespmem:v6+s19+$0x0] =	vst.idx.msk $0xffff, v7  }
0x35: {  	v6 =	vld [tilespmem:s31+$0x18700]  }
0x36: {  	s30 =	simm.s32 $0x80;
	v5 =	vld [tilespmem:$0x1F780]  }
.LBB2_3:
0x37: {  	_ =	sdelay $0x2  }
0x38: {  	p0 =	sne.s32 s30, $0xC40;
	s0 =	smov.u32 s30;
	s30 =	sadd.s32 $0x40, s30;
	v6 =	vxor.u32 $0x80000000, v6  }
0x39: {  	(xrf1) =	vsort.ascd.msk.u32 $0xffff, v6, v0;
	[tilespmem:s29+$0x1BC20] =	vst v5;
	s29 =	smov.u32 s31;
	_ =	sdelay $0xd  }
0x3a: {  	v5, v6, _ =	vpop (xrf1)  }
0x3b: {  	v5 =	vxor.u32 $0x80000000, v5  }
0x3c: {  	v7 =	vperm.xlane v5, v1;
	v8 =	vperm.xlane v5, v3;
	_ =	sdelay $0x1  }
0x3d: {  	vm1 =	veq.s32 v5, v7;
	vm2 =	vne.s32 v5, v8  }
0x3e: {  	v7 =	vsel vm1, $0x80000000, v2  }
0x3f: {  	(xrf0) =	vmax.scan.msk.u32 $0xffff, v7;
	_ =	sdelay $0x1  }
0x40: {  	v7 =	vld.idx.msk [tilespmem:v5+s2+$0x0], $0xffff;
	_ =	sdelay $0x1  }
0x41: {  	vm1 =	vmor vm2, vm0;
	_ =	sdelay $0x1  }
0x42: {  	v8, _, _ =	vpop (xrf0)  }
0x43: {  	v8 =	vxor.u32 $0x80000000, v8  }
0x44: {  	v7 =	vsub.s32 v7, v8  }
.Ltmp0:
0x45: {  	v8 =	vadd.s32 v4, v7;
	(pc) =	sbr.rel @p0 .LBB2_3-.Ltmp0, $4  }
0x46: {  	v7 =	vadd.s32 v0, v7;
	[tilespmem:v5+s2+$0x0] =	vst.idx.msk vm1, v8  }
0x47: {  	s31 =	sshra.s32 s0, $0x2;
	[tilespmem:v6+s19+$0x0] =	vst.idx.msk $0xffff, v7  }
0x48: {  	v6 =	vld [tilespmem:s31+$0x18700]  }
0x49: {  	v5 =	vld [tilespmem:$0x1F780]  }
0x4a: {  	_ =	sdelay $0x2  }
0x4b: {  	v6 =	vxor.u32 $0x80000000, v6  }
0x4c: {  	(xrf1) =	vsort.ascd.msk.u32 $0xffff, v6, v0;
	_ =	sdelay $0xd  }
0x4d: {  	v6, v7, _ =	vpop (xrf1)  }
0x4e: {  	v6 =	vxor.u32 $0x80000000, v6  }
0x4f: {  	v8 =	vperm.xlane v6, v1;
	_ =	sdelay $0x1  }
0x50: {  	vm1 =	veq.s32 v6, v8  }
0x51: {  	v8 =	vsel vm1, $0x80000000, v2  }
0x52: {  	(xrf0) =	vmax.scan.msk.u32 $0xffff, v8  }
0x53: {  	v8 =	vperm.xlane v6, v3  }
0x54: {  	[tilespmem:s29+$0x1BC20] =	vst v5  }
0x55: {  	v5 =	vld.idx.msk [tilespmem:v6+s2+$0x0], $0xffff;
	vm1 =	vne.s32 v6, v8  }
0x56: {  	vm1 =	vmor vm1, vm0;
	_ =	sdelay $0x1  }
0x57: {  	v8, _, _ =	vpop (xrf0)  }
0x58: {  	v8 =	vxor.u32 $0x80000000, v8  }
0x59: {  	v5 =	vsub.s32 v5, v8  }
0x5a: {  	v8 =	vadd.s32 v4, v5  }
0x5b: {  	v5 =	vadd.s32 v0, v5;
	[tilespmem:v6+s2+$0x0] =	vst.idx.msk vm1, v8  }
0x5c: {  	[tilespmem:v7+s19+$0x0] =	vst.idx.msk $0xffff, v5  }
0x5d: {  	v5 =	vld [tilespmem:$0x1F780];
	_ =	sdelay $0x4  }
0x5e: {  	s0 =	sadd.s32 s28, s10;
	[tilespmem:s31+$0x1BC20] =	vst v5  }
0x5f: {  	[hbm4b:s5+s20] =	stream.indirect.scatter [tilespmem:s14], [sflag:$0x5], $0x10, s21, s20, $0xb8;
	[tilespmem:$0x1F790] =	vst v63  }
0x60: {  	s28 =	sshrl.u32 s0, $0x3;
	_ =	swait.ge [sflag:s12], $0x3200  }
0x61: {  	s0 =	sshll.u32 s0, $0x1;
	s28 =	sadd.s32 s3, s28;
	[sflag:s12] =	ssyncset.done $0x0  }
0x62: {  	s0 =	sand.u32 $0x1FFFFFC0, s0;
	s29 =	simm.s32 $0x0;
	[sflag:s12] =	ssyncadd.s32 $0xFFFFCE00  }
0x63: {  	[tilespmem:s13], [sflag:$0x1] =	stream.linear.gather [hbm4b:s28+s29], $0x320, $0x38;
	[tilespmem:$0x1F790] =	vst v63  }
0x64: {  	s0 =	sadd.s32 s4, s0  }
0x65: {  	[tilespmem:s14], [sflag:$0x2] =	stream.linear.gather [hbm4b:s0+s29], $0x3200, $0x38;
	[tilespmem:$0x1F790] =	vst v63  }
0x66: {  	_ =	swait.ge [sflag:s22], $0x320  }
0x67: {  	[sflag:s22] =	ssyncset.done $0x0  }
0x68: {  	[sflag:s22] =	ssyncadd.s32 $0xFFFFFCE0  }
0x69: {  	_ =	swait.ge [sflag:s23], $0x3200  }
0x6a: {  	[sflag:s23] =	ssyncset.done $0x0  }
0x6b: {  	s28 =	simm.s32 $0x0;
	[sflag:s23] =	ssyncadd.s32 $0xFFFFCE00  }
0x6c: {  	v5 =	vld [tilespmem:s28+$0x1BF40];
	_ =	sdelay $0x4  }
0x6d: {  	v5 =	vxor.u32 $0x80000000, v5  }
0x6e: {  	(xrf1) =	vsort.ascd.msk.u32 $0xffff, v5, v0;
	_ =	sdelay $0xd  }
0x6f: {  	v5, v6, _ =	vpop (xrf1)  }
0x70: {  	v5 =	vxor.u32 $0x80000000, v5  }
0x71: {  	v7 =	vperm.xlane v5, v1;
	_ =	sdelay $0x1  }
0x72: {  	vm1 =	veq.s32 v5, v7  }
0x73: {  	v7 =	vsel vm1, $0x80000000, v2  }
0x74: {  	(xrf0) =	vmax.scan.msk.u32 $0xffff, v7  }
0x75: {  	v7 =	vperm.xlane v5, v3;
	_ =	sdelay $0x1  }
0x76: {  	vm1 =	vne.s32 v5, v7;
	v7 =	vld.idx.msk [tilespmem:v5+s2+$0x0], $0xffff  }
0x77: {  	vm1 =	vmor vm1, vm0;
	_ =	sdelay $0x1  }
0x78: {  	v8, _, _ =	vpop (xrf0)  }
0x79: {  	v8 =	vxor.u32 $0x80000000, v8  }
0x7a: {  	v7 =	vsub.s32 v7, v8  }
0x7b: {  	v8 =	vadd.s32 v4, v7  }
0x7c: {  	v7 =	vadd.s32 v0, v7;
	[tilespmem:v5+s2+$0x0] =	vst.idx.msk vm1, v8  }
0x7d: {  	s30 =	simm.s32 $0x10;
	[tilespmem:v6+s19+$0x0] =	vst.idx.msk $0xffff, v7  }
0x7e: {  	v6 =	vld [tilespmem:s30+$0x1BF40]  }
0x7f: {  	s29 =	simm.s32 $0x80;
	v5 =	vld [tilespmem:$0x1F780]  }
.LBB2_5:
0x80: {  	_ =	sdelay $0x2  }
0x81: {  	p0 =	sne.s32 s29, $0xC40;
	s0 =	smov.u32 s29;
	s29 =	sadd.s32 $0x40, s29;
	v6 =	vxor.u32 $0x80000000, v6  }
0x82: {  	(xrf1) =	vsort.ascd.msk.u32 $0xffff, v6, v0;
	[tilespmem:s28+$0x1F460] =	vst v5;
	s28 =	smov.u32 s30;
	_ =	sdelay $0xd  }
0x83: {  	v5, v6, _ =	vpop (xrf1)  }
0x84: {  	v5 =	vxor.u32 $0x80000000, v5  }
0x85: {  	v7 =	vperm.xlane v5, v1;
	v8 =	vperm.xlane v5, v3;
	_ =	sdelay $0x1  }
0x86: {  	vm1 =	veq.s32 v5, v7;
	vm2 =	vne.s32 v5, v8  }
0x87: {  	v7 =	vsel vm1, $0x80000000, v2  }
0x88: {  	(xrf0) =	vmax.scan.msk.u32 $0xffff, v7;
	_ =	sdelay $0x1  }
0x89: {  	v7 =	vld.idx.msk [tilespmem:v5+s2+$0x0], $0xffff;
	_ =	sdelay $0x1  }
0x8a: {  	vm1 =	vmor vm2, vm0;
	_ =	sdelay $0x1  }
0x8b: {  	v8, _, _ =	vpop (xrf0)  }
0x8c: {  	v8 =	vxor.u32 $0x80000000, v8  }
0x8d: {  	v7 =	vsub.s32 v7, v8  }
.Ltmp1:
0x8e: {  	v8 =	vadd.s32 v4, v7;
	(pc) =	sbr.rel @p0 .LBB2_5-.Ltmp1, $4  }
0x8f: {  	v7 =	vadd.s32 v0, v7;
	[tilespmem:v5+s2+$0x0] =	vst.idx.msk vm1, v8  }
0x90: {  	s30 =	sshra.s32 s0, $0x2;
	[tilespmem:v6+s19+$0x0] =	vst.idx.msk $0xffff, v7  }
0x91: {  	v6 =	vld [tilespmem:s30+$0x1BF40]  }
0x92: {  	v5 =	vld [tilespmem:$0x1F780]  }
0x93: {  	_ =	sdelay $0x2  }
0x94: {  	v6 =	vxor.u32 $0x80000000, v6  }
0x95: {  	(xrf1) =	vsort.ascd.msk.u32 $0xffff, v6, v0;
	_ =	sdelay $0xd  }
0x96: {  	v6, v7, _ =	vpop (xrf1)  }
0x97: {  	v6 =	vxor.u32 $0x80000000, v6  }
0x98: {  	v8 =	vperm.xlane v6, v1;
	_ =	sdelay $0x1  }
0x99: {  	vm1 =	veq.s32 v6, v8  }
0x9a: {  	v8 =	vsel vm1, $0x80000000, v2  }
0x9b: {  	(xrf0) =	vmax.scan.msk.u32 $0xffff, v8  }
0x9c: {  	v62 =	vperm.xlane v6, v3  }
0x9d: {  	[tilespmem:s28+$0x1F460] =	vst v5  }
0x9e: {  	vm1 =	vne.s32 v6, v62;
	v5 =	vld.idx.msk [tilespmem:v6+s2+$0x0], $0xffff  }
0x9f: {  	vm1 =	vmor vm1, vm0;
	_ =	sdelay $0x1  }
0xa0: {  	v63, _, _ =	vpop (xrf0)  }
0xa1: {  	v8 =	vxor.u32 $0x80000000, v63  }
0xa2: {  	v5 =	vsub.s32 v5, v8  }
0xa3: {  	v8 =	vadd.s32 v4, v5  }
0xa4: {  	v5 =	vadd.s32 v0, v5;
	[tilespmem:v6+s2+$0x0] =	vst.idx.msk vm1, v8  }
0xa5: {  	[tilespmem:v7+s19+$0x0] =	vst.idx.msk $0xffff, v5  }
0xa6: {  	v5 =	vld [tilespmem:$0x1F780];
	_ =	sdelay $0x2  }
0xa7: {  	s26 =	sadd.s32 $0x1, s26  }
0xa8: {  	p0 =	sne.s32 s26, $0x3E  }
.Ltmp2:
0xa9: {  	[tilespmem:s30+$0x1F460] =	vst v5;
	(pc) =	sbr.rel @p0 .LBB2_2-.Ltmp2, $4  }
0xaa: {  	[hbm4b:s5+s20] =	stream.indirect.scatter [tilespmem:s16], [sflag:$0x5], $0x10, s24, s20, $0xb8;
	[tilespmem:$0x1F790] =	vst v63  }
0xab: {  	_ =	swait.ge [sflag:s12], $0x3200  }
0xac: {  	[sflag:s12] =	ssyncset.done $0x0  }
0xad: {  	[sflag:s12] =	ssyncadd.s32 $0xFFFFCE00  }
0xae: {  	_ =	swait.ge [sflag:s17], $0x320  }
0xaf: {  	[sflag:s17] =	ssyncset.done $0x0  }
0xb0: {  	[sflag:s17] =	ssyncadd.s32 $0xFFFFFCE0  }
0xb1: {  	_ =	swait.ge [sflag:s18], $0x3200  }
0xb2: {  	[sflag:s18] =	ssyncset.done $0x0  }
0xb3: {  	s26 =	simm.s32 $0x0;
	[sflag:s18] =	ssyncadd.s32 $0xFFFFCE00  }
0xb4: {  	v5 =	vld [tilespmem:s26+$0x18700];
	_ =	sdelay $0x4  }
0xb5: {  	v5 =	vxor.u32 $0x80000000, v5  }
0xb6: {  	(xrf1) =	vsort.ascd.msk.u32 $0xffff, v5, v0;
	_ =	sdelay $0xd  }
0xb7: {  	v5, v6, _ =	vpop (xrf1)  }
0xb8: {  	v5 =	vxor.u32 $0x80000000, v5  }
0xb9: {  	v7 =	vperm.xlane v5, v1;
	_ =	sdelay $0x1  }
0xba: {  	vm1 =	veq.s32 v5, v7  }
0xbb: {  	v7 =	vsel vm1, $0x80000000, v2  }
0xbc: {  	(xrf0) =	vmax.scan.msk.u32 $0xffff, v7  }
0xbd: {  	v7 =	vperm.xlane v5, v3;
	_ =	sdelay $0x1  }
0xbe: {  	vm1 =	vne.s32 v5, v7;
	v7 =	vld.idx.msk [tilespmem:v5+s2+$0x0], $0xffff  }
0xbf: {  	vm1 =	vmor vm1, vm0;
	_ =	sdelay $0x1  }
0xc0: {  	v8, _, _ =	vpop (xrf0)  }
0xc1: {  	v8 =	vxor.u32 $0x80000000, v8  }
0xc2: {  	v7 =	vsub.s32 v7, v8  }
0xc3: {  	v8 =	vadd.s32 v4, v7  }
0xc4: {  	v7 =	vadd.s32 v0, v7;
	[tilespmem:v5+s2+$0x0] =	vst.idx.msk vm1, v8  }
0xc5: {  	s29 =	simm.s32 $0x10;
	[tilespmem:v6+s19+$0x0] =	vst.idx.msk $0xffff, v7  }
0xc6: {  	v6 =	vld [tilespmem:s29+$0x18700]  }
0xc7: {  	s28 =	simm.s32 $0x80;
	v5 =	vld [tilespmem:$0x1F780]  }
.LBB2_8:
0xc8: {  	_ =	sdelay $0x2  }
0xc9: {  	p0 =	sne.s32 s28, $0xC40;
	s0 =	smov.u32 s28;
	s28 =	sadd.s32 $0x40, s28;
	v6 =	vxor.u32 $0x80000000, v6  }
0xca: {  	(xrf1) =	vsort.ascd.msk.u32 $0xffff, v6, v0;
	[tilespmem:s26+$0x1BC20] =	vst v5;
	s26 =	smov.u32 s29;
	_ =	sdelay $0xd  }
0xcb: {  	v5, v6, _ =	vpop (xrf1)  }
0xcc: {  	v5 =	vxor.u32 $0x80000000, v5  }
0xcd: {  	v7 =	vperm.xlane v5, v1;
	v8 =	vperm.xlane v5, v3;
	_ =	sdelay $0x1  }
0xce: {  	vm1 =	veq.s32 v5, v7;
	vm2 =	vne.s32 v5, v8  }
0xcf: {  	v7 =	vsel vm1, $0x80000000, v2  }
0xd0: {  	(xrf0) =	vmax.scan.msk.u32 $0xffff, v7;
	_ =	sdelay $0x1  }
0xd1: {  	v7 =	vld.idx.msk [tilespmem:v5+s2+$0x0], $0xffff;
	_ =	sdelay $0x1  }
0xd2: {  	vm1 =	vmor vm2, vm0;
	_ =	sdelay $0x1  }
0xd3: {  	v8, _, _ =	vpop (xrf0)  }
0xd4: {  	v8 =	vxor.u32 $0x80000000, v8  }
0xd5: {  	v7 =	vsub.s32 v7, v8  }
.Ltmp3:
0xd6: {  	v8 =	vadd.s32 v4, v7;
	(pc) =	sbr.rel @p0 .LBB2_8-.Ltmp3, $4  }
0xd7: {  	v7 =	vadd.s32 v0, v7;
	[tilespmem:v5+s2+$0x0] =	vst.idx.msk vm1, v8  }
0xd8: {  	s29 =	sshra.s32 s0, $0x2;
	[tilespmem:v6+s19+$0x0] =	vst.idx.msk $0xffff, v7  }
0xd9: {  	v6 =	vld [tilespmem:s29+$0x18700]  }
0xda: {  	v5 =	vld [tilespmem:$0x1F780]  }
0xdb: {  	_ =	sdelay $0x2  }
0xdc: {  	v6 =	vxor.u32 $0x80000000, v6  }
0xdd: {  	(xrf1) =	vsort.ascd.msk.u32 $0xffff, v6, v0;
	_ =	sdelay $0xd  }
0xde: {  	v6, v7, _ =	vpop (xrf1)  }
0xdf: {  	v6 =	vxor.u32 $0x80000000, v6  }
0xe0: {  	v8 =	vperm.xlane v6, v1;
	_ =	sdelay $0x1  }
0xe1: {  	vm1 =	veq.s32 v6, v8  }
0xe2: {  	v8 =	vsel vm1, $0x80000000, v2  }
0xe3: {  	(xrf0) =	vmax.scan.msk.u32 $0xffff, v8  }
0xe4: {  	v62 =	vperm.xlane v6, v3  }
0xe5: {  	[tilespmem:s26+$0x1BC20] =	vst v5  }
0xe6: {  	vm1 =	vne.s32 v6, v62;
	v5 =	vld.idx.msk [tilespmem:v6+s2+$0x0], $0xffff  }
0xe7: {  	vm1 =	vmor vm1, vm0;
	_ =	sdelay $0x1  }
0xe8: {  	v63, _, _ =	vpop (xrf0)  }
0xe9: {  	v8 =	vxor.u32 $0x80000000, v63  }
0xea: {  	v5 =	vsub.s32 v5, v8  }
0xeb: {  	v8 =	vadd.s32 v4, v5  }
0xec: {  	v5 =	vadd.s32 v0, v5;
	[tilespmem:v6+s2+$0x0] =	vst.idx.msk vm1, v8  }
0xed: {  	[tilespmem:v7+s19+$0x0] =	vst.idx.msk $0xffff, v5  }
0xee: {  	v5 =	vld [tilespmem:$0x1F780];
	_ =	sdelay $0x2  }
0xef: {  	s25 =	sadd.s32 $0x1, s25  }
0xf0: {  	p0 =	sne.s32 s25, s11  }
.Ltmp4:
0xf1: {  	[tilespmem:s29+$0x1BC20] =	vst v5;
	(pc) =	sbr.rel @p0 .LBB2_1-.Ltmp4, $4  }
0xf2: {  	[hbm4b:s5+s20] =	stream.indirect.scatter [tilespmem:s14], [sflag:$0x5], $0x10, s21, s20, $0xb8;
	[tilespmem:$0x1F790] =	vst v63  }
0xf3: {  	_ =	swait.ge [sflag:s12], $0x3200  }
0xf4: {  	[sflag:s12] =	ssyncset.done $0x0  }
0xf5: {  	[sflag:s12] =	ssyncadd.s32 $0xFFFFCE00  }
0xf6: {  	_ =	sfence.sel $0x180000  }
0xf7: {  	[bflag:$0x0] =	sbarrier.arrive $0xFFFF  }
0xf8: {  	_ =	strace $0x9000004A  }
0xf9: {  	[bflag:$0x2] =	sbarrier.arrive $0xFFFF  }
0xfa: {  	p0 =	sne.s32 s1, $0x0;
	s0 =	rddreg [dreg:$0x2]  }
0xfb: {  	s0 =	sadd.s32 @!p0 $0x100000, s0  }
0xfc: {  	[sflag:s0] =	ssyncadd.tile.s32 @!p0 $0x1;
	_ =	shalt  }
.Lfunc_end2:
_tile_overlayer_lowered:
.L_overlay_start_2:
0xfd: {  	(tag) =	ssettag $0x2  }
0xfe: {  	s0 =	rddreg [dreg:$0x0];
	s2 =	stileid.u32  }
0xff: {  	s1 =	rddreg [dreg:$0x1];
	p0 =	sne.s32 s2, $0x0  }
0x100: {  	s3 =	rddreg [dreg:$0x2];
	[bflag:$0x3] =	sbarrier.arrive $0xFFFF;
	s2 =	simm.s32 @!p0 $0x1C05  }
0x101: {  	[timem:s3], [sflag:s2] =	dma.local @!p0 [hbm:s0], s1  }
0x102: {  	s0 =	simm.s32 @!p0 $0x5  }
0x103: {  	_ =	swait.ge @!p0 [sflag:s0], s1  }
0x104: {  	s1 =	ssub.s32 @!p0 $0x0, s1;
	[sflag:s0] =	ssyncset.done @!p0 $0x0  }
0x105: {  	[sflag:s0] =	ssyncadd.s32 @!p0 s1  }
0x106: {  	[bflag:$0x3] =	sbarrier.arrive $0xFFFF  }
0x107: {  	_ =	shalt  }

// kernel: kernel.13.cloned.1.call-start
scs
__scs_entry_jumppad:
0x0: {  	(pc) =	sbr.rel $0x88, $3  }
0x1: {  	(tag) =	ssettag $0x0;
	lr =	simm.s32 $0x1  }
0x2: {  	[smem:$0x3F98] =	sst lr;
	_ =	strace $0xD0000000  }
0x3: {  	_ = 	snop  }
0x4: {  	_ = 	snop  }
0x5: {  	_ = 	snop  }
0x6: {  	_ = 	snop  }
0x7: {  	_ = 	snop  }
__scs_overlays_trampoline_lowered:
0x8: {  	[smem:$0x3FA7] =	sst s0  }
0x9: {  	[smem:$0x3FA8] =	sst s1  }
0xa: {  	[smem:$0x3FA9] =	sst s2  }
0xb: {  	[smem:$0x3FAA] =	sst s3  }
0xc: {  	[smem:$0x3FAB] =	sst s4  }
0xd: {  	[smem:$0x3FAC] =	sst s5  }
0xe: {  	[smem:$0x3FAD] =	sst s6  }
0xf: {  	[smem:$0x3FAE] =	sst s7  }
0x10: {  	[smem:$0x3FAF] =	sst s8  }
0x11: {  	[smem:$0x3FB0] =	sst s9;
	s0 =	simm.s32 @!p0 $0x0  }
0x12: {  	s1 =	sld [smem:$0x3F96];
	s0 =	simm.s32 @p0 $0x1  }
0x13: {  	[smem:$0x3FB1] =	sst s0;
	s0 =	simm.s32 @!p1 $0x0  }
0x14: {  	s2 =	sld [smem:$0x3F95];
	s0 =	simm.s32 @p1 $0x1  }
0x15: {  	[smem:$0x3FB2] =	sst s0;
	s0 =	simm.s32 @!p2 $0x0  }
0x16: {  	s3 =	sld [smem:$0x3FDB];
	s0 =	simm.s32 @p2 $0x1  }
0x17: {  	s4 =	simm.s32 $0x1BF5;
	[smem:$0x3FB4] =	sst s0  }
0x18: {  	s0 =	sld [smem:$0x3F97];
	_ =	swait.ge [sflag:s4], $0x0  }
0x19: {  	s7 =	sld [smem:$0x3F98]  }
0x1a: {  	s8 =	sadd.s32 $0xFFFFE003, lr  }
0x1b: {  	s9 =	sadd.s32 $0xFFFFFEF7, lr;
	s5 =	simm.s32 $0xFFFFFFFF;
	p2 =	slt.u32 s8, $0xFFFFF086  }
0x1c: {  	p1 =	slt.u32 s9, $0xF7A;
	s5 =	simm.s32 @!p2 $0x0  }
0x1d: {  	s5 =	simm.s32 @p1 $0x1;
	p0 =	seq.s32 s7, s2  }
0x1e: {  	s7 =	smul.u32 @!p0 $0xF7A, s2;
	p2 =	seq.s32 @!p0 s5, $0x0  }
0x1f: {  	s9 =	smul.u32 $0xF7A, s1;
	s8 =	simm.s32 @!p0 $0x1BF5;
	p2 =	por !p2, p0  }
0x20: {  	[sflag:s8] =	ssyncset.s32 @!p0 $0xFFFFF086;
	s6 =	sadd.s32 @!p0 s3, s7;
	s7 =	simm.s32 @!p0 $0x108  }
0x21: {  	s3 =	sadd.s32 s3, s9;
	s6 =	sadd.s32 @!p0 $0x88, s6;
	s7 =	simm.s32 @p2 $0x1082  }
0x22: {  	[simem:s7], [sflag:s8] =	dma.local @!p0 [hbm:s6], $0xF7A  }
0x23: {  	s9 =	sor.u32 $0xD0000000, s2;
	s6 =	simm.s32 $0x108;
	_ =	swait.ge @!p0 [sflag:s8], $0x0  }
0x24: {  	s3 =	sadd.s32 $0x88, s3;
	s6 =	simm.s32 @!p1 $0x1082;
	[sflag:s4] =	ssyncset.s32 $0xFFFFF086  }
0x25: {  	[simem:s6], [sflag:s4] =	dma.local [hbm:s3], $0xF7A  }
0x26: {  	[smem:$0x3F98] =	sst s1;
	(tag) =	ssettag s2;
	_ =	strace s9  }
0x27: {  	s1 =	sld [smem:$0x3FA8]  }
0x28: {  	s2 =	sld [smem:$0x3FA9]  }
0x29: {  	s4 =	sld [smem:$0x3FAB]  }
0x2a: {  	p0 =	seq.s32 s5, $0x0;
	s5 =	sld [smem:$0x3FAC]  }
0x2b: {  	s6 =	sld [smem:$0x3FAD]  }
0x2c: {  	s7 =	sld [smem:$0x3FAE]  }
0x2d: {  	s3 =	simm.s32 $0x108;
	s8 =	sld [smem:$0x3FAF]  }
0x2e: {  	s3 =	simm.s32 @!p0 $0x1082;
	s9 =	sld [smem:$0x3FB0]  }
0x2f: {  	lr =	sadd.s32 s0, s3;
	s0 =	sld [smem:$0x3FA7]  }
0x30: {  	s3 =	sld [smem:$0x3FAA]  }
0x31: {  	[smem:$0x3FB3] =	sst s10  }
0x32: {  	s10 =	sld [smem:$0x3FB1];
	_ =	sdelay $0x3  }
0x33: {  	p0 =	seq.s32 s10, $0x1;
	s10 =	sld [smem:$0x3FB3];
	_ =	sdelay $0x3  }
0x34: {  	[smem:$0x3FB3] =	sst s10  }
0x35: {  	s10 =	sld [smem:$0x3FB2];
	_ =	sdelay $0x3  }
0x36: {  	p1 =	seq.s32 s10, $0x1;
	s10 =	sld [smem:$0x3FB3];
	_ =	sdelay $0x3  }
0x37: {  	[smem:$0x3FB3] =	sst s10  }
0x38: {  	s10 =	sld [smem:$0x3FB4]  }
0x39: {  	_ = 	snop;
	(pc) =	sbr.ind lr, $3  }
0x3a: {  	_ = 	snop  }
0x3b: {  	_ = 	snop  }
0x3c: {  	p2 =	seq.s32 s10, $0x1;
	s10 =	sld [smem:$0x3FB3]  }
0x3d: {  	_ =	shalt  }
0x3e: {  	_ =	shalt  }
0x3f: {  	_ =	shalt  }
0x40: {  	_ =	shalt  }
0x41: {  	_ =	shalt  }
0x42: {  	_ =	shalt  }
0x43: {  	_ =	shalt  }
0x44: {  	_ =	shalt  }
0x45: {  	_ =	shalt  }
0x46: {  	_ =	shalt  }
0x47: {  	_ =	shalt  }
0x48: {  	_ =	shalt  }
0x49: {  	_ =	shalt  }
0x4a: {  	_ =	shalt  }
0x4b: {  	_ =	shalt  }
0x4c: {  	_ =	shalt  }
0x4d: {  	_ =	shalt  }
0x4e: {  	_ =	shalt  }
0x4f: {  	_ =	shalt  }
0x50: {  	_ =	shalt  }
0x51: {  	_ =	shalt  }
0x52: {  	_ =	shalt  }
0x53: {  	_ =	shalt  }
0x54: {  	_ =	shalt  }
0x55: {  	_ =	shalt  }
0x56: {  	_ =	shalt  }
0x57: {  	_ =	shalt  }
0x58: {  	_ =	shalt  }
0x59: {  	_ =	shalt  }
0x5a: {  	_ =	shalt  }
0x5b: {  	_ =	shalt  }
0x5c: {  	_ =	shalt  }
0x5d: {  	_ =	shalt  }
0x5e: {  	_ =	shalt  }
0x5f: {  	_ =	shalt  }
0x60: {  	_ =	shalt  }
0x61: {  	_ =	shalt  }
0x62: {  	_ =	shalt  }
0x63: {  	_ =	shalt  }
0x64: {  	_ =	shalt  }
0x65: {  	_ =	shalt  }
0x66: {  	_ =	shalt  }
0x67: {  	_ =	shalt  }
0x68: {  	_ =	shalt  }
0x69: {  	_ =	shalt  }
0x6a: {  	_ =	shalt  }
0x6b: {  	_ =	shalt  }
0x6c: {  	_ =	shalt  }
0x6d: {  	_ =	shalt  }
0x6e: {  	_ =	shalt  }
0x6f: {  	_ =	shalt  }
0x70: {  	_ =	shalt  }
0x71: {  	_ =	shalt  }
0x72: {  	_ =	shalt  }
0x73: {  	_ =	shalt  }
0x74: {  	_ =	shalt  }
0x75: {  	_ =	shalt  }
0x76: {  	_ =	shalt  }
0x77: {  	_ =	shalt  }
0x78: {  	_ =	shalt  }
0x79: {  	_ =	shalt  }
0x7a: {  	_ =	shalt  }
0x7b: {  	_ =	shalt  }
0x7c: {  	_ =	shalt  }
0x7d: {  	_ =	shalt  }
0x7e: {  	_ =	shalt  }
0x7f: {  	_ =	shalt  }
0x80: {  	_ =	shalt  }
0x81: {  	_ =	shalt  }
0x82: {  	_ =	shalt  }
0x83: {  	_ =	shalt  }
0x84: {  	_ =	shalt  }
0x85: {  	_ =	shalt  }
0x86: {  	_ =	shalt  }
0x87: {  	_ =	shalt  }
.Lfunc_end0:
.L_simem_size_0:
called_computation.2_lowered:
.L_overlay_start_0:
0x88: {  	s2 =	sld [smem:$0x3FD9]  }
0x89: {  	s3 =	sld [smem:$0x3FFE];
	_ =	sdelay $0x1  }
0x8a: {  	s1 =	srdreg.scid  }
0x8b: {  	s0 =	sand.u32 $0x1, s1  }
0x8c: {  	s17 =	sshll.u32 s0, $0xA;
	s2 =	sadd.s32 s3, s2  }
0x8d: {  	s2 =	sadd.s32 s2, s17  }
0x8e: {  	[smem:$0x3FBF] =	sst s2  }
0x8f: {  	_ = 	snop  }
0x90: {  	s2 =	sld [smem:$0x3FD0];
	(tm) =	ssettm $0x1  }
0x91: {  	s18 =	sld [smem:$0x3FFB];
	_ =	sdelay $0x3  }
0x92: {  	_ =	strace s18  }
0x93: {  	s3 =	sld [smem:$0x3FFC];
	_ =	sdelay $0x3  }
0x94: {  	_ =	strace s3  }
0x95: {  	s3 =	sld [smem:$0x3FFD];
	_ =	sdelay $0x3  }
0x96: {  	_ =	strace s3  }
0x97: {  	_ =	strace $0x8FFFFFFF  }
0x98: {  	s19 =	sld [smem:$0x3FDB];
	_ =	sdelay $0x1  }
0x99: {  	s4 =	simm.s32 $_scs_section_size  }
0x9a: {  	s5 =	simm.s32 $_size__tile_overlayer_lowered;
	s6 =	simm.s32 $_tile_overlayer_lowered  }
0x9b: {  	s22 =	simm.s32 $0x1BFF;
	s21 =	sshll.u32 s6, $0x1;
	s3 =	sadd.s32 s4, s19  }
0x9c: {  	s7 =	simm.s32 $0x0;
	s20 =	sshll.u32 s5, $0x1;
	s5 =	sadd.s32 s21, s3  }
0x9d: {  	[timem:s7], [sflag:s22] =	dma.local [hbm:s5], s20  }
0x9e: {  	_ =	swait.ge [sflag:s22], s20  }
0x9f: {  	s4 =	ssub.s32 $0x0, s20;
	[sflag:s22] =	ssyncset.done $0x0  }
0xa0: {  	[sflag:s22] =	ssyncadd.s32 s4;
	_ =	sdelay $0x1  }
0xa1: {  	s23 =	simm.s32 $0x1B8B  }
0xa2: {  	_ =	swait.ge [sflag:s23], $0x1  }
0xa3: {  	[sflag:s23] =	ssyncset.done $0x0  }
0xa4: {  	s25 =	simm.s32 $0x1B8E;
	s24 =	sld [smem:$0x3FFE];
	[sflag:s23] =	ssyncadd.s32 $0xFFFFFFFF  }
0xa5: {  	s26 =	simm.s32 $execute0_lowered;
	[smem:$0x3FD2] =	sst s25  }
0xa6: {  	s5 =	sshll.u32 s26, $0x1;
	_ =	strace $0x8000004C;
	[dreg:$0x1] =	wrdreg $0xFFFFFFFF  }
0xa7: {  	s28 =	simm.s32 $_size_execute0_lowered;
	s3 =	sadd.s32 s3, s5;
	[dreg:$0x0] =	wrdreg $0x0  }
0xa8: {  	s5 =	sshll.u32 s28, $0x1;
	[dreg:$0x2] =	wrdreg s3  }
0xa9: {  	[dreg:$0x3] =	wrdreg s5  }
0xaa: {  	[dreg:$0x4] =	wrdreg $0xC0  }
0xab: {  	_ =	task [dreg:s7], $0x5FFFF  }
0xac: {  	[dreg:$0x1] =	wrdreg $0xFFFFFFFF  }
0xad: {  	[dreg:$0x0] =	wrdreg $0x60  }
0xae: {  	[dreg:$0x2] =	wrdreg s24  }
0xaf: {  	[dreg:$0x3] =	wrdreg s2  }
0xb0: {  	[dreg:$0x4] =	wrdreg $0x9  }
0xb1: {  	_ =	task.clear_ibuf [dreg:s7], $0x5FFFF;
	_ =	strace $0x9000004C  }
0xb2: {  	s29 =	simm.s32 $0x9;
	_ =	strace $0x8000004E  }
0xb3: {  	_ =	swait.ge [sflag:s29], $0x1  }
0xb4: {  	[sflag:s29] =	ssyncadd.s32 $0xFFFFFFFF  }
0xb5: {  	_ =	strace $0x9000004E  }
0xb6: {  	_ =	sfence  }
0xb7: {  	s30 =	sld [smem:$0x0];
	_ =	sdelay $0x2  }
0xb8: {  	s31 =	sshll.u32 s1, $0xD;
	s1 =	sshrl.u32 s1, $0x2  }
0xb9: {  	s3 =	sand.u32 $0x4000, s31;
	s1 =	sadd.s32 s1, s30  }
0xba: {  	s0 =	sor.u32 s3, s0;
	s1 =	sshll.u32 s1, $0x11  }
0xbb: {  	s0 =	sor.u32 s1, s0  }
0xbc: {  	s0 =	sadd.s32 $0x8F2B, s0  }
0xbd: {  	[sflag:s0] =	ssyncadd.remote.s32 $0x1  }
0xbe: {  	_ =	sfence.sel $0xFFFF  }
0xbf: {  	[dreg:$0x0] =	wrdreg $0xFFFFFFFF;
	(pc) =	sbr.abs _section_cstart, $3  }
0xc0: {  	[dreg:$0x1] =	wrdreg $0xFFFFFFFF  }
0xc1: {  	_ =	task.clear_ibuf [dreg:s7], $0x2FFFF;
	_ =	strace $0x9FFFFFFF  }
0xc2: {  	(tm) =	ssettm $0x7FFFFFFF  }
0xc3: {  	_ =	shalt  }
tec
execute0_lowered:
.L_overlay_start_1:
0x0: {  	(tag) =	ssettag $0x1  }
0x1: {  	s4 =	rddreg [dreg:$0x0]  }
0x2: {  	s1 =	srdreg.scid;
	s0 =	stileid.u32  }
0x3: {  	s6 =	rddreg [dreg:$0x1];
	s2 =	simm.s32 $0x0;
	s12 =	simm.s32 $0x1DF00  }
0x4: {  	s13 =	simm.s32 $0x3E80;
	s3 =	sand.u32 $0x1, s1;
	s5 =	sshll.u32 s0, $0x1  }
0x5: {  	s14 =	simm.s32 $0x10280;
	s15 =	simm.s32 $0x1D2C0;
	s5 =	sor.u32 s3, s5  }
0x6: {  	s16 =	simm.s32 $0x0;
	s1 =	rddreg [dreg:$0x2];
	s7 =	smul.u32 $0x187, s5  }
0x7: {  	[smem:$0x7FF] =	sst s2;
	s30 =	ssub.s32 $0x2, s3;
	s8 =	smul.u32 $0x1870, s5  }
.Ltmp0:
0x8: {  	_ =	strace $0x8000004D;
	s31 =	sshrl.u32 s30, $0x1;
	(pc) =	sbr.rel .LBB2_1-.Ltmp0, $4  }
0x9: {  	s3 =	sadd.s32 $0x69C00, s4;
	s11 =	ssub.s32 s30, s31;
	s9 =	sadd.s32 s7, s4  }
0xa: {  	s10 =	sadd.s32 s8, s4;
	s6 =	sadd.s32 s6, s8;
	s4 =	sadd.s32 $0x687E00, s9  }
0xb: {  	s5 =	sadd.s32 $0x684C00, s9;
	s7 =	sadd.s32 $0x1C00, s10;
	s8 =	sadd.s32 $0x32A00, s9  }
0xc: {  	v0 =	vimm.s32 $0x0;
	vm0 =	vmmov $0x1;
	v1 =	vlaneseq.u32;
	s9 =	smax.u32 s11, $0x1;
	s10 =	simm.s32 $0x1C680;
	s11 =	simm.s32 $0x1  }
.LBB2_11:
0xd: {  	[hbm4b:s6+s2] =	stream.linear.scatter [tilespmem:s13], [sflag:$0x1], $0xC380, $0x38;
	[tilespmem:$0x1DF10] =	vst v63  }
0xe: {  	_ =	swait.ge [sflag:s11], $0xC380  }
0xf: {  	[sflag:s11] =	ssyncset.done $0x0  }
0x10: {  	[sflag:s11] =	ssyncadd.s32 $0xFFFF3C80  }
0x11: {  	[hbm4b:s7+s2] =	stream.linear.scatter [tilespmem:s14], [sflag:$0x1], $0xC380, $0x38;
	[tilespmem:$0x1DF10] =	vst v63  }
0x12: {  	s16 =	sadd.s32 $0x1, s16;
	_ =	swait.ge [sflag:s11], $0xC380  }
0x13: {  	p0 =	sne.s32 s16, s9;
	[sflag:s11] =	ssyncset.done $0x0  }
.Ltmp1:
0x14: {  	[sflag:s11] =	ssyncadd.s32 $0xFFFF3C80;
	(pc) =	sbr.rel @!p0 .LBB2_12-.Ltmp1, $4  }
0x15: {  	[hbm4b:s8+s2] =	stream.linear.scatter [tilespmem:s15], [sflag:$0x1], $0xC38, $0x38;
	[tilespmem:$0x1DF10] =	vst v63  }
0x16: {  	_ =	swait.ge [sflag:s11], $0xC38  }
0x17: {  	[sflag:s11] =	ssyncset.done $0x0  }
0x18: {  	[sflag:s11] =	ssyncadd.s32 $0xFFFFF3C8  }
.LBB2_1:
0x19: {  	[tilespmem:$0x1D2B0] =	vst v0  }
0x1a: {  	[tilespmem:s10], [sflag:$0x1] =	stream.linear.gather [hbm4b:s4+s2], $0xC38, $0x38;
	[tilespmem:$0x1DF10] =	vst v63  }
0x1b: {  	_ =	swait.ge [sflag:s11], $0xC38  }
0x1c: {  	[sflag:s11] =	ssyncset.done $0x0  }
0x1d: {  	[sflag:s11] =	ssyncadd.s32 $0xFFFFF3C8  }
0x1e: {  	[tilespmem:s12], [sflag:$0x1] =	stream.linear.gather [hbm4b:s5+s2], $0x10, $0x38;
	[tilespmem:$0x1DF10] =	vst v63  }
0x1f: {  	_ =	swait.ge [sflag:s11], $0x10  }
0x20: {  	[sflag:s11] =	ssyncset.done $0x0  }
0x21: {  	[sflag:s11] =	ssyncadd.s32 $0xFFFFFFF0  }
0x22: {  	v2 =	vld [tilespmem:$0x1DF00];
	_ =	sdelay $0x4  }
0x23: {  	v2 =	vnsel vm0, $0x0, v2  }
0x24: {  	(xrf0) =	vadd.scan.msk.s32 $0xffff, v2;
	_ =	sdelay $0x5  }
0x25: {  	v2, _, _ =	vpop (xrf0)  }
0x26: {  	(v2sf) =	vpush v2, $0xF;
	_ =	sdelay $0xe  }
0x27: {  	s18 =	spop (v2sf)  }
0x28: {  	s17 =	sand.u32 $0x7, s18  }
0x29: {  	s19 =	sshra.s32 s18, $0x1F;
	p0 =	slt.s32 s18, $0x1;
	p1 =	sne.s32 s17, $0x0  }
0x2a: {  	s31 =	sshrl.u32 s19, $0x1D;
	p0 =	por !p0, !p1  }
0x2b: {  	s19 =	simm.s32 $0x1;
	s17 =	sadd.s32 s31, s18;
	p0 =	por !p0, !p0  }
0x2c: {  	s17 =	sshra.s32 s17, $0x3;
	s19 =	simm.s32 @!p0 $0x0  }
0x2d: {  	s17 =	ssub.s32 s17, s19  }
0x2e: {  	s19 =	sshll.u32 s17, $0x4  }
0x2f: {  	s19 =	sand.u32 $0x1FFFFFF0, s19  }
.Ltmp2:
0x30: {  	s19 =	sadd.s32 s3, s19;
	(pc) =	sbr.rel .LBB2_2-.Ltmp2, $4  }
0x31: {  	[tilespmem:s2], [sflag:$0x1] =	stream.linear.gather [hbm4b:s19+s2], $0x3E80, $0x38;
	[tilespmem:$0x1DF10] =	vst v63  }
0x32: {  	_ =	swait.ge [sflag:s11], $0x3E80  }
0x33: {  	s17 =	sshll.u32 s17, $0x3;
	[sflag:s11] =	ssyncset.done $0x0  }
0x34: {  	s19 =	ssub.s32 s18, s17;
	s18 =	simm.s32 $0x0;
	[sflag:s11] =	ssyncadd.s32 $0xFFFFC180  }
.LBB2_10:
0x35: {  	s18 =	sadd.s32 $0x1, s18  }
0x36: {  	p0 =	sne.s32 s18, $0xC4  }
.Ltmp3:
0x37: {  	_ = 	snop;
	(pc) =	sbr.rel @!p0 .LBB2_11-.Ltmp3, $1  }
0x38: {  	_ =	sdelay $0x3  }
.LBB2_2:
0x39: {  	s20 =	sshll.u32 s18, $0x4  }
0x3a: {  	v2 =	vld [tilespmem:s20+$0x1C680];
	_ =	sdelay $0x2  }
.Ltmp4:
0x3b: {  	_ = 	snop;
	(pc) =	sbr.rel .LBB2_3-.Ltmp4, $3  }
0x3c: {  	_ = 	snop  }
0x3d: {  	v3 =	vcvt.s32.f32 v2;
	_ =	sdelay $0x1  }
0x3e: {  	s21 =	simm.s32 $0x0;
	[tilespmem:s20+$0x1D2C0] =	vst v3  }
.LBB2_9:
0x3f: {  	s22 =	sor.u32 s20, s21;
	s21 =	sadd.s32 $0x1, s21  }
0x40: {  	p0 =	sne.s32 s21, $0x10  }
.Ltmp5:
0x41: {  	_ = 	snop;
	(pc) =	sbr.rel @!p0 .LBB2_10-.Ltmp5, $4  }
0x42: {  	_ = 	snop  }
0x43: {  	s22 =	sshll.u32 s22, $0x4  }
0x44: {  	[tilespmem:s22+$0x3E80] =	vst v5  }
0x45: {  	[tilespmem:s22+$0x10280] =	vst v4  }
.LBB2_3:
0x46: {  	v3 =	vmov s21  }
0x47: {  	vm1 =	veq.s32 v3, v1  }
0x48: {  	v3 =	vnsel vm1, $0x0, v2  }
0x49: {  	(xrf0) =	vadd.scan.msk.s32 $0xffff, v3;
	_ =	sdelay $0x5  }
0x4a: {  	v3, _, _ =	vpop (xrf0)  }
0x4b: {  	(v2sf) =	vpush v3, $0xF;
	_ =	sdelay $0xe  }
0x4c: {  	s22 =	spop (v2sf)  }
0x4d: {  	p0 =	slt.s32 s22, $0x1  }
.Ltmp6:
0x4e: {  	_ = 	snop;
	(pc) =	sbr.rel @!p0 .LBB2_4-.Ltmp6, $4  }
.Ltmp7:
0x4f: {  	_ = 	snop;
	(pc) =	sbr.rel @p0 .LBB2_9-.Ltmp7, $4  }
0x50: {  	_ = 	snop  }
0x51: {  	_ = 	snop  }
0x52: {  	v4 =	vimm.f32 $0.0e+00;
	v5 =	vimm.f32 $0.0e+00;
	v3 =	vimm.f32 $-Inf  }
0x53: {  	_ = 	snop  }
.LBB2_7:
0x54: {  	v6 =	vmax.f32 v6, v5;
	s26 =	sshll.u32 s26, $0x1  }
0x55: {  	v4 =	vadd.f32 v5, v4;
	v3 =	vmax.f32 v3, v6;
	s23 =	sadd.s32 s26, s23  }
.LBB2_8:
0x56: {  	s26 =	sand.u32 $0x1, s24  }
0x57: {  	p0 =	seq.s32 s26, $0x0  }
0x58: {  	s26 =	sshll.u32 @!p0 s23, $0x6  }
0x59: {  	s26 =	sshra.s32 @!p0 s26, $0x2  }
0x5a: {  	v5 =	vld @!p0 [tilespmem:s26+$0x0];
	_ =	sdelay $0x2  }
0x5b: {  	s22 =	ssub.s32 s22, s24  }
0x5c: {  	p2 =	sgt.s32 s22, $0x0  }
.Ltmp8:
0x5d: {  	v6 =	vmax.f32 @!p0 v3, v5;
	v5 =	vadd.f32 @!p0 v5, v4;
	(pc) =	sbr.rel @!p2 .LBB2_9-.Ltmp8, $3  }
0x5e: {  	_ =	sdelay $0x1  }
0x5f: {  	p1 =	seq.s32 s19, $0x3E8;
	s19 =	sadd.s32 @!p0 $0x1, s23;
	v3 =	vpsel p0, v3, v6  }
0x60: {  	s17 =	smov.u32 @p1 s25;
	s19 =	smov.u32 @p0 s23;
	v4 =	vpsel p0, v4, v5;
	v5 =	vmov v3  }
.LBB2_4:
0x61: {  	p0 =	sne.s32 s19, $0x3E8;
	s23 =	smov.u32 s19  }
0x62: {  	s23 =	simm.s32 @!p0 $0x0  }
0x63: {  	s24 =	ssub.s32 $0x3E8, s23  }
0x64: {  	p1 =	slt.s32 s22, s24  }
0x65: {  	p2 =	slt.s32 s24, $0x0;
	s24 =	smov.u32 @p1 s22  }
0x66: {  	s26 =	sshrl.u32 s24, $0x1F  }
0x67: {  	s25 =	sadd.s32 $0x3E8, s17;
	s26 =	sadd.s32 s26, s24  }
0x68: {  	s28 =	sshll.u32 @!p0 s25, $0x1;
	s29 =	sand.u32 $0xFFFFFFFE, s26  }
0x69: {  	s28 =	sand.u32 @!p0 $0x1FFFFFFE, s28;
	p1 =	sne.s32 s24, s29  }
0x6a: {  	s28 =	sadd.s32 @!p0 s3, s28;
	s29 =	simm.s32 @!p0 $0x0;
	p1 =	por !p2, !p1  }
0x6b: {  	[tilespmem:s29], [sflag:$0x1] =	stream.linear.gather @!p0 [hbm4b:s28+s29], $0x3E80, $0x38;
	[tilespmem:$0x1DF10] =	vst v63  }
0x6c: {  	s28 =	simm.s32 $0x1;
	p1 =	por !p1, !p1  }
0x6d: {  	s26 =	sshra.s32 s26, $0x1;
	s28 =	simm.s32 @!p1 $0x0  }
0x6e: {  	s26 =	ssub.s32 s26, s28  }
0x6f: {  	p1 =	slt.s32 s26, $0x1  }
.Ltmp9:
0x70: {  	_ = 	snop;
	(pc) =	sbr.rel @p1 .LBB2_8-.Ltmp9, $4  }
0x71: {  	s29 =	simm.s32 @!p0 $0x1  }
0x72: {  	_ =	swait.ge @!p0 [sflag:s29], $0x3E80  }
0x73: {  	[sflag:s29] =	ssyncset.done @!p0 $0x0  }
0x74: {  	[sflag:s29] =	ssyncadd.s32 @!p0 $0xFFFFC180  }
0x75: {  	s28 =	sshll.u32 s23, $0x6  }
0x76: {  	s28 =	sshra.s32 s28, $0x2  }
0x77: {  	s29 =	sadd.s32 $0x10, s28  }
0x78: {  	p0 =	sne.s32 s26, $0x1;
	v6 =	vld [tilespmem:s29+$0xFFFFFFF0]  }
.Ltmp10:
0x79: {  	v5 =	vld [tilespmem:s29+$0x0];
	(pc) =	sbr.rel @!p0 .LBB2_7-.Ltmp10, $2  }
0x7a: {  	_ =	sdelay $0x2  }
0x7b: {  	s28 =	sadd.s32 $0xFFFFFFFF, s26;
	s29 =	sadd.s32 $0x20, s29;
	v4 =	vadd.f32 v6, v4  }
.LBB2_6:
0x7c: {  	v7 =	vld [tilespmem:s29+$0xFFFFFFF0];
	p0 =	sne.s32 s28, $0x1;
	s28 =	sadd.s32 $0xFFFFFFFF, s28  }
.Ltmp11:
0x7d: {  	v6 =	vmax.f32 v6, v5;
	v4 =	vadd.f32 v5, v4;
	(pc) =	sbr.rel @p0 .LBB2_6-.Ltmp11, $2  }
0x7e: {  	v3 =	vmax.f32 v3, v6;
	v5 =	vld [tilespmem:s29+$0x0];
	_ =	sdelay $0x2  }
0x7f: {  	s29 =	sadd.s32 $0x20, s29;
	v4 =	vadd.f32 v7, v4;
	v6 =	vmov v7  }
.Ltmp12:
0x80: {  	_ = 	snop;
	(pc) =	sbr.rel .LBB2_7-.Ltmp12, $1  }
0x81: {  	_ =	sdelay $0x3  }
.LBB2_12:
0x82: {  	_ =	sfence.sel $0x180000  }
0x83: {  	[bflag:$0x0] =	sbarrier.arrive $0xFFFF  }
0x84: {  	p0 =	sne.s32 s0, $0x0;
	_ =	strace $0x9000004D  }
0x85: {  	s0 =	sadd.s32 @!p0 $0x100000, s1;
	[bflag:$0x2] =	sbarrier.arrive $0xFFFF  }
0x86: {  	[sflag:s0] =	ssyncadd.tile.s32 @!p0 $0x1;
	_ =	shalt  }
.Lfunc_end2:
_tile_overlayer_lowered:
.L_overlay_start_2:
0x87: {  	(tag) =	ssettag $0x2  }
0x88: {  	s0 =	rddreg [dreg:$0x0];
	s2 =	stileid.u32  }
0x89: {  	s1 =	rddreg [dreg:$0x1];
	p0 =	sne.s32 s2, $0x0  }
0x8a: {  	s3 =	rddreg [dreg:$0x2];
	[bflag:$0x3] =	sbarrier.arrive $0xFFFF;
	s2 =	simm.s32 @!p0 $0x1C01  }
0x8b: {  	[timem:s3], [sflag:s2] =	dma.local @!p0 [hbm:s0], s1  }
0x8c: {  	s0 =	simm.s32 @!p0 $0x1  }
0x8d: {  	_ =	swait.ge @!p0 [sflag:s0], s1  }
0x8e: {  	s1 =	ssub.s32 @!p0 $0x0, s1;
	[sflag:s0] =	ssyncset.done @!p0 $0x0  }
0x8f: {  	[sflag:s0] =	ssyncadd.s32 @!p0 s1  }
0x90: {  	[bflag:$0x3] =	sbarrier.arrive $0xFFFF  }
0x91: {  	_ =	shalt  }

// kernel: kernel.7.cloned.1.call-start
scs
__scs_entry_jumppad:
0x0: {  	(pc) =	sbr.rel $0x88, $3  }
0x1: {  	(tag) =	ssettag $0x0;
	lr =	simm.s32 $0x1  }
0x2: {  	[smem:$0x3F98] =	sst lr;
	_ =	strace $0xD0000000  }
0x3: {  	_ = 	snop  }
0x4: {  	_ = 	snop  }
0x5: {  	_ = 	snop  }
0x6: {  	_ = 	snop  }
0x7: {  	_ = 	snop  }
__scs_overlays_trampoline_lowered:
0x8: {  	[smem:$0x3FA7] =	sst s0  }
0x9: {  	[smem:$0x3FA8] =	sst s1  }
0xa: {  	[smem:$0x3FA9] =	sst s2  }
0xb: {  	[smem:$0x3FAA] =	sst s3  }
0xc: {  	[smem:$0x3FAB] =	sst s4  }
0xd: {  	[smem:$0x3FAC] =	sst s5  }
0xe: {  	[smem:$0x3FAD] =	sst s6  }
0xf: {  	[smem:$0x3FAE] =	sst s7  }
0x10: {  	[smem:$0x3FAF] =	sst s8  }
0x11: {  	[smem:$0x3FB0] =	sst s9;
	s0 =	simm.s32 @!p0 $0x0  }
0x12: {  	s1 =	sld [smem:$0x3F96];
	s0 =	simm.s32 @p0 $0x1  }
0x13: {  	[smem:$0x3FB1] =	sst s0;
	s0 =	simm.s32 @!p1 $0x0  }
0x14: {  	s2 =	sld [smem:$0x3F95];
	s0 =	simm.s32 @p1 $0x1  }
0x15: {  	[smem:$0x3FB2] =	sst s0;
	s0 =	simm.s32 @!p2 $0x0  }
0x16: {  	s3 =	sld [smem:$0x3FDB];
	s0 =	simm.s32 @p2 $0x1  }
0x17: {  	s4 =	simm.s32 $0x1BF5;
	[smem:$0x3FB4] =	sst s0  }
0x18: {  	s0 =	sld [smem:$0x3F97];
	_ =	swait.ge [sflag:s4], $0x0  }
0x19: {  	s7 =	sld [smem:$0x3F98]  }
0x1a: {  	s8 =	sadd.s32 $0xFFFFE003, lr  }
0x1b: {  	s9 =	sadd.s32 $0xFFFFFEF7, lr;
	s5 =	simm.s32 $0xFFFFFFFF;
	p2 =	slt.u32 s8, $0xFFFFF086  }
0x1c: {  	p1 =	slt.u32 s9, $0xF7A;
	s5 =	simm.s32 @!p2 $0x0  }
0x1d: {  	s5 =	simm.s32 @p1 $0x1;
	p0 =	seq.s32 s7, s2  }
0x1e: {  	s7 =	smul.u32 @!p0 $0xF7A, s2;
	p2 =	seq.s32 @!p0 s5, $0x0  }
0x1f: {  	s9 =	smul.u32 $0xF7A, s1;
	s8 =	simm.s32 @!p0 $0x1BF5;
	p2 =	por !p2, p0  }
0x20: {  	[sflag:s8] =	ssyncset.s32 @!p0 $0xFFFFF086;
	s6 =	sadd.s32 @!p0 s3, s7;
	s7 =	simm.s32 @!p0 $0x108  }
0x21: {  	s3 =	sadd.s32 s3, s9;
	s6 =	sadd.s32 @!p0 $0x88, s6;
	s7 =	simm.s32 @p2 $0x1082  }
0x22: {  	[simem:s7], [sflag:s8] =	dma.local @!p0 [hbm:s6], $0xF7A  }
0x23: {  	s9 =	sor.u32 $0xD0000000, s2;
	s6 =	simm.s32 $0x108;
	_ =	swait.ge @!p0 [sflag:s8], $0x0  }
0x24: {  	s3 =	sadd.s32 $0x88, s3;
	s6 =	simm.s32 @!p1 $0x1082;
	[sflag:s4] =	ssyncset.s32 $0xFFFFF086  }
0x25: {  	[simem:s6], [sflag:s4] =	dma.local [hbm:s3], $0xF7A  }
0x26: {  	[smem:$0x3F98] =	sst s1;
	(tag) =	ssettag s2;
	_ =	strace s9  }
0x27: {  	s1 =	sld [smem:$0x3FA8]  }
0x28: {  	s2 =	sld [smem:$0x3FA9]  }
0x29: {  	s4 =	sld [smem:$0x3FAB]  }
0x2a: {  	p0 =	seq.s32 s5, $0x0;
	s5 =	sld [smem:$0x3FAC]  }
0x2b: {  	s6 =	sld [smem:$0x3FAD]  }
0x2c: {  	s7 =	sld [smem:$0x3FAE]  }
0x2d: {  	s3 =	simm.s32 $0x108;
	s8 =	sld [smem:$0x3FAF]  }
0x2e: {  	s3 =	simm.s32 @!p0 $0x1082;
	s9 =	sld [smem:$0x3FB0]  }
0x2f: {  	lr =	sadd.s32 s0, s3;
	s0 =	sld [smem:$0x3FA7]  }
0x30: {  	s3 =	sld [smem:$0x3FAA]  }
0x31: {  	[smem:$0x3FB3] =	sst s10  }
0x32: {  	s10 =	sld [smem:$0x3FB1];
	_ =	sdelay $0x3  }
0x33: {  	p0 =	seq.s32 s10, $0x1;
	s10 =	sld [smem:$0x3FB3];
	_ =	sdelay $0x3  }
0x34: {  	[smem:$0x3FB3] =	sst s10  }
0x35: {  	s10 =	sld [smem:$0x3FB2];
	_ =	sdelay $0x3  }
0x36: {  	p1 =	seq.s32 s10, $0x1;
	s10 =	sld [smem:$0x3FB3];
	_ =	sdelay $0x3  }
0x37: {  	[smem:$0x3FB3] =	sst s10  }
0x38: {  	s10 =	sld [smem:$0x3FB4]  }
0x39: {  	_ = 	snop;
	(pc) =	sbr.ind lr, $3  }
0x3a: {  	_ = 	snop  }
0x3b: {  	_ = 	snop  }
0x3c: {  	p2 =	seq.s32 s10, $0x1;
	s10 =	sld [smem:$0x3FB3]  }
0x3d: {  	_ =	shalt  }
0x3e: {  	_ =	shalt  }
0x3f: {  	_ =	shalt  }
0x40: {  	_ =	shalt  }
0x41: {  	_ =	shalt  }
0x42: {  	_ =	shalt  }
0x43: {  	_ =	shalt  }
0x44: {  	_ =	shalt  }
0x45: {  	_ =	shalt  }
0x46: {  	_ =	shalt  }
0x47: {  	_ =	shalt  }
0x48: {  	_ =	shalt  }
0x49: {  	_ =	shalt  }
0x4a: {  	_ =	shalt  }
0x4b: {  	_ =	shalt  }
0x4c: {  	_ =	shalt  }
0x4d: {  	_ =	shalt  }
0x4e: {  	_ =	shalt  }
0x4f: {  	_ =	shalt  }
0x50: {  	_ =	shalt  }
0x51: {  	_ =	shalt  }
0x52: {  	_ =	shalt  }
0x53: {  	_ =	shalt  }
0x54: {  	_ =	shalt  }
0x55: {  	_ =	shalt  }
0x56: {  	_ =	shalt  }
0x57: {  	_ =	shalt  }
0x58: {  	_ =	shalt  }
0x59: {  	_ =	shalt  }
0x5a: {  	_ =	shalt  }
0x5b: {  	_ =	shalt  }
0x5c: {  	_ =	shalt  }
0x5d: {  	_ =	shalt  }
0x5e: {  	_ =	shalt  }
0x5f: {  	_ =	shalt  }
0x60: {  	_ =	shalt  }
0x61: {  	_ =	shalt  }
0x62: {  	_ =	shalt  }
0x63: {  	_ =	shalt  }
0x64: {  	_ =	shalt  }
0x65: {  	_ =	shalt  }
0x66: {  	_ =	shalt  }
0x67: {  	_ =	shalt  }
0x68: {  	_ =	shalt  }
0x69: {  	_ =	shalt  }
0x6a: {  	_ =	shalt  }
0x6b: {  	_ =	shalt  }
0x6c: {  	_ =	shalt  }
0x6d: {  	_ =	shalt  }
0x6e: {  	_ =	shalt  }
0x6f: {  	_ =	shalt  }
0x70: {  	_ =	shalt  }
0x71: {  	_ =	shalt  }
0x72: {  	_ =	shalt  }
0x73: {  	_ =	shalt  }
0x74: {  	_ =	shalt  }
0x75: {  	_ =	shalt  }
0x76: {  	_ =	shalt  }
0x77: {  	_ =	shalt  }
0x78: {  	_ =	shalt  }
0x79: {  	_ =	shalt  }
0x7a: {  	_ =	shalt  }
0x7b: {  	_ =	shalt  }
0x7c: {  	_ =	shalt  }
0x7d: {  	_ =	shalt  }
0x7e: {  	_ =	shalt  }
0x7f: {  	_ =	shalt  }
0x80: {  	_ =	shalt  }
0x81: {  	_ =	shalt  }
0x82: {  	_ =	shalt  }
0x83: {  	_ =	shalt  }
0x84: {  	_ =	shalt  }
0x85: {  	_ =	shalt  }
0x86: {  	_ =	shalt  }
0x87: {  	_ =	shalt  }
.Lfunc_end0:
.L_simem_size_0:
called_computation_lowered:
.L_overlay_start_0:
0x88: {  	s2 =	sld [smem:$0x3FD9]  }
0x89: {  	s3 =	sld [smem:$0x3FFE];
	_ =	sdelay $0x1  }
0x8a: {  	s1 =	srdreg.scid  }
0x8b: {  	s0 =	sand.u32 $0x1, s1  }
0x8c: {  	s17 =	sshll.u32 s0, $0xA;
	s2 =	sadd.s32 s3, s2  }
0x8d: {  	s2 =	sadd.s32 s2, s17  }
0x8e: {  	[smem:$0x3FBF] =	sst s2  }
0x8f: {  	_ = 	snop  }
0x90: {  	s2 =	sld [smem:$0x3FD0];
	(tm) =	ssettm $0x1  }
0x91: {  	s18 =	sld [smem:$0x3FFB];
	_ =	sdelay $0x3  }
0x92: {  	_ =	strace s18  }
0x93: {  	s3 =	sld [smem:$0x3FFC];
	_ =	sdelay $0x3  }
0x94: {  	_ =	strace s3  }
0x95: {  	s3 =	sld [smem:$0x3FFD];
	_ =	sdelay $0x3  }
0x96: {  	_ =	strace s3  }
0x97: {  	_ =	strace $0x8FFFFFFF  }
0x98: {  	s19 =	sld [smem:$0x3FDB];
	_ =	sdelay $0x1  }
0x99: {  	s4 =	simm.s32 $_scs_section_size  }
0x9a: {  	s5 =	simm.s32 $_size__tile_overlayer_lowered;
	s6 =	simm.s32 $_tile_overlayer_lowered  }
0x9b: {  	s22 =	simm.s32 $0x1BFF;
	s21 =	sshll.u32 s6, $0x1;
	s3 =	sadd.s32 s4, s19  }
0x9c: {  	s7 =	simm.s32 $0x0;
	s20 =	sshll.u32 s5, $0x1;
	s5 =	sadd.s32 s21, s3  }
0x9d: {  	[timem:s7], [sflag:s22] =	dma.local [hbm:s5], s20  }
0x9e: {  	_ =	swait.ge [sflag:s22], s20  }
0x9f: {  	s4 =	ssub.s32 $0x0, s20;
	[sflag:s22] =	ssyncset.done $0x0  }
0xa0: {  	[sflag:s22] =	ssyncadd.s32 s4;
	_ =	sdelay $0x1  }
0xa1: {  	s23 =	simm.s32 $0x1B8B  }
0xa2: {  	_ =	swait.ge [sflag:s23], $0x1  }
0xa3: {  	[sflag:s23] =	ssyncset.done $0x0  }
0xa4: {  	s25 =	simm.s32 $0x1B8E;
	s24 =	sld [smem:$0x3FFE];
	[sflag:s23] =	ssyncadd.s32 $0xFFFFFFFF  }
0xa5: {  	s26 =	simm.s32 $execute0_lowered;
	[smem:$0x3FD2] =	sst s25  }
0xa6: {  	s5 =	sshll.u32 s26, $0x1;
	_ =	strace $0x80000046;
	[dreg:$0x1] =	wrdreg $0xFFFFFFFF  }
0xa7: {  	s28 =	simm.s32 $_size_execute0_lowered;
	s3 =	sadd.s32 s3, s5;
	[dreg:$0x0] =	wrdreg $0x0  }
0xa8: {  	s5 =	sshll.u32 s28, $0x1;
	[dreg:$0x2] =	wrdreg s3  }
0xa9: {  	[dreg:$0x3] =	wrdreg s5  }
0xaa: {  	[dreg:$0x4] =	wrdreg $0xC0  }
0xab: {  	_ =	task [dreg:s7], $0x5FFFF  }
0xac: {  	[dreg:$0x1] =	wrdreg $0xFFFFFFFF  }
0xad: {  	[dreg:$0x0] =	wrdreg $0x60  }
0xae: {  	[dreg:$0x2] =	wrdreg s24  }
0xaf: {  	[dreg:$0x3] =	wrdreg s2  }
0xb0: {  	[dreg:$0x4] =	wrdreg $0x9  }
0xb1: {  	_ =	task.clear_ibuf [dreg:s7], $0x5FFFF;
	_ =	strace $0x90000046  }
0xb2: {  	s29 =	simm.s32 $0x9;
	_ =	strace $0x80000048  }
0xb3: {  	_ =	swait.ge [sflag:s29], $0x1  }
0xb4: {  	[sflag:s29] =	ssyncadd.s32 $0xFFFFFFFF  }
0xb5: {  	_ =	strace $0x90000048  }
0xb6: {  	_ =	sfence  }
0xb7: {  	s30 =	sld [smem:$0x0];
	_ =	sdelay $0x2  }
0xb8: {  	s31 =	sshll.u32 s1, $0xD;
	s1 =	sshrl.u32 s1, $0x2  }
0xb9: {  	s3 =	sand.u32 $0x4000, s31;
	s1 =	sadd.s32 s1, s30  }
0xba: {  	s0 =	sor.u32 s3, s0;
	s1 =	sshll.u32 s1, $0x11  }
0xbb: {  	s0 =	sor.u32 s1, s0  }
0xbc: {  	s0 =	sadd.s32 $0x8F2B, s0  }
0xbd: {  	[sflag:s0] =	ssyncadd.remote.s32 $0x1  }
0xbe: {  	_ =	sfence.sel $0xFFFF  }
0xbf: {  	[dreg:$0x0] =	wrdreg $0xFFFFFFFF;
	(pc) =	sbr.abs _section_cstart, $3  }
0xc0: {  	[dreg:$0x1] =	wrdreg $0xFFFFFFFF  }
0xc1: {  	_ =	task.clear_ibuf [dreg:s7], $0x2FFFF;
	_ =	strace $0x9FFFFFFF  }
0xc2: {  	(tm) =	ssettm $0x7FFFFFFF  }
0xc3: {  	_ =	shalt  }
tec
execute0_lowered:
.L_overlay_start_1:
0x0: {  	(tag) =	ssettag $0x1  }
0x1: {  	s0 =	srdreg.scid  }
0x2: {  	s2 =	stileid.u32;
	s1 =	rddreg [dreg:$0x0]  }
0x3: {  	s12 =	simm.s32 $0x4950;
	s13 =	simm.s32 $0x3;
	s14 =	simm.s32 $0x61C0  }
0x4: {  	s15 =	simm.s32 $0x7A30;
	s16 =	simm.s32 $0x92A0;
	s17 =	simm.s32 $0xAB10  }
0x5: {  	s18 =	simm.s32 $0xC380;
	s19 =	simm.s32 $0xDBF0;
	s20 =	simm.s32 $0xF460  }
0x6: {  	s21 =	simm.s32 $0x10CD0;
	s22 =	simm.s32 $0x12540;
	s23 =	simm.s32 $0x13DB0  }
0x7: {  	s24 =	simm.s32 $0x15620;
	s25 =	simm.s32 $0x16E90;
	s28 =	simm.s32 $0x18A20  }
0x8: {  	s29 =	simm.s32 $0x1;
	s0 =	sand.u32 $0x1, s0;
	s3 =	sshll.u32 s2, $0x1  }
0x9: {  	v0 =	vimm.s32 $0xEDCBA987;
	v1 =	vimm.s32 $0x65432100;
	s30 =	simm.s32 $0x2;
	s31 =	simm.s32 $0x0;
	s4 =	sor.u32 s0, s3  }
0xa: {  	v2 =	vimm.s32 $0xFFEDCBA9;
	v3 =	vimm.s32 $0x87654321;
	s2 =	rddreg [dreg:$0x1];
	v0 =	vunpack.c.l.s4.s8 v0;
	s3 =	simm.s32 $0x0;
	s5 =	smul.u32 $0x30E0, s4  }
0xb: {  	v1 =	vunpack.c.l.s4.s8 v1;
	v2 =	vunpack.c.l.s4.s8 v2;
	v3 =	vunpack.c.l.s4.s8 v3;
	s0 =	ssub.s32 $0x2, s0;
	[smem:$0x7FF] =	sst s3;
	s7 =	smul.u32 $0x186A0, s4  }
0xc: {  	s4 =	sadd.s32 $0x1C00, s1;
	s26 =	sshrl.u32 s0, $0x1;
	v4 =	vunpack.c.0.s8.s32 v0;
	v0 =	vlaneseq.u32;
	_ =	strace $0x80000047  }
0xd: {  	v1 =	vunpack.c.0.s8.s32 v1;
	v5 =	vunpack.c.0.s8.s32 v2;
	v3 =	vunpack.c.0.s8.s32 v3;
	s0 =	ssub.s32 s0, s26;
	s26 =	simm.s32 $0x18700;
	s6 =	sshrl.u32 s7, $0x3  }
0xe: {  	vm0 =	vcmask $0x3F3C;
	v2 =	vor.u32 $0x80000000, v0;
	s1 =	sadd.s32 s5, s1;
	s9 =	smax.u32 s0, $0x1;
	v4 =	vand.u32 $0xF, v4;
	s5 =	sadd.s32 s4, s6  }
0xf: {  	v3 =	vcombine.low v3, v5;
	s6 =	sadd.s32 $0x320, s7;
	s7 =	sadd.s32 $0x640, s7;
	s8 =	sadd.s32 $0x63800, s1;
	v1 =	vcombine.low v1, v4;
	v4 =	vadd.s32 $0x1, v0  }
.LBB2_1:
0x10: {  	[tilespmem:s3], [sflag:$0x3] =	stream.linear.gather [hbm4b:s2+s3], $0x1870, $0x38;
	[tilespmem:$0x18D40] =	vst v63  }
0x11: {  	_ =	swait.ge [sflag:s13], $0x1870  }
0x12: {  	[sflag:s13] =	ssyncset.done $0x0  }
0x13: {  	s0 =	simm.s32 $0x1870;
	[sflag:s13] =	ssyncadd.s32 $0xFFFFE790  }
0x14: {  	[tilespmem:s0], [sflag:$0x3] =	stream.linear.gather [hbm4b:s2+s3], $0x1870, $0x38;
	[tilespmem:$0x18D40] =	vst v63  }
0x15: {  	_ =	swait.ge [sflag:s13], $0x1870  }
0x16: {  	[sflag:s13] =	ssyncset.done $0x0  }
0x17: {  	s11 =	simm.s32 $0x30E0;
	[sflag:s13] =	ssyncadd.s32 $0xFFFFE790  }
0x18: {  	[tilespmem:s11], [sflag:$0x3] =	stream.linear.gather [hbm4b:s2+s3], $0x1870, $0x38;
	[tilespmem:$0x18D40] =	vst v63  }
0x19: {  	_ =	swait.ge [sflag:s13], $0x1870  }
0x1a: {  	[sflag:s13] =	ssyncset.done $0x0  }
0x1b: {  	[sflag:s13] =	ssyncadd.s32 $0xFFFFE790  }
0x1c: {  	[tilespmem:s12], [sflag:$0x3] =	stream.linear.gather [hbm4b:s2+s3], $0x1870, $0x38;
	[tilespmem:$0x18D40] =	vst v63  }
0x1d: {  	_ =	swait.ge [sflag:s13], $0x1870  }
0x1e: {  	[sflag:s13] =	ssyncset.done $0x0  }
0x1f: {  	[sflag:s13] =	ssyncadd.s32 $0xFFFFE790  }
0x20: {  	[tilespmem:s14], [sflag:$0x3] =	stream.linear.gather [hbm4b:s2+s3], $0x1870, $0x38;
	[tilespmem:$0x18D40] =	vst v63  }
0x21: {  	_ =	swait.ge [sflag:s13], $0x1870  }
0x22: {  	[sflag:s13] =	ssyncset.done $0x0  }
0x23: {  	[sflag:s13] =	ssyncadd.s32 $0xFFFFE790  }
0x24: {  	[tilespmem:s15], [sflag:$0x3] =	stream.linear.gather [hbm4b:s2+s3], $0x1870, $0x38;
	[tilespmem:$0x18D40] =	vst v63  }
0x25: {  	_ =	swait.ge [sflag:s13], $0x1870  }
0x26: {  	[sflag:s13] =	ssyncset.done $0x0  }
0x27: {  	[sflag:s13] =	ssyncadd.s32 $0xFFFFE790  }
0x28: {  	[tilespmem:s16], [sflag:$0x3] =	stream.linear.gather [hbm4b:s2+s3], $0x1870, $0x38;
	[tilespmem:$0x18D40] =	vst v63  }
0x29: {  	_ =	swait.ge [sflag:s13], $0x1870  }
0x2a: {  	[sflag:s13] =	ssyncset.done $0x0  }
0x2b: {  	[sflag:s13] =	ssyncadd.s32 $0xFFFFE790  }
0x2c: {  	[tilespmem:s17], [sflag:$0x3] =	stream.linear.gather [hbm4b:s2+s3], $0x1870, $0x38;
	[tilespmem:$0x18D40] =	vst v63  }
0x2d: {  	_ =	swait.ge [sflag:s13], $0x1870  }
0x2e: {  	[sflag:s13] =	ssyncset.done $0x0  }
0x2f: {  	[sflag:s13] =	ssyncadd.s32 $0xFFFFE790  }
0x30: {  	[tilespmem:s18], [sflag:$0x3] =	stream.linear.gather [hbm4b:s2+s3], $0x1870, $0x38;
	[tilespmem:$0x18D40] =	vst v63  }
0x31: {  	_ =	swait.ge [sflag:s13], $0x1870  }
0x32: {  	[sflag:s13] =	ssyncset.done $0x0  }
0x33: {  	[sflag:s13] =	ssyncadd.s32 $0xFFFFE790  }
0x34: {  	[tilespmem:s19], [sflag:$0x3] =	stream.linear.gather [hbm4b:s2+s3], $0x1870, $0x38;
	[tilespmem:$0x18D40] =	vst v63  }
0x35: {  	_ =	swait.ge [sflag:s13], $0x1870  }
0x36: {  	[sflag:s13] =	ssyncset.done $0x0  }
0x37: {  	[sflag:s13] =	ssyncadd.s32 $0xFFFFE790  }
0x38: {  	[tilespmem:s20], [sflag:$0x3] =	stream.linear.gather [hbm4b:s2+s3], $0x1870, $0x38;
	[tilespmem:$0x18D40] =	vst v63  }
0x39: {  	_ =	swait.ge [sflag:s13], $0x1870  }
0x3a: {  	[sflag:s13] =	ssyncset.done $0x0  }
0x3b: {  	[sflag:s13] =	ssyncadd.s32 $0xFFFFE790  }
0x3c: {  	[tilespmem:s21], [sflag:$0x3] =	stream.linear.gather [hbm4b:s2+s3], $0x1870, $0x38;
	[tilespmem:$0x18D40] =	vst v63  }
0x3d: {  	_ =	swait.ge [sflag:s13], $0x1870  }
0x3e: {  	[sflag:s13] =	ssyncset.done $0x0  }
0x3f: {  	[sflag:s13] =	ssyncadd.s32 $0xFFFFE790  }
0x40: {  	[tilespmem:s22], [sflag:$0x3] =	stream.linear.gather [hbm4b:s2+s3], $0x1870, $0x38;
	[tilespmem:$0x18D40] =	vst v63  }
0x41: {  	_ =	swait.ge [sflag:s13], $0x1870  }
0x42: {  	[sflag:s13] =	ssyncset.done $0x0  }
0x43: {  	[sflag:s13] =	ssyncadd.s32 $0xFFFFE790  }
0x44: {  	[tilespmem:s23], [sflag:$0x3] =	stream.linear.gather [hbm4b:s2+s3], $0x1870, $0x38;
	[tilespmem:$0x18D40] =	vst v63  }
0x45: {  	_ =	swait.ge [sflag:s13], $0x1870  }
0x46: {  	[sflag:s13] =	ssyncset.done $0x0  }
0x47: {  	[sflag:s13] =	ssyncadd.s32 $0xFFFFE790  }
0x48: {  	[tilespmem:s24], [sflag:$0x3] =	stream.linear.gather [hbm4b:s2+s3], $0x1870, $0x38;
	[tilespmem:$0x18D40] =	vst v63  }
0x49: {  	_ =	swait.ge [sflag:s13], $0x1870  }
0x4a: {  	[sflag:s13] =	ssyncset.done $0x0  }
0x4b: {  	[sflag:s13] =	ssyncadd.s32 $0xFFFFE790  }
0x4c: {  	[tilespmem:s25], [sflag:$0x3] =	stream.linear.gather [hbm4b:s2+s3], $0x1870, $0x38;
	[tilespmem:$0x18D40] =	vst v63  }
0x4d: {  	_ =	swait.ge [sflag:s13], $0x1870  }
0x4e: {  	[sflag:s13] =	ssyncset.done $0x0  }
0x4f: {  	s1 =	simm.s32 $0x0;
	[sflag:s13] =	ssyncadd.s32 $0xFFFFE790  }
0x50: {  	[tilespmem:s26], [sflag:$0x1] =	stream.linear.gather [hbm4b:s5+s3], $0x320, $0x38;
	[tilespmem:$0x18D40] =	vst v63  }
.LBB2_2:
0x51: {  	s0 =	smul.u32 $0x640, s1;
	_ =	sdelay $0x1  }
0x52: {  	s10 =	sadd.s32 s0, s6  }
0x53: {  	s10 =	sshrl.u32 s10, $0x3  }
0x54: {  	s11 =	simm.s32 $0x0;
	s10 =	sadd.s32 s4, s10  }
0x55: {  	[tilespmem:s28], [sflag:$0x2] =	stream.linear.gather [hbm4b:s10+s11], $0x320, $0x38;
	[tilespmem:$0x18D40] =	vst v63  }
0x56: {  	_ =	swait.ge [sflag:s29], $0x320  }
0x57: {  	[sflag:s29] =	ssyncset.done $0x0  }
0x58: {  	s11 =	simm.s32 $0x0;
	s10 =	simm.s32 $0x40;
	[sflag:s29] =	ssyncadd.s32 $0xFFFFFCE0  }
.LBB2_3:
0x59: {  	p0 =	sne.s32 s10, $0xC40;
	v5 =	vld [tilespmem:s11+$0x18700];
	_ =	sdelay $0x4  }
0x5a: {  	v5 =	vxor.u32 $0x80000000, v5  }
0x5b: {  	(xrf1) =	vsort.ascd.msk.u32 $0xffff, v5, v0;
	_ =	sdelay $0xd  }
0x5c: {  	v5, _, _ =	vpop (xrf1)  }
0x5d: {  	v5 =	vxor.u32 $0x80000000, v5  }
0x5e: {  	v6 =	vperm.xlane v5, v1;
	_ =	sdelay $0x1  }
0x5f: {  	vm1 =	veq.s32 v5, v6  }
0x60: {  	v6 =	vsel vm1, $0x80000000, v2  }
0x61: {  	v7 =	vperm.xlane v5, v3;
	(xrf0) =	vmax.scan.msk.u32 $0xffff, v6;
	_ =	sdelay $0x1  }
0x62: {  	vm1 =	vne.s32 v5, v7  }
0x63: {  	vm1 =	vmor vm1, vm0;
	_ =	sdelay $0x1  }
.Ltmp0:
0x64: {  	(pc) =	sbr.rel @p0 .LBB2_3-.Ltmp0, $4  }
0x65: {  	v6, _, _ =	vpop (xrf0)  }
0x66: {  	v6 =	vxor.u32 $0x80000000, v6  }
0x67: {  	v6 =	vsub.s32 v4, v6  }
0x68: {  	s11 =	sshra.s32 s10, $0x2;
	s10 =	sadd.s32 $0x40, s10;
	[tilespmem:v5+s3+$0x0] =	vst.idx.add.s32.msk vm1, v6  }
0x69: {  	v5 =	vld [tilespmem:s11+$0x18700];
	_ =	sdelay $0x4  }
0x6a: {  	v5 =	vxor.u32 $0x80000000, v5  }
0x6b: {  	(xrf1) =	vsort.ascd.msk.u32 $0xffff, v5, v0;
	_ =	sdelay $0xd  }
0x6c: {  	v5, _, _ =	vpop (xrf1)  }
0x6d: {  	v5 =	vxor.u32 $0x80000000, v5  }
0x6e: {  	v6 =	vperm.xlane v5, v1;
	_ =	sdelay $0x1  }
0x6f: {  	vm1 =	veq.s32 v5, v6  }
0x70: {  	v6 =	vsel vm1, $0x80000000, v2  }
0x71: {  	v7 =	vperm.xlane v5, v3;
	(xrf0) =	vmax.scan.msk.u32 $0xffff, v6;
	_ =	sdelay $0x1  }
0x72: {  	vm1 =	vne.s32 v5, v7  }
0x73: {  	vm1 =	vmor vm1, vm0;
	_ =	sdelay $0x2  }
0x74: {  	v6, _, _ =	vpop (xrf0)  }
0x75: {  	s0 =	sadd.s32 s0, s7;
	v6 =	vxor.u32 $0x80000000, v6  }
0x76: {  	s0 =	sshrl.u32 s0, $0x3;
	v6 =	vsub.s32 v4, v6  }
0x77: {  	s10 =	simm.s32 $0x0;
	s0 =	sadd.s32 s4, s0;
	[tilespmem:v5+s3+$0x0] =	vst.idx.add.s32.msk vm1, v6  }
0x78: {  	[tilespmem:s26], [sflag:$0x1] =	stream.linear.gather [hbm4b:s0+s10], $0x320, $0x38;
	[tilespmem:$0x18D40] =	vst v63  }
0x79: {  	_ =	swait.ge [sflag:s30], $0x320  }
0x7a: {  	[sflag:s30] =	ssyncset.done $0x0  }
0x7b: {  	s10 =	simm.s32 $0x0;
	s0 =	simm.s32 $0x40;
	[sflag:s30] =	ssyncadd.s32 $0xFFFFFCE0  }
.LBB2_5:
0x7c: {  	p0 =	sne.s32 s0, $0xC40;
	v5 =	vld [tilespmem:s10+$0x18A20];
	_ =	sdelay $0x4  }
0x7d: {  	v5 =	vxor.u32 $0x80000000, v5  }
0x7e: {  	(xrf1) =	vsort.ascd.msk.u32 $0xffff, v5, v0;
	_ =	sdelay $0xd  }
0x7f: {  	v5, _, _ =	vpop (xrf1)  }
0x80: {  	v5 =	vxor.u32 $0x80000000, v5  }
0x81: {  	v6 =	vperm.xlane v5, v1;
	_ =	sdelay $0x1  }
0x82: {  	vm1 =	veq.s32 v5, v6  }
0x83: {  	v6 =	vsel vm1, $0x80000000, v2  }
0x84: {  	v7 =	vperm.xlane v5, v3;
	(xrf0) =	vmax.scan.msk.u32 $0xffff, v6;
	_ =	sdelay $0x1  }
0x85: {  	vm1 =	vne.s32 v5, v7  }
0x86: {  	vm1 =	vmor vm1, vm0;
	_ =	sdelay $0x1  }
.Ltmp1:
0x87: {  	(pc) =	sbr.rel @p0 .LBB2_5-.Ltmp1, $4  }
0x88: {  	v6, _, _ =	vpop (xrf0)  }
0x89: {  	v6 =	vxor.u32 $0x80000000, v6  }
0x8a: {  	v6 =	vsub.s32 v4, v6  }
0x8b: {  	s10 =	sshra.s32 s0, $0x2;
	s0 =	sadd.s32 $0x40, s0;
	[tilespmem:v5+s3+$0x0] =	vst.idx.add.s32.msk vm1, v6  }
0x8c: {  	v5 =	vld [tilespmem:s10+$0x18A20];
	_ =	sdelay $0x4  }
0x8d: {  	v5 =	vxor.u32 $0x80000000, v5  }
0x8e: {  	(xrf1) =	vsort.ascd.msk.u32 $0xffff, v5, v0;
	_ =	sdelay $0xd  }
0x8f: {  	v5, _, _ =	vpop (xrf1)  }
0x90: {  	v5 =	vxor.u32 $0x80000000, v5  }
0x91: {  	v6 =	vperm.xlane v5, v1;
	_ =	sdelay $0x1  }
0x92: {  	vm1 =	veq.s32 v5, v6  }
0x93: {  	v6 =	vsel vm1, $0x80000000, v2  }
0x94: {  	v7 =	vperm.xlane v5, v3;
	(xrf0) =	vmax.scan.msk.u32 $0xffff, v6;
	_ =	sdelay $0x1  }
0x95: {  	vm1 =	vne.s32 v5, v7  }
0x96: {  	s1 =	sadd.s32 $0x1, s1;
	vm1 =	vmor vm1, vm0  }
0x97: {  	p0 =	sne.s32 s1, $0x3E  }
.Ltmp2:
0x98: {  	_ = 	snop;
	(pc) =	sbr.rel @p0 .LBB2_2-.Ltmp2, $4  }
0x99: {  	v6, _, _ =	vpop (xrf0)  }
0x9a: {  	v6 =	vxor.u32 $0x80000000, v6  }
0x9b: {  	v6 =	vsub.s32 v4, v6  }
0x9c: {  	[tilespmem:v5+s3+$0x0] =	vst.idx.add.s32.msk vm1, v6  }
0x9d: {  	_ =	swait.ge [sflag:s29], $0x320  }
0x9e: {  	[sflag:s29] =	ssyncset.done $0x0  }
0x9f: {  	s1 =	simm.s32 $0x0;
	s0 =	simm.s32 $0x40;
	[sflag:s29] =	ssyncadd.s32 $0xFFFFFCE0  }
.LBB2_8:
0xa0: {  	p0 =	sne.s32 s0, $0xC40;
	v5 =	vld [tilespmem:s1+$0x18700];
	_ =	sdelay $0x4  }
0xa1: {  	v5 =	vxor.u32 $0x80000000, v5  }
0xa2: {  	(xrf1) =	vsort.ascd.msk.u32 $0xffff, v5, v0;
	_ =	sdelay $0xd  }
0xa3: {  	v5, _, _ =	vpop (xrf1)  }
0xa4: {  	v5 =	vxor.u32 $0x80000000, v5  }
0xa5: {  	v6 =	vperm.xlane v5, v1;
	_ =	sdelay $0x1  }
0xa6: {  	vm1 =	veq.s32 v5, v6  }
0xa7: {  	v6 =	vsel vm1, $0x80000000, v2  }
0xa8: {  	v7 =	vperm.xlane v5, v3;
	(xrf0) =	vmax.scan.msk.u32 $0xffff, v6;
	_ =	sdelay $0x1  }
0xa9: {  	vm1 =	vne.s32 v5, v7  }
0xaa: {  	vm1 =	vmor vm1, vm0;
	_ =	sdelay $0x1  }
.Ltmp3:
0xab: {  	(pc) =	sbr.rel @p0 .LBB2_8-.Ltmp3, $4  }
0xac: {  	v6, _, _ =	vpop (xrf0)  }
0xad: {  	v6 =	vxor.u32 $0x80000000, v6  }
0xae: {  	v6 =	vsub.s32 v4, v6  }
0xaf: {  	s1 =	sshra.s32 s0, $0x2;
	s0 =	sadd.s32 $0x40, s0;
	[tilespmem:v5+s3+$0x0] =	vst.idx.add.s32.msk vm1, v6  }
0xb0: {  	v5 =	vld [tilespmem:s1+$0x18700];
	_ =	sdelay $0x4  }
0xb1: {  	v5 =	vxor.u32 $0x80000000, v5  }
0xb2: {  	(xrf1) =	vsort.ascd.msk.u32 $0xffff, v5, v0;
	_ =	sdelay $0xd  }
0xb3: {  	v5, _, _ =	vpop (xrf1)  }
0xb4: {  	v5 =	vxor.u32 $0x80000000, v5  }
0xb5: {  	v6 =	vperm.xlane v5, v1;
	_ =	sdelay $0x1  }
0xb6: {  	vm1 =	veq.s32 v5, v6  }
0xb7: {  	v6 =	vsel vm1, $0x80000000, v2  }
0xb8: {  	v7 =	vperm.xlane v5, v3;
	(xrf0) =	vmax.scan.msk.u32 $0xffff, v6;
	_ =	sdelay $0x1  }
0xb9: {  	vm1 =	vne.s32 v5, v7  }
0xba: {  	vm1 =	vmor vm1, vm0;
	_ =	sdelay $0x2  }
0xbb: {  	v6, _, _ =	vpop (xrf0)  }
0xbc: {  	s31 =	sadd.s32 $0x1, s31;
	v6 =	vxor.u32 $0x80000000, v6  }
0xbd: {  	p0 =	sne.s32 s31, s9;
	v6 =	vsub.s32 v4, v6  }
.Ltmp4:
0xbe: {  	[tilespmem:v5+s3+$0x0] =	vst.idx.add.s32.msk vm1, v6;
	(pc) =	sbr.rel @p0 .LBB2_1-.Ltmp4, $4  }
0xbf: {  	[hbm4b:s8+s3] =	stream.linear.scatter [tilespmem:s3], [sflag:$0x3], $0x18700, $0x38;
	[tilespmem:$0x18D40] =	vst v63  }
0xc0: {  	_ =	swait.ge [sflag:s13], $0x18700  }
0xc1: {  	[sflag:s13] =	ssyncset.done $0x0  }
0xc2: {  	[sflag:s13] =	ssyncadd.s32 $0xFFFE7900  }
0xc3: {  	_ =	sfence.sel $0x180000  }
0xc4: {  	[bflag:$0x0] =	sbarrier.arrive $0xFFFF  }
0xc5: {  	_ =	strace $0x90000047  }
0xc6: {  	s0 =	stileid.u32;
	[bflag:$0x2] =	sbarrier.arrive $0xFFFF  }
0xc7: {  	p0 =	sne.s32 s0, $0x0;
	s0 =	rddreg [dreg:$0x2]  }
0xc8: {  	s0 =	sadd.s32 @!p0 $0x100000, s0  }
0xc9: {  	[sflag:s0] =	ssyncadd.tile.s32 @!p0 $0x1;
	_ =	shalt  }
.Lfunc_end2:
_tile_overlayer_lowered:
.L_overlay_start_2:
0xca: {  	(tag) =	ssettag $0x2  }
0xcb: {  	s0 =	rddreg [dreg:$0x0];
	s2 =	stileid.u32  }
0xcc: {  	s1 =	rddreg [dreg:$0x1];
	p0 =	sne.s32 s2, $0x0  }
0xcd: {  	s3 =	rddreg [dreg:$0x2];
	[bflag:$0x3] =	sbarrier.arrive $0xFFFF;
	s2 =	simm.s32 @!p0 $0x1C03  }
0xce: {  	[timem:s3], [sflag:s2] =	dma.local @!p0 [hbm:s0], s1  }
0xcf: {  	s0 =	simm.s32 @!p0 $0x3  }
0xd0: {  	_ =	swait.ge @!p0 [sflag:s0], s1  }
0xd1: {  	s1 =	ssub.s32 @!p0 $0x0, s1;
	[sflag:s0] =	ssyncset.done @!p0 $0x0  }
0xd2: {  	[sflag:s0] =	ssyncadd.s32 @!p0 s1  }
0xd3: {  	[bflag:$0x3] =	sbarrier.arrive $0xFFFF  }
0xd4: {  	_ =	shalt  }

</sc_bundles>
